<compile_context>
chip_gen: v7x
topology: tpu7x:2x2x1
jax: 0.10.2.dev20260603
libtpu: 0.0.44.dev20260713+nightly
codegen_flags: <defaults>
</compile_context>

<pallas_src>
import functools

import jax
import jax.numpy as jnp
from jax import lax
from jax.experimental import pallas as pl
from jax.experimental.pallas import tpu as pltpu
from jax.experimental.pallas import tpu_sc as plsc

_LANES = 16
_IDX_CHUNK = 128


@jax.jit
def _embed_lookup(xcol, tableT):
    B = xcol.shape[0]
    D, V = tableT.shape
    info = plsc.get_sparse_core_info()
    NC, NS = info.num_cores, info.num_subcores
    NW = NC * NS
    b_per_w = B // NW
    n_groups = b_per_w // _LANES
    half_groups = n_groups // 2
    tiles_per_row = (V + 127) // 128
    tile_words = tiles_per_row * 1024

    mesh = plsc.VectorSubcoreMesh(core_axis_name="c", subcore_axis_name="s")

    @functools.partial(
        pl.kernel,
        out_type=jax.ShapeDtypeStruct((B, D), jnp.float32),
        mesh=mesh,
        scratch_types=[
            pltpu.VMEM((b_per_w,), jnp.int32),
            pltpu.VMEM((b_per_w * D,), jnp.int32),
            pltpu.VMEM((b_per_w * D,), jnp.float32),
            pltpu.VMEM((b_per_w, D), jnp.float32),
            pltpu.SemaphoreType.DMA,
            pltpu.SemaphoreType.DMA,
            pltpu.SemaphoreType.DMA,
        ],
        compiler_params=pltpu.CompilerParams(
            disable_bounds_checks=True,
            disable_semaphore_checks=True,
            skip_device_barrier=True,
            needs_layout_passes=False,
        ),
    )
    def k(xcol_hbm, tT_hbm, out_hbm, xv, offs, rows1, rows2, sem_a, sem_b, sem_o):
        wid = lax.axis_index("s") * NC + lax.axis_index("c")
        base = wid * b_per_w
        pltpu.sync_copy(xcol_hbm.at[pl.ds(base, b_per_w)], xv)

        ninety = jnp.full((_LANES,), 90, jnp.int32)
        c128 = jnp.full((_LANES,), 128, jnp.int32)
        c1024 = jnp.full((_LANES,), 1024, jnp.int32)

        flat = tT_hbm.at[0, pl.ds(0, _IDX_CHUNK)]

        def build_fire(g, sem):
            v = xv[pl.ds(g * _LANES, _LANES)]
            idx = lax.div(v, ninety)
            basev = lax.add(
                lax.mul(lax.div(idx, c128), c1024), lax.rem(idx, c128)
            )
            gb = g * (D * _LANES)
            for cj in range(D // 8):
                cb = gb + cj * _IDX_CHUNK
                for jl in range(8):
                    j = cj * 8 + jl
                    joff = (j // 8) * tile_words + (j % 8) * 128
                    offs[pl.ds(cb + jl * _LANES, _LANES)] = lax.add(
                        basev, jnp.full((_LANES,), joff, jnp.int32)
                    )
            pltpu.async_copy(
                flat.at[offs.at[pl.ds(gb, D * _LANES)]],
                rows1.at[pl.ds(gb, D * _LANES)],
                sem,
            )
            return 0

        lax.fori_loop(0, half_groups, lambda g, c: build_fire(g, sem_a), 0,
                      unroll=2)
        lax.fori_loop(half_groups, n_groups, lambda g, c: build_fire(g, sem_b),
                      0, unroll=2)

        half_words = half_groups * D * _LANES

        i16 = lax.iota(jnp.int32, _LANES)
        c8 = jnp.full((_LANES,), 8, jnp.int32)
        c16 = jnp.full((_LANES,), 16, jnp.int32)
        cl128 = jnp.full((_LANES,), 128, jnp.int32)
        pat0 = lax.add(
            lax.mul(lax.div(i16, c8), cl128), lax.mul(lax.rem(i16, c8), c16)
        )
        pat1 = lax.add(pat0, jnp.full((_LANES,), 256, jnp.int32))

        def expand_group(g, _):
            gb = g * (D * _LANES)
            vals = []
            for t in range(_LANES):
                sb = jnp.full((_LANES,), gb + t, jnp.int32)
                vals.append((
                    plsc.load_gather(rows1, [lax.add(pat0, sb)]),
                    plsc.load_gather(rows1, [lax.add(pat1, sb)]),
                ))
            for t, (v0, v1) in enumerate(vals):
                r = g * _LANES + t
                rows2[r, pl.ds(0, _LANES)] = v0
                rows2[r, pl.ds(_LANES, _LANES)] = v1
            return 0

        pltpu.make_async_copy(
            flat.at[pl.ds(0, half_words)], rows1.at[pl.ds(0, half_words)],
            sem_a,
        ).wait()
        lax.fori_loop(0, half_groups, expand_group, 0, unroll=2)
        out_a = pltpu.async_copy(
            rows2.at[pl.ds(0, b_per_w // 2)],
            out_hbm.at[pl.ds(base, b_per_w // 2)],
            sem_o,
        )
        pltpu.make_async_copy(
            flat.at[pl.ds(0, half_words)],
            rows1.at[pl.ds(half_words, half_words)],
            sem_b,
        ).wait()
        lax.fori_loop(half_groups, n_groups, expand_group, 0, unroll=2)
        out_b = pltpu.async_copy(
            rows2.at[pl.ds(b_per_w // 2, b_per_w // 2)],
            out_hbm.at[pl.ds(base + b_per_w // 2, b_per_w // 2)],
            sem_o,
        )
        out_a.wait()
        out_b.wait()

    return k(xcol, tableT)


def kernel(x, table):
    return _embed_lookup(x[:, 1], table.T)

# --- scband reference (transcript-rebuilt; emitter-appended) ---
"""Pipeline reference for scband-brick-embed-79525614453292 (READ-ONLY COPY).

The authoritative reference and input builder live on the scoring server;
editing this copy changes nothing except your own understanding.
"""

import jax, jax.numpy as jnp
import numpy as np

NUM_BRICKS = 1000000
DIM = 32
BATCH = 16384

def setup_inputs(seed: int = 0) -> dict:
    key = jax.random.key(seed)
    k1, k2 = jax.random.split(key)
    # x: int tensor [B, 2]; column 1 holds values in [0, 90*NUM_BRICKS) so that x[:,1]//90 < NUM_BRICKS
    x = jax.random.randint(k1, (BATCH, 2), 0, 90 * NUM_BRICKS, dtype=jnp.int32)
    # learned embedding table (nn.Embedding weight)
    table = jax.random.normal(k2, (NUM_BRICKS, DIM), dtype=jnp.float32) * 0.02
    return {"x": x, "table": table}

def reference(x, table):
    # BrickEmbed.to_idx: brick[:, 1] // 90
    idx = x[:, 1] // 90
    # nn.Embedding lookup -> gather rows
    return jnp.take(table, idx, axis=0)

if __name__ == "__main__":
    import jax
    _d = setup_inputs()
    print(jax.jit(kernel)(*tuple(_d.values())))

</pallas_src>

<mosaic_0001>
#map = affine_map<(d0, d1) -> (0)>
#map1 = affine_map<(d0, d1) -> (0, 0)>
module attributes {stable_mosaic.version = 14 : i64} {
  func.func @k(%arg0: i32, %arg1: i32, %arg2: memref<16384xi32, #tpu.memory_space<hbm>>, %arg3: memref<32x1000000xf32, #tpu.memory_space<hbm>>, %arg4: memref<16384x32xf32, #tpu.memory_space<hbm>>, %arg5: memref<512xi32, #tpu.memory_space<vmem>>, %arg6: memref<16384xi32, #tpu.memory_space<vmem>>, %arg7: memref<16384xf32, #tpu.memory_space<vmem>>, %arg8: memref<512x32xf32, #tpu.memory_space<vmem>>, %arg9: memref<!tpu.dma_semaphore, #tpu.memory_space<semaphore_mem>>, %arg10: memref<!tpu.dma_semaphore, #tpu.memory_space<semaphore_mem>>, %arg11: memref<!tpu.dma_semaphore, #tpu.memory_space<semaphore_mem>>) attributes {dimension_semantics = [#tpu.dimension_semantics<core_parallel>, #tpu.dimension_semantics<subcore_parallel>], iteration_bounds = array<i64: 2, 16>, scalar_prefetch = 0 : i64, scratch_operands = 7 : i64, tpu.core_type = #tpu.core_type<sc_vector_subcore>, window_params = [{transform_indices = #map}, {transform_indices = #map1}, {transform_indices = #map1}]} {
    %mul3A = arith.constant 2 : i32
    %mul3A_0 = arith.muli %arg1, %mul3A : i32
    %add3A = arith.addi %mul3A_0, %arg0 : i32
    %mul3A_1 = arith.constant 512 : i32
    %mul3A_2 = arith.muli %add3A, %mul3A_1 : i32
    "tpu.region"() ({
      %run_scoped3A = tpu.sem_alloc : memref<!tpu.dma_semaphore, #tpu.memory_space<semaphore_mem>>
      %dma_start3A_119 = tpu.memref_slice %arg2[%mul3A_2] : memref<16384xi32, #tpu.memory_space<hbm>> -> memref<512xi32, #tpu.memory_space<hbm>>
      %dma_start3A_120 = tpu.memref_slice %arg2[%mul3A_2] : memref<16384xi32, #tpu.memory_space<hbm>> -> memref<512xi32, #tpu.memory_space<hbm>>
      tpu.enqueue_dma source(%dma_start3A_120 : memref<512xi32, #tpu.memory_space<hbm>>) target(%arg5 : memref<512xi32, #tpu.memory_space<vmem>>) target_semaphore(%run_scoped3A : memref<!tpu.dma_semaphore, #tpu.memory_space<semaphore_mem>>)
      %dma_wait3A_121 = tpu.memref_slice %arg2[%mul3A_2] : memref<16384xi32, #tpu.memory_space<hbm>> -> memref<512xi32, #tpu.memory_space<hbm>>
      %dma_wait3A_122 = tpu.memref_slice %arg2[%mul3A_2] : memref<16384xi32, #tpu.memory_space<hbm>> -> memref<512xi32, #tpu.memory_space<hbm>>
      tpu.wait_dma2 semaphore(%run_scoped3A : memref<!tpu.dma_semaphore, #tpu.memory_space<semaphore_mem>>) src(%dma_wait3A_122 : memref<512xi32, #tpu.memory_space<hbm>>) dst(%arg5 : memref<512xi32, #tpu.memory_space<vmem>>)
      tpu.yield
    }) : () -> ()
    %broadcast_in_dim3A = arith.constant 90 : i32
    %broadcast_in_dim3A_3 = vector.broadcast %broadcast_in_dim3A : i32 to vector<16xi32>
    %broadcast_in_dim3A_4 = arith.constant 128 : i32
    %broadcast_in_dim3A_5 = vector.broadcast %broadcast_in_dim3A_4 : i32 to vector<16xi32>
    %broadcast_in_dim3A_6 = arith.constant 1024 : i32
    %broadcast_in_dim3A_7 = vector.broadcast %broadcast_in_dim3A_6 : i32 to vector<16xi32>
    %scan3A = arith.constant 0 : i32
    %scan3A_8 = arith.constant 0 : i32
    %scan3A_9 = arith.constant 0 : i32
    %scan3A_10 = arith.constant 16 : i32
    %scan3A_11 = arith.addi %scan3A_9, %scan3A_10 : i32
    %scan3A_12 = arith.constant 2 : i32
    %scan3A_13 = scf.for %scan3A_119 = %scan3A_9 to %scan3A_11 step %scan3A_12 iter_args(%scan3A_120 = %scan3A_8) -> (i32)  : i32 {
      %mul3A_121 = arith.constant 16 : i32
      %mul3A_122 = arith.muli %scan3A_119, %mul3A_121 : i32
      %get3A = arith.index_cast %mul3A_122 : i32 to index
      %get3A_123 = tpu.vector_load %arg5[%get3A] {strides = array<i32>} : memref<512xi32, #tpu.memory_space<vmem>>, vector<16xi32>,
      %div3A_124 = arith.divsi %get3A_123, %broadcast_in_dim3A_3 : vector<16xi32>
      %div3A_125 = arith.divsi %div3A_124, %broadcast_in_dim3A_5 : vector<16xi32>
      %mul3A_126 = arith.muli %div3A_125, %broadcast_in_dim3A_7 : vector<16xi32>
      %rem3A_127 = arith.remsi %div3A_124, %broadcast_in_dim3A_5 : vector<16xi32>
      %add3A_128 = arith.addi %mul3A_126, %rem3A_127 : vector<16xi32>
      %mul3A_129 = arith.constant 512 : i32
      %mul3A_130 = arith.muli %scan3A_119, %mul3A_129 : i32
      %add3A_131 = arith.constant 0 : i32
      %add3A_132 = arith.addi %mul3A_130, %add3A_131 : i32
      %broadcast_in_dim3A_133 = arith.constant 0 : i32
      %broadcast_in_dim3A_134 = vector.broadcast %broadcast_in_dim3A_133 : i32 to vector<16xi32>
      %add3A_135 = arith.addi %add3A_128, %broadcast_in_dim3A_134 : vector<16xi32>
      %add3A_136 = arith.constant 0 : i32
      %add3A_137 = arith.addi %add3A_132, %add3A_136 : i32
      %swap3A = arith.index_cast %add3A_137 : i32 to index
      %swap3A_138 = tpu.vector_load %arg6[%swap3A] {strides = array<i32>} : memref<16384xi32, #tpu.memory_space<vmem>>, vector<16xi32>,
      tpu.vector_store %arg6[%swap3A], %add3A_135 {strides = array<i32>} : memref<16384xi32, #tpu.memory_space<vmem>>, vector<16xi32>,
      %broadcast_in_dim3A_139 = arith.constant 128 : i32
      %broadcast_in_dim3A_140 = vector.broadcast %broadcast_in_dim3A_139 : i32 to vector<16xi32>
      %add3A_141 = arith.addi %add3A_128, %broadcast_in_dim3A_140 : vector<16xi32>
      %add3A_142 = arith.constant 16 : i32
      %add3A_143 = arith.addi %add3A_132, %add3A_142 : i32
      %swap3A_144 = arith.index_cast %add3A_143 : i32 to index
      %swap3A_145 = tpu.vector_load %arg6[%swap3A_144] {strides = array<i32>} : memref<16384xi32, #tpu.memory_space<vmem>>, vector<16xi32>,
      tpu.vector_store %arg6[%swap3A_144], %add3A_141 {strides = array<i32>} : memref<16384xi32, #tpu.memory_space<vmem>>, vector<16xi32>,
      %broadcast_in_dim3A_146 = arith.constant 256 : i32
      %broadcast_in_dim3A_147 = vector.broadcast %broadcast_in_dim3A_146 : i32 to vector<16xi32>
      %add3A_148 = arith.addi %add3A_128, %broadcast_in_dim3A_147 : vector<16xi32>
      %add3A_149 = arith.constant 32 : i32
      %add3A_150 = arith.addi %add3A_132, %add3A_149 : i32
      %swap3A_151 = arith.index_cast %add3A_150 : i32 to index
      %swap3A_152 = tpu.vector_load %arg6[%swap3A_151] {strides = array<i32>} : memref<16384xi32, #tpu.memory_space<vmem>>, vector<16xi32>,
      tpu.vector_store %arg6[%swap3A_151], %add3A_148 {strides = array<i32>} : memref<16384xi32, #tpu.memory_space<vmem>>, vector<16xi32>,
      %broadcast_in_dim3A_153 = arith.constant 384 : i32
      %broadcast_in_dim3A_154 = vector.broadcast %broadcast_in_dim3A_153 : i32 to vector<16xi32>
      %add3A_155 = arith.addi %add3A_128, %broadcast_in_dim3A_154 : vector<16xi32>
      %add3A_156 = arith.constant 48 : i32
      %add3A_157 = arith.addi %add3A_132, %add3A_156 : i32
      %swap3A_158 = arith.index_cast %add3A_157 : i32 to index
      %swap3A_159 = tpu.vector_load %arg6[%swap3A_158] {strides = array<i32>} : memref<16384xi32, #tpu.memory_space<vmem>>, vector<16xi32>,
      tpu.vector_store %arg6[%swap3A_158], %add3A_155 {strides = array<i32>} : memref<16384xi32, #tpu.memory_space<vmem>>, vector<16xi32>,
      %broadcast_in_dim3A_160 = arith.constant 512 : i32
      %broadcast_in_dim3A_161 = vector.broadcast %broadcast_in_dim3A_160 : i32 to vector<16xi32>
      %add3A_162 = arith.addi %add3A_128, %broadcast_in_dim3A_161 : vector<16xi32>
      %add3A_163 = arith.constant 64 : i32
      %add3A_164 = arith.addi %add3A_132, %add3A_163 : i32
      %swap3A_165 = arith.index_cast %add3A_164 : i32 to index
      %swap3A_166 = tpu.vector_load %arg6[%swap3A_165] {strides = array<i32>} : memref<16384xi32, #tpu.memory_space<vmem>>, vector<16xi32>,
      tpu.vector_store %arg6[%swap3A_165], %add3A_162 {strides = array<i32>} : memref<16384xi32, #tpu.memory_space<vmem>>, vector<16xi32>,
      %broadcast_in_dim3A_167 = arith.constant 640 : i32
      %broadcast_in_dim3A_168 = vector.broadcast %broadcast_in_dim3A_167 : i32 to vector<16xi32>
      %add3A_169 = arith.addi %add3A_128, %broadcast_in_dim3A_168 : vector<16xi32>
      %add3A_170 = arith.constant 80 : i32
      %add3A_171 = arith.addi %add3A_132, %add3A_170 : i32
      %swap3A_172 = arith.index_cast %add3A_171 : i32 to index
      %swap3A_173 = tpu.vector_load %arg6[%swap3A_172] {strides = array<i32>} : memref<16384xi32, #tpu.memory_space<vmem>>, vector<16xi32>,
      tpu.vector_store %arg6[%swap3A_172], %add3A_169 {strides = array<i32>} : memref<16384xi32, #tpu.memory_space<vmem>>, vector<16xi32>,
      %broadcast_in_dim3A_174 = arith.constant 768 : i32
      %broadcast_in_dim3A_175 = vector.broadcast %broadcast_in_dim3A_174 : i32 to vector<16xi32>
      %add3A_176 = arith.addi %add3A_128, %broadcast_in_dim3A_175 : vector<16xi32>
      %add3A_177 = arith.constant 96 : i32
      %add3A_178 = arith.addi %add3A_132, %add3A_177 : i32
      %swap3A_179 = arith.index_cast %add3A_178 : i32 to index
      %swap3A_180 = tpu.vector_load %arg6[%swap3A_179] {strides = array<i32>} : memref<16384xi32, #tpu.memory_space<vmem>>, vector<16xi32>,
      tpu.vector_store %arg6[%swap3A_179], %add3A_176 {strides = array<i32>} : memref<16384xi32, #tpu.memory_space<vmem>>, vector<16xi32>,
      %broadcast_in_dim3A_181 = arith.constant 896 : i32
      %broadcast_in_dim3A_182 = vector.broadcast %broadcast_in_dim3A_181 : i32 to vector<16xi32>
      %add3A_183 = arith.addi %add3A_128, %broadcast_in_dim3A_182 : vector<16xi32>
      %add3A_184 = arith.constant 112 : i32
      %add3A_185 = arith.addi %add3A_132, %add3A_184 : i32
      %swap3A_186 = arith.index_cast %add3A_185 : i32 to index
      %swap3A_187 = tpu.vector_load %arg6[%swap3A_186] {strides = array<i32>} : memref<16384xi32, #tpu.memory_space<vmem>>, vector<16xi32>,
      tpu.vector_store %arg6[%swap3A_186], %add3A_183 {strides = array<i32>} : memref<16384xi32, #tpu.memory_space<vmem>>, vector<16xi32>,
      %add3A_188 = arith.constant 128 : i32
      %add3A_189 = arith.addi %mul3A_130, %add3A_188 : i32
      %broadcast_in_dim3A_190 = arith.constant 8000512 : i32
      %broadcast_in_dim3A_191 = vector.broadcast %broadcast_in_dim3A_190 : i32 to vector<16xi32>
      %add3A_192 = arith.addi %add3A_128, %broadcast_in_dim3A_191 : vector<16xi32>
      %add3A_193 = arith.constant 0 : i32
      %add3A_194 = arith.addi %add3A_189, %add3A_193 : i32
      %swap3A_195 = arith.index_cast %add3A_194 : i32 to index
      %swap3A_196 = tpu.vector_load %arg6[%swap3A_195] {strides = array<i32>} : memref<16384xi32, #tpu.memory_space<vmem>>, vector<16xi32>,
      tpu.vector_store %arg6[%swap3A_195], %add3A_192 {strides = array<i32>} : memref<16384xi32, #tpu.memory_space<vmem>>, vector<16xi32>,
      %broadcast_in_dim3A_197 = arith.constant 8000640 : i32
      %broadcast_in_dim3A_198 = vector.broadcast %broadcast_in_dim3A_197 : i32 to vector<16xi32>
      %add3A_199 = arith.addi %add3A_128, %broadcast_in_dim3A_198 : vector<16xi32>
      %add3A_200 = arith.constant 16 : i32
      %add3A_201 = arith.addi %add3A_189, %add3A_200 : i32
      %swap3A_202 = arith.index_cast %add3A_201 : i32 to index
      %swap3A_203 = tpu.vector_load %arg6[%swap3A_202] {strides = array<i32>} : memref<16384xi32, #tpu.memory_space<vmem>>, vector<16xi32>,
      tpu.vector_store %arg6[%swap3A_202], %add3A_199 {strides = array<i32>} : memref<16384xi32, #tpu.memory_space<vmem>>, vector<16xi32>,
      %broadcast_in_dim3A_204 = arith.constant 8000768 : i32
      %broadcast_in_dim3A_205 = vector.broadcast %broadcast_in_dim3A_204 : i32 to vector<16xi32>
      %add3A_206 = arith.addi %add3A_128, %broadcast_in_dim3A_205 : vector<16xi32>
      %add3A_207 = arith.constant 32 : i32
      %add3A_208 = arith.addi %add3A_189, %add3A_207 : i32
      %swap3A_209 = arith.index_cast %add3A_208 : i32 to index
      %swap3A_210 = tpu.vector_load %arg6[%swap3A_209] {strides = array<i32>} : memref<16384xi32, #tpu.memory_space<vmem>>, vector<16xi32>,
      tpu.vector_store %arg6[%swap3A_209], %add3A_206 {strides = array<i32>} : memref<16384xi32, #tpu.memory_space<vmem>>, vector<16xi32>,
      %broadcast_in_dim3A_211 = arith.constant 8000896 : i32
      %broadcast_in_dim3A_212 = vector.broadcast %broadcast_in_dim3A_211 : i32 to vector<16xi32>
      %add3A_213 = arith.addi %add3A_128, %broadcast_in_dim3A_212 : vector<16xi32>
      %add3A_214 = arith.constant 48 : i32
      %add3A_215 = arith.addi %add3A_189, %add3A_214 : i32
      %swap3A_216 = arith.index_cast %add3A_215 : i32 to index
      %swap3A_217 = tpu.vector_load %arg6[%swap3A_216] {strides = array<i32>} : memref<16384xi32, #tpu.memory_space<vmem>>, vector<16xi32>,
      tpu.vector_store %arg6[%swap3A_216], %add3A_213 {strides = array<i32>} : memref<16384xi32, #tpu.memory_space<vmem>>, vector<16xi32>,
      %broadcast_in_dim3A_218 = arith.constant 8001024 : i32
      %broadcast_in_dim3A_219 = vector.broadcast %broadcast_in_dim3A_218 : i32 to vector<16xi32>
      %add3A_220 = arith.addi %add3A_128, %broadcast_in_dim3A_219 : vector<16xi32>
      %add3A_221 = arith.constant 64 : i32
      %add3A_222 = arith.addi %add3A_189, %add3A_221 : i32
      %swap3A_223 = arith.index_cast %add3A_222 : i32 to index
      %swap3A_224 = tpu.vector_load %arg6[%swap3A_223] {strides = array<i32>} : memref<16384xi32, #tpu.memory_space<vmem>>, vector<16xi32>,
      tpu.vector_store %arg6[%swap3A_223], %add3A_220 {strides = array<i32>} : memref<16384xi32, #tpu.memory_space<vmem>>, vector<16xi32>,
      %broadcast_in_dim3A_225 = arith.constant 8001152 : i32
      %broadcast_in_dim3A_226 = vector.broadcast %broadcast_in_dim3A_225 : i32 to vector<16xi32>
      %add3A_227 = arith.addi %add3A_128, %broadcast_in_dim3A_226 : vector<16xi32>
      %add3A_228 = arith.constant 80 : i32
      %add3A_229 = arith.addi %add3A_189, %add3A_228 : i32
      %swap3A_230 = arith.index_cast %add3A_229 : i32 to index
      %swap3A_231 = tpu.vector_load %arg6[%swap3A_230] {strides = array<i32>} : memref<16384xi32, #tpu.memory_space<vmem>>, vector<16xi32>,
      tpu.vector_store %arg6[%swap3A_230], %add3A_227 {strides = array<i32>} : memref<16384xi32, #tpu.memory_space<vmem>>, vector<16xi32>,
      %broadcast_in_dim3A_232 = arith.constant 8001280 : i32
      %broadcast_in_dim3A_233 = vector.broadcast %broadcast_in_dim3A_232 : i32 to vector<16xi32>
      %add3A_234 = arith.addi %add3A_128, %broadcast_in_dim3A_233 : vector<16xi32>
      %add3A_235 = arith.constant 96 : i32
      %add3A_236 = arith.addi %add3A_189, %add3A_235 : i32
      %swap3A_237 = arith.index_cast %add3A_236 : i32 to index
      %swap3A_238 = tpu.vector_load %arg6[%swap3A_237] {strides = array<i32>} : memref<16384xi32, #tpu.memory_space<vmem>>, vector<16xi32>,
      tpu.vector_store %arg6[%swap3A_237], %add3A_234 {strides = array<i32>} : memref<16384xi32, #tpu.memory_space<vmem>>, vector<16xi32>,
      %broadcast_in_dim3A_239 = arith.constant 8001408 : i32
      %broadcast_in_dim3A_240 = vector.broadcast %broadcast_in_dim3A_239 : i32 to vector<16xi32>
      %add3A_241 = arith.addi %add3A_128, %broadcast_in_dim3A_240 : vector<16xi32>
      %add3A_242 = arith.constant 112 : i32
      %add3A_243 = arith.addi %add3A_189, %add3A_242 : i32
      %swap3A_244 = arith.index_cast %add3A_243 : i32 to index
      %swap3A_245 = tpu.vector_load %arg6[%swap3A_244] {strides = array<i32>} : memref<16384xi32, #tpu.memory_space<vmem>>, vector<16xi32>,
      tpu.vector_store %arg6[%swap3A_244], %add3A_241 {strides = array<i32>} : memref<16384xi32, #tpu.memory_space<vmem>>, vector<16xi32>,
      %add3A_246 = arith.constant 256 : i32
      %add3A_247 = arith.addi %mul3A_130, %add3A_246 : i32
      %broadcast_in_dim3A_248 = arith.constant 16001024 : i32
      %broadcast_in_dim3A_249 = vector.broadcast %broadcast_in_dim3A_248 : i32 to vector<16xi32>
      %add3A_250 = arith.addi %add3A_128, %broadcast_in_dim3A_249 : vector<16xi32>
      %add3A_251 = arith.constant 0 : i32
      %add3A_252 = arith.addi %add3A_247, %add3A_251 : i32
      %swap3A_253 = arith.index_cast %add3A_252 : i32 to index
      %swap3A_254 = tpu.vector_load %arg6[%swap3A_253] {strides = array<i32>} : memref<16384xi32, #tpu.memory_space<vmem>>, vector<16xi32>,
      tpu.vector_store %arg6[%swap3A_253], %add3A_250 {strides = array<i32>} : memref<16384xi32, #tpu.memory_space<vmem>>, vector<16xi32>,
      %broadcast_in_dim3A_255 = arith.constant 16001152 : i32
      %broadcast_in_dim3A_256 = vector.broadcast %broadcast_in_dim3A_255 : i32 to vector<16xi32>
      %add3A_257 = arith.addi %add3A_128, %broadcast_in_dim3A_256 : vector<16xi32>
      %add3A_258 = arith.constant 16 : i32
      %add3A_259 = arith.addi %add3A_247, %add3A_258 : i32
      %swap3A_260 = arith.index_cast %add3A_259 : i32 to index
      %swap3A_261 = tpu.vector_load %arg6[%swap3A_260] {strides = array<i32>} : memref<16384xi32, #tpu.memory_space<vmem>>, vector<16xi32>,
      tpu.vector_store %arg6[%swap3A_260], %add3A_257 {strides = array<i32>} : memref<16384xi32, #tpu.memory_space<vmem>>, vector<16xi32>,
      %broadcast_in_dim3A_262 = arith.constant 16001280 : i32
      %broadcast_in_dim3A_263 = vector.broadcast %broadcast_in_dim3A_262 : i32 to vector<16xi32>
      %add3A_264 = arith.addi %add3A_128, %broadcast_in_dim3A_263 : vector<16xi32>
      %add3A_265 = arith.constant 32 : i32
      %add3A_266 = arith.addi %add3A_247, %add3A_265 : i32
      %swap3A_267 = arith.index_cast %add3A_266 : i32 to index
      %swap3A_268 = tpu.vector_load %arg6[%swap3A_267] {strides = array<i32>} : memref<16384xi32, #tpu.memory_space<vmem>>, vector<16xi32>,
      tpu.vector_store %arg6[%swap3A_267], %add3A_264 {strides = array<i32>} : memref<16384xi32, #tpu.memory_space<vmem>>, vector<16xi32>,
      %broadcast_in_dim3A_269 = arith.constant 16001408 : i32
      %broadcast_in_dim3A_270 = vector.broadcast %broadcast_in_dim3A_269 : i32 to vector<16xi32>
      %add3A_271 = arith.addi %add3A_128, %broadcast_in_dim3A_270 : vector<16xi32>
      %add3A_272 = arith.constant 48 : i32
      %add3A_273 = arith.addi %add3A_247, %add3A_272 : i32
      %swap3A_274 = arith.index_cast %add3A_273 : i32 to index
      %swap3A_275 = tpu.vector_load %arg6[%swap3A_274] {strides = array<i32>} : memref<16384xi32, #tpu.memory_space<vmem>>, vector<16xi32>,
      tpu.vector_store %arg6[%swap3A_274], %add3A_271 {strides = array<i32>} : memref<16384xi32, #tpu.memory_space<vmem>>, vector<16xi32>,
      %broadcast_in_dim3A_276 = arith.constant 16001536 : i32
      %broadcast_in_dim3A_277 = vector.broadcast %broadcast_in_dim3A_276 : i32 to vector<16xi32>
      %add3A_278 = arith.addi %add3A_128, %broadcast_in_dim3A_277 : vector<16xi32>
      %add3A_279 = arith.constant 64 : i32
      %add3A_280 = arith.addi %add3A_247, %add3A_279 : i32
      %swap3A_281 = arith.index_cast %add3A_280 : i32 to index
      %swap3A_282 = tpu.vector_load %arg6[%swap3A_281] {strides = array<i32>} : memref<16384xi32, #tpu.memory_space<vmem>>, vector<16xi32>,
      tpu.vector_store %arg6[%swap3A_281], %add3A_278 {strides = array<i32>} : memref<16384xi32, #tpu.memory_space<vmem>>, vector<16xi32>,
      %broadcast_in_dim3A_283 = arith.constant 16001664 : i32
      %broadcast_in_dim3A_284 = vector.broadcast %broadcast_in_dim3A_283 : i32 to vector<16xi32>
      %add3A_285 = arith.addi %add3A_128, %broadcast_in_dim3A_284 : vector<16xi32>
      %add3A_286 = arith.constant 80 : i32
      %add3A_287 = arith.addi %add3A_247, %add3A_286 : i32
      %swap3A_288 = arith.index_cast %add3A_287 : i32 to index
      %swap3A_289 = tpu.vector_load %arg6[%swap3A_288] {strides = array<i32>} : memref<16384xi32, #tpu.memory_space<vmem>>, vector<16xi32>,
      tpu.vector_store %arg6[%swap3A_288], %add3A_285 {strides = array<i32>} : memref<16384xi32, #tpu.memory_space<vmem>>, vector<16xi32>,
      %broadcast_in_dim3A_290 = arith.constant 16001792 : i32
      %broadcast_in_dim3A_291 = vector.broadcast %broadcast_in_dim3A_290 : i32 to vector<16xi32>
      %add3A_292 = arith.addi %add3A_128, %broadcast_in_dim3A_291 : vector<16xi32>
      %add3A_293 = arith.constant 96 : i32
      %add3A_294 = arith.addi %add3A_247, %add3A_293 : i32
      %swap3A_295 = arith.index_cast %add3A_294 : i32 to index
      %swap3A_296 = tpu.vector_load %arg6[%swap3A_295] {strides = array<i32>} : memref<16384xi32, #tpu.memory_space<vmem>>, vector<16xi32>,
      tpu.vector_store %arg6[%swap3A_295], %add3A_292 {strides = array<i32>} : memref<16384xi32, #tpu.memory_space<vmem>>, vector<16xi32>,
      %broadcast_in_dim3A_297 = arith.constant 16001920 : i32
      %broadcast_in_dim3A_298 = vector.broadcast %broadcast_in_dim3A_297 : i32 to vector<16xi32>
      %add3A_299 = arith.addi %add3A_128, %broadcast_in_dim3A_298 : vector<16xi32>
      %add3A_300 = arith.constant 112 : i32
      %add3A_301 = arith.addi %add3A_247, %add3A_300 : i32
      %swap3A_302 = arith.index_cast %add3A_301 : i32 to index
      %swap3A_303 = tpu.vector_load %arg6[%swap3A_302] {strides = array<i32>} : memref<16384xi32, #tpu.memory_space<vmem>>, vector<16xi32>,
      tpu.vector_store %arg6[%swap3A_302], %add3A_299 {strides = array<i32>} : memref<16384xi32, #tpu.memory_space<vmem>>, vector<16xi32>,
      %add3A_304 = arith.constant 384 : i32
      %add3A_305 = arith.addi %mul3A_130, %add3A_304 : i32
      %broadcast_in_dim3A_306 = arith.constant 24001536 : i32
      %broadcast_in_dim3A_307 = vector.broadcast %broadcast_in_dim3A_306 : i32 to vector<16xi32>
      %add3A_308 = arith.addi %add3A_128, %broadcast_in_dim3A_307 : vector<16xi32>
      %add3A_309 = arith.constant 0 : i32
      %add3A_310 = arith.addi %add3A_305, %add3A_309 : i32
      %swap3A_311 = arith.index_cast %add3A_310 : i32 to index
      %swap3A_312 = tpu.vector_load %arg6[%swap3A_311] {strides = array<i32>} : memref<16384xi32, #tpu.memory_space<vmem>>, vector<16xi32>,
      tpu.vector_store %arg6[%swap3A_311], %add3A_308 {strides = array<i32>} : memref<16384xi32, #tpu.memory_space<vmem>>, vector<16xi32>,
      %broadcast_in_dim3A_313 = arith.constant 24001664 : i32
      %broadcast_in_dim3A_314 = vector.broadcast %broadcast_in_dim3A_313 : i32 to vector<16xi32>
      %add3A_315 = arith.addi %add3A_128, %broadcast_in_dim3A_314 : vector<16xi32>
      %add3A_316 = arith.constant 16 : i32
      %add3A_317 = arith.addi %add3A_305, %add3A_316 : i32
      %swap3A_318 = arith.index_cast %add3A_317 : i32 to index
      %swap3A_319 = tpu.vector_load %arg6[%swap3A_318] {strides = array<i32>} : memref<16384xi32, #tpu.memory_space<vmem>>, vector<16xi32>,
      tpu.vector_store %arg6[%swap3A_318], %add3A_315 {strides = array<i32>} : memref<16384xi32, #tpu.memory_space<vmem>>, vector<16xi32>,
      %broadcast_in_dim3A_320 = arith.constant 24001792 : i32
      %broadcast_in_dim3A_321 = vector.broadcast %broadcast_in_dim3A_320 : i32 to vector<16xi32>
      %add3A_322 = arith.addi %add3A_128, %broadcast_in_dim3A_321 : vector<16xi32>
      %add3A_323 = arith.constant 32 : i32
      %add3A_324 = arith.addi %add3A_305, %add3A_323 : i32
      %swap3A_325 = arith.index_cast %add3A_324 : i32 to index
      %swap3A_326 = tpu.vector_load %arg6[%swap3A_325] {strides = array<i32>} : memref<16384xi32, #tpu.memory_space<vmem>>, vector<16xi32>,
      tpu.vector_store %arg6[%swap3A_325], %add3A_322 {strides = array<i32>} : memref<16384xi32, #tpu.memory_space<vmem>>, vector<16xi32>,
      %broadcast_in_dim3A_327 = arith.constant 24001920 : i32
      %broadcast_in_dim3A_328 = vector.broadcast %broadcast_in_dim3A_327 : i32 to vector<16xi32>
      %add3A_329 = arith.addi %add3A_128, %broadcast_in_dim3A_328 : vector<16xi32>
      %add3A_330 = arith.constant 48 : i32
      %add3A_331 = arith.addi %add3A_305, %add3A_330 : i32
      %swap3A_332 = arith.index_cast %add3A_331 : i32 to index
      %swap3A_333 = tpu.vector_load %arg6[%swap3A_332] {strides = array<i32>} : memref<16384xi32, #tpu.memory_space<vmem>>, vector<16xi32>,
      tpu.vector_store %arg6[%swap3A_332], %add3A_329 {strides = array<i32>} : memref<16384xi32, #tpu.memory_space<vmem>>, vector<16xi32>,
      %broadcast_in_dim3A_334 = arith.constant 24002048 : i32
      %broadcast_in_dim3A_335 = vector.broadcast %broadcast_in_dim3A_334 : i32 to vector<16xi32>
      %add3A_336 = arith.addi %add3A_128, %broadcast_in_dim3A_335 : vector<16xi32>
      %add3A_337 = arith.constant 64 : i32
      %add3A_338 = arith.addi %add3A_305, %add3A_337 : i32
      %swap3A_339 = arith.index_cast %add3A_338 : i32 to index
      %swap3A_340 = tpu.vector_load %arg6[%swap3A_339] {strides = array<i32>} : memref<16384xi32, #tpu.memory_space<vmem>>, vector<16xi32>,
      tpu.vector_store %arg6[%swap3A_339], %add3A_336 {strides = array<i32>} : memref<16384xi32, #tpu.memory_space<vmem>>, vector<16xi32>,
      %broadcast_in_dim3A_341 = arith.constant 24002176 : i32
      %broadcast_in_dim3A_342 = vector.broadcast %broadcast_in_dim3A_341 : i32 to vector<16xi32>
      %add3A_343 = arith.addi %add3A_128, %broadcast_in_dim3A_342 : vector<16xi32>
      %add3A_344 = arith.constant 80 : i32
      %add3A_345 = arith.addi %add3A_305, %add3A_344 : i32
      %swap3A_346 = arith.index_cast %add3A_345 : i32 to index
      %swap3A_347 = tpu.vector_load %arg6[%swap3A_346] {strides = array<i32>} : memref<16384xi32, #tpu.memory_space<vmem>>, vector<16xi32>,
      tpu.vector_store %arg6[%swap3A_346], %add3A_343 {strides = array<i32>} : memref<16384xi32, #tpu.memory_space<vmem>>, vector<16xi32>,
      %broadcast_in_dim3A_348 = arith.constant 24002304 : i32
      %broadcast_in_dim3A_349 = vector.broadcast %broadcast_in_dim3A_348 : i32 to vector<16xi32>
      %add3A_350 = arith.addi %add3A_128, %broadcast_in_dim3A_349 : vector<16xi32>
      %add3A_351 = arith.constant 96 : i32
      %add3A_352 = arith.addi %add3A_305, %add3A_351 : i32
      %swap3A_353 = arith.index_cast %add3A_352 : i32 to index
      %swap3A_354 = tpu.vector_load %arg6[%swap3A_353] {strides = array<i32>} : memref<16384xi32, #tpu.memory_space<vmem>>, vector<16xi32>,
      tpu.vector_store %arg6[%swap3A_353], %add3A_350 {strides = array<i32>} : memref<16384xi32, #tpu.memory_space<vmem>>, vector<16xi32>,
      %broadcast_in_dim3A_355 = arith.constant 24002432 : i32
      %broadcast_in_dim3A_356 = vector.broadcast %broadcast_in_dim3A_355 : i32 to vector<16xi32>
      %add3A_357 = arith.addi %add3A_128, %broadcast_in_dim3A_356 : vector<16xi32>
      %add3A_358 = arith.constant 112 : i32
      %add3A_359 = arith.addi %add3A_305, %add3A_358 : i32
      %swap3A_360 = arith.index_cast %add3A_359 : i32 to index
      %swap3A_361 = tpu.vector_load %arg6[%swap3A_360] {strides = array<i32>} : memref<16384xi32, #tpu.memory_space<vmem>>, vector<16xi32>,
      tpu.vector_store %arg6[%swap3A_360], %add3A_357 {strides = array<i32>} : memref<16384xi32, #tpu.memory_space<vmem>>, vector<16xi32>,
      %dma_start3A_362 = tpu.memref_slice %arg7[%mul3A_130] : memref<16384xf32, #tpu.memory_space<vmem>> -> memref<512xf32, #tpu.memory_space<vmem>>
      %dma_start3A_363 = tpu.memref_slice %arg6[%mul3A_130] : memref<16384xi32, #tpu.memory_space<vmem>> -> memref<512xi32, #tpu.memory_space<vmem>>
      %dma_start3A_364 = arith.constant 0 : i32
      %dma_start3A_365 = tpu.memref_slice %arg3[%scan3A, %dma_start3A_364] : memref<32x1000000xf32, #tpu.memory_space<hbm>> -> memref<1x128xf32, #tpu.memory_space<hbm>>
      %dma_start3A_366 = tpu.memref_squeeze %dma_start3A_365 : memref<1x128xf32, #tpu.memory_space<hbm>> -> memref<128xf32, #tpu.memory_space<hbm>>
      %dma_start3A_367 = arith.constant 0 : i32
      %dma_start3A_368 = tpu.memref_slice %dma_start3A_366[%dma_start3A_367] : memref<128xf32, #tpu.memory_space<hbm>> -> memref<128xf32, #tpu.memory_space<hbm>>
      tpu.enqueue_indirect_dma source(%dma_start3A_368 : memref<128xf32, #tpu.memory_space<hbm>>) target(%dma_start3A_362 : memref<512xf32, #tpu.memory_space<vmem>>) offsets(%dma_start3A_363 : memref<512xi32, #tpu.memory_space<vmem>>) semaphore(%arg9 : memref<!tpu.dma_semaphore, #tpu.memory_space<semaphore_mem>>)
      %scan3A_369 = arith.constant 0 : i32
      %scan3A_370 = arith.constant 1 : i32
      %scan3A_371 = arith.addi %scan3A_119, %scan3A_370 : i32
      %mul3A_372 = arith.constant 16 : i32
      %mul3A_373 = arith.muli %scan3A_371, %mul3A_372 : i32
      %get3A_374 = arith.index_cast %mul3A_373 : i32 to index
      %get3A_375 = tpu.vector_load %arg5[%get3A_374] {strides = array<i32>} : memref<512xi32, #tpu.memory_space<vmem>>, vector<16xi32>,
      %div3A_376 = arith.divsi %get3A_375, %broadcast_in_dim3A_3 : vector<16xi32>
      %div3A_377 = arith.divsi %div3A_376, %broadcast_in_dim3A_5 : vector<16xi32>
      %mul3A_378 = arith.muli %div3A_377, %broadcast_in_dim3A_7 : vector<16xi32>
      %rem3A_379 = arith.remsi %div3A_376, %broadcast_in_dim3A_5 : vector<16xi32>
      %add3A_380 = arith.addi %mul3A_378, %rem3A_379 : vector<16xi32>
      %mul3A_381 = arith.constant 512 : i32
      %mul3A_382 = arith.muli %scan3A_371, %mul3A_381 : i32
      %add3A_383 = arith.constant 0 : i32
      %add3A_384 = arith.addi %mul3A_382, %add3A_383 : i32
      %broadcast_in_dim3A_385 = arith.constant 0 : i32
      %broadcast_in_dim3A_386 = vector.broadcast %broadcast_in_dim3A_385 : i32 to vector<16xi32>
      %add3A_387 = arith.addi %add3A_380, %broadcast_in_dim3A_386 : vector<16xi32>
      %add3A_388 = arith.constant 0 : i32
      %add3A_389 = arith.addi %add3A_384, %add3A_388 : i32
      %swap3A_390 = arith.index_cast %add3A_389 : i32 to index
      %swap3A_391 = tpu.vector_load %arg6[%swap3A_390] {strides = array<i32>} : memref<16384xi32, #tpu.memory_space<vmem>>, vector<16xi32>,
      tpu.vector_store %arg6[%swap3A_390], %add3A_387 {strides = array<i32>} : memref<16384xi32, #tpu.memory_space<vmem>>, vector<16xi32>,
      %broadcast_in_dim3A_392 = arith.constant 128 : i32
      %broadcast_in_dim3A_393 = vector.broadcast %broadcast_in_dim3A_392 : i32 to vector<16xi32>
      %add3A_394 = arith.addi %add3A_380, %broadcast_in_dim3A_393 : vector<16xi32>
      %add3A_395 = arith.constant 16 : i32
      %add3A_396 = arith.addi %add3A_384, %add3A_395 : i32
      %swap3A_397 = arith.index_cast %add3A_396 : i32 to index
      %swap3A_398 = tpu.vector_load %arg6[%swap3A_397] {strides = array<i32>} : memref<16384xi32, #tpu.memory_space<vmem>>, vector<16xi32>,
      tpu.vector_store %arg6[%swap3A_397], %add3A_394 {strides = array<i32>} : memref<16384xi32, #tpu.memory_space<vmem>>, vector<16xi32>,
      %broadcast_in_dim3A_399 = arith.constant 256 : i32
      %broadcast_in_dim3A_400 = vector.broadcast %broadcast_in_dim3A_399 : i32 to vector<16xi32>
      %add3A_401 = arith.addi %add3A_380, %broadcast_in_dim3A_400 : vector<16xi32>
      %add3A_402 = arith.constant 32 : i32
      %add3A_403 = arith.addi %add3A_384, %add3A_402 : i32
      %swap3A_404 = arith.index_cast %add3A_403 : i32 to index
      %swap3A_405 = tpu.vector_load %arg6[%swap3A_404] {strides = array<i32>} : memref<16384xi32, #tpu.memory_space<vmem>>, vector<16xi32>,
      tpu.vector_store %arg6[%swap3A_404], %add3A_401 {strides = array<i32>} : memref<16384xi32, #tpu.memory_space<vmem>>, vector<16xi32>,
      %broadcast_in_dim3A_406 = arith.constant 384 : i32
      %broadcast_in_dim3A_407 = vector.broadcast %broadcast_in_dim3A_406 : i32 to vector<16xi32>
      %add3A_408 = arith.addi %add3A_380, %broadcast_in_dim3A_407 : vector<16xi32>
      %add3A_409 = arith.constant 48 : i32
      %add3A_410 = arith.addi %add3A_384, %add3A_409 : i32
      %swap3A_411 = arith.index_cast %add3A_410 : i32 to index
      %swap3A_412 = tpu.vector_load %arg6[%swap3A_411] {strides = array<i32>} : memref<16384xi32, #tpu.memory_space<vmem>>, vector<16xi32>,
      tpu.vector_store %arg6[%swap3A_411], %add3A_408 {strides = array<i32>} : memref<16384xi32, #tpu.memory_space<vmem>>, vector<16xi32>,
      %broadcast_in_dim3A_413 = arith.constant 512 : i32
      %broadcast_in_dim3A_414 = vector.broadcast %broadcast_in_dim3A_413 : i32 to vector<16xi32>
      %add3A_415 = arith.addi %add3A_380, %broadcast_in_dim3A_414 : vector<16xi32>
      %add3A_416 = arith.constant 64 : i32
      %add3A_417 = arith.addi %add3A_384, %add3A_416 : i32
      %swap3A_418 = arith.index_cast %add3A_417 : i32 to index
      %swap3A_419 = tpu.vector_load %arg6[%swap3A_418] {strides = array<i32>} : memref<16384xi32, #tpu.memory_space<vmem>>, vector<16xi32>,
      tpu.vector_store %arg6[%swap3A_418], %add3A_415 {strides = array<i32>} : memref<16384xi32, #tpu.memory_space<vmem>>, vector<16xi32>,
      %broadcast_in_dim3A_420 = arith.constant 640 : i32
      %broadcast_in_dim3A_421 = vector.broadcast %broadcast_in_dim3A_420 : i32 to vector<16xi32>
      %add3A_422 = arith.addi %add3A_380, %broadcast_in_dim3A_421 : vector<16xi32>
      %add3A_423 = arith.constant 80 : i32
      %add3A_424 = arith.addi %add3A_384, %add3A_423 : i32
      %swap3A_425 = arith.index_cast %add3A_424 : i32 to index
      %swap3A_426 = tpu.vector_load %arg6[%swap3A_425] {strides = array<i32>} : memref<16384xi32, #tpu.memory_space<vmem>>, vector<16xi32>,
      tpu.vector_store %arg6[%swap3A_425], %add3A_422 {strides = array<i32>} : memref<16384xi32, #tpu.memory_space<vmem>>, vector<16xi32>,
      %broadcast_in_dim3A_427 = arith.constant 768 : i32
      %broadcast_in_dim3A_428 = vector.broadcast %broadcast_in_dim3A_427 : i32 to vector<16xi32>
      %add3A_429 = arith.addi %add3A_380, %broadcast_in_dim3A_428 : vector<16xi32>
      %add3A_430 = arith.constant 96 : i32
      %add3A_431 = arith.addi %add3A_384, %add3A_430 : i32
      %swap3A_432 = arith.index_cast %add3A_431 : i32 to index
      %swap3A_433 = tpu.vector_load %arg6[%swap3A_432] {strides = array<i32>} : memref<16384xi32, #tpu.memory_space<vmem>>, vector<16xi32>,
      tpu.vector_store %arg6[%swap3A_432], %add3A_429 {strides = array<i32>} : memref<16384xi32, #tpu.memory_space<vmem>>, vector<16xi32>,
      %broadcast_in_dim3A_434 = arith.constant 896 : i32
      %broadcast_in_dim3A_435 = vector.broadcast %broadcast_in_dim3A_434 : i32 to vector<16xi32>
      %add3A_436 = arith.addi %add3A_380, %broadcast_in_dim3A_435 : vector<16xi32>
      %add3A_437 = arith.constant 112 : i32
      %add3A_438 = arith.addi %add3A_384, %add3A_437 : i32
      %swap3A_439 = arith.index_cast %add3A_438 : i32 to index
      %swap3A_440 = tpu.vector_load %arg6[%swap3A_439] {strides = array<i32>} : memref<16384xi32, #tpu.memory_space<vmem>>, vector<16xi32>,
      tpu.vector_store %arg6[%swap3A_439], %add3A_436 {strides = array<i32>} : memref<16384xi32, #tpu.memory_space<vmem>>, vector<16xi32>,
      %add3A_441 = arith.constant 128 : i32
      %add3A_442 = arith.addi %mul3A_382, %add3A_441 : i32
      %broadcast_in_dim3A_443 = arith.constant 8000512 : i32
      %broadcast_in_dim3A_444 = vector.broadcast %broadcast_in_dim3A_443 : i32 to vector<16xi32>
      %add3A_445 = arith.addi %add3A_380, %broadcast_in_dim3A_444 : vector<16xi32>
      %add3A_446 = arith.constant 0 : i32
      %add3A_447 = arith.addi %add3A_442, %add3A_446 : i32
      %swap3A_448 = arith.index_cast %add3A_447 : i32 to index
      %swap3A_449 = tpu.vector_load %arg6[%swap3A_448] {strides = array<i32>} : memref<16384xi32, #tpu.memory_space<vmem>>, vector<16xi32>,
      tpu.vector_store %arg6[%swap3A_448], %add3A_445 {strides = array<i32>} : memref<16384xi32, #tpu.memory_space<vmem>>, vector<16xi32>,
      %broadcast_in_dim3A_450 = arith.constant 8000640 : i32
      %broadcast_in_dim3A_451 = vector.broadcast %broadcast_in_dim3A_450 : i32 to vector<16xi32>
      %add3A_452 = arith.addi %add3A_380, %broadcast_in_dim3A_451 : vector<16xi32>
      %add3A_453 = arith.constant 16 : i32
      %add3A_454 = arith.addi %add3A_442, %add3A_453 : i32
      %swap3A_455 = arith.index_cast %add3A_454 : i32 to index
      %swap3A_456 = tpu.vector_load %arg6[%swap3A_455] {strides = array<i32>} : memref<16384xi32, #tpu.memory_space<vmem>>, vector<16xi32>,
      tpu.vector_store %arg6[%swap3A_455], %add3A_452 {strides = array<i32>} : memref<16384xi32, #tpu.memory_space<vmem>>, vector<16xi32>,
      %broadcast_in_dim3A_457 = arith.constant 8000768 : i32
      %broadcast_in_dim3A_458 = vector.broadcast %broadcast_in_dim3A_457 : i32 to vector<16xi32>
      %add3A_459 = arith.addi %add3A_380, %broadcast_in_dim3A_458 : vector<16xi32>
      %add3A_460 = arith.constant 32 : i32
      %add3A_461 = arith.addi %add3A_442, %add3A_460 : i32
      %swap3A_462 = arith.index_cast %add3A_461 : i32 to index
      %swap3A_463 = tpu.vector_load %arg6[%swap3A_462] {strides = array<i32>} : memref<16384xi32, #tpu.memory_space<vmem>>, vector<16xi32>,
      tpu.vector_store %arg6[%swap3A_462], %add3A_459 {strides = array<i32>} : memref<16384xi32, #tpu.memory_space<vmem>>, vector<16xi32>,
      %broadcast_in_dim3A_464 = arith.constant 8000896 : i32
      %broadcast_in_dim3A_465 = vector.broadcast %broadcast_in_dim3A_464 : i32 to vector<16xi32>
      %add3A_466 = arith.addi %add3A_380, %broadcast_in_dim3A_465 : vector<16xi32>
      %add3A_467 = arith.constant 48 : i32
      %add3A_468 = arith.addi %add3A_442, %add3A_467 : i32
      %swap3A_469 = arith.index_cast %add3A_468 : i32 to index
      %swap3A_470 = tpu.vector_load %arg6[%swap3A_469] {strides = array<i32>} : memref<16384xi32, #tpu.memory_space<vmem>>, vector<16xi32>,
      tpu.vector_store %arg6[%swap3A_469], %add3A_466 {strides = array<i32>} : memref<16384xi32, #tpu.memory_space<vmem>>, vector<16xi32>,
      %broadcast_in_dim3A_471 = arith.constant 8001024 : i32
      %broadcast_in_dim3A_472 = vector.broadcast %broadcast_in_dim3A_471 : i32 to vector<16xi32>
      %add3A_473 = arith.addi %add3A_380, %broadcast_in_dim3A_472 : vector<16xi32>
      %add3A_474 = arith.constant 64 : i32
      %add3A_475 = arith.addi %add3A_442, %add3A_474 : i32
      %swap3A_476 = arith.index_cast %add3A_475 : i32 to index
      %swap3A_477 = tpu.vector_load %arg6[%swap3A_476] {strides = array<i32>} : memref<16384xi32, #tpu.memory_space<vmem>>, vector<16xi32>,
      tpu.vector_store %arg6[%swap3A_476], %add3A_473 {strides = array<i32>} : memref<16384xi32, #tpu.memory_space<vmem>>, vector<16xi32>,
      %broadcast_in_dim3A_478 = arith.constant 8001152 : i32
      %broadcast_in_dim3A_479 = vector.broadcast %broadcast_in_dim3A_478 : i32 to vector<16xi32>
      %add3A_480 = arith.addi %add3A_380, %broadcast_in_dim3A_479 : vector<16xi32>
      %add3A_481 = arith.constant 80 : i32
      %add3A_482 = arith.addi %add3A_442, %add3A_481 : i32
      %swap3A_483 = arith.index_cast %add3A_482 : i32 to index
      %swap3A_484 = tpu.vector_load %arg6[%swap3A_483] {strides = array<i32>} : memref<16384xi32, #tpu.memory_space<vmem>>, vector<16xi32>,
      tpu.vector_store %arg6[%swap3A_483], %add3A_480 {strides = array<i32>} : memref<16384xi32, #tpu.memory_space<vmem>>, vector<16xi32>,
      %broadcast_in_dim3A_485 = arith.constant 8001280 : i32
      %broadcast_in_dim3A_486 = vector.broadcast %broadcast_in_dim3A_485 : i32 to vector<16xi32>
      %add3A_487 = arith.addi %add3A_380, %broadcast_in_dim3A_486 : vector<16xi32>
      %add3A_488 = arith.constant 96 : i32
      %add3A_489 = arith.addi %add3A_442, %add3A_488 : i32
      %swap3A_490 = arith.index_cast %add3A_489 : i32 to index
      %swap3A_491 = tpu.vector_load %arg6[%swap3A_490] {strides = array<i32>} : memref<16384xi32, #tpu.memory_space<vmem>>, vector<16xi32>,
      tpu.vector_store %arg6[%swap3A_490], %add3A_487 {strides = array<i32>} : memref<16384xi32, #tpu.memory_space<vmem>>, vector<16xi32>,
      %broadcast_in_dim3A_492 = arith.constant 8001408 : i32
      %broadcast_in_dim3A_493 = vector.broadcast %broadcast_in_dim3A_492 : i32 to vector<16xi32>
      %add3A_494 = arith.addi %add3A_380, %broadcast_in_dim3A_493 : vector<16xi32>
      %add3A_495 = arith.constant 112 : i32
      %add3A_496 = arith.addi %add3A_442, %add3A_495 : i32
      %swap3A_497 = arith.index_cast %add3A_496 : i32 to index
      %swap3A_498 = tpu.vector_load %arg6[%swap3A_497] {strides = array<i32>} : memref<16384xi32, #tpu.memory_space<vmem>>, vector<16xi32>,
      tpu.vector_store %arg6[%swap3A_497], %add3A_494 {strides = array<i32>} : memref<16384xi32, #tpu.memory_space<vmem>>, vector<16xi32>,
      %add3A_499 = arith.constant 256 : i32
      %add3A_500 = arith.addi %mul3A_382, %add3A_499 : i32
      %broadcast_in_dim3A_501 = arith.constant 16001024 : i32
      %broadcast_in_dim3A_502 = vector.broadcast %broadcast_in_dim3A_501 : i32 to vector<16xi32>
      %add3A_503 = arith.addi %add3A_380, %broadcast_in_dim3A_502 : vector<16xi32>
      %add3A_504 = arith.constant 0 : i32
      %add3A_505 = arith.addi %add3A_500, %add3A_504 : i32
      %swap3A_506 = arith.index_cast %add3A_505 : i32 to index
      %swap3A_507 = tpu.vector_load %arg6[%swap3A_506] {strides = array<i32>} : memref<16384xi32, #tpu.memory_space<vmem>>, vector<16xi32>,
      tpu.vector_store %arg6[%swap3A_506], %add3A_503 {strides = array<i32>} : memref<16384xi32, #tpu.memory_space<vmem>>, vector<16xi32>,
      %broadcast_in_dim3A_508 = arith.constant 16001152 : i32
      %broadcast_in_dim3A_509 = vector.broadcast %broadcast_in_dim3A_508 : i32 to vector<16xi32>
      %add3A_510 = arith.addi %add3A_380, %broadcast_in_dim3A_509 : vector<16xi32>
      %add3A_511 = arith.constant 16 : i32
      %add3A_512 = arith.addi %add3A_500, %add3A_511 : i32
      %swap3A_513 = arith.index_cast %add3A_512 : i32 to index
      %swap3A_514 = tpu.vector_load %arg6[%swap3A_513] {strides = array<i32>} : memref<16384xi32, #tpu.memory_space<vmem>>, vector<16xi32>,
      tpu.vector_store %arg6[%swap3A_513], %add3A_510 {strides = array<i32>} : memref<16384xi32, #tpu.memory_space<vmem>>, vector<16xi32>,
      %broadcast_in_dim3A_515 = arith.constant 16001280 : i32
      %broadcast_in_dim3A_516 = vector.broadcast %broadcast_in_dim3A_515 : i32 to vector<16xi32>
      %add3A_517 = arith.addi %add3A_380, %broadcast_in_dim3A_516 : vector<16xi32>
      %add3A_518 = arith.constant 32 : i32
      %add3A_519 = arith.addi %add3A_500, %add3A_518 : i32
      %swap3A_520 = arith.index_cast %add3A_519 : i32 to index
      %swap3A_521 = tpu.vector_load %arg6[%swap3A_520] {strides = array<i32>} : memref<16384xi32, #tpu.memory_space<vmem>>, vector<16xi32>,
      tpu.vector_store %arg6[%swap3A_520], %add3A_517 {strides = array<i32>} : memref<16384xi32, #tpu.memory_space<vmem>>, vector<16xi32>,
      %broadcast_in_dim3A_522 = arith.constant 16001408 : i32
      %broadcast_in_dim3A_523 = vector.broadcast %broadcast_in_dim3A_522 : i32 to vector<16xi32>
      %add3A_524 = arith.addi %add3A_380, %broadcast_in_dim3A_523 : vector<16xi32>
      %add3A_525 = arith.constant 48 : i32
      %add3A_526 = arith.addi %add3A_500, %add3A_525 : i32
      %swap3A_527 = arith.index_cast %add3A_526 : i32 to index
      %swap3A_528 = tpu.vector_load %arg6[%swap3A_527] {strides = array<i32>} : memref<16384xi32, #tpu.memory_space<vmem>>, vector<16xi32>,
      tpu.vector_store %arg6[%swap3A_527], %add3A_524 {strides = array<i32>} : memref<16384xi32, #tpu.memory_space<vmem>>, vector<16xi32>,
      %broadcast_in_dim3A_529 = arith.constant 16001536 : i32
      %broadcast_in_dim3A_530 = vector.broadcast %broadcast_in_dim3A_529 : i32 to vector<16xi32>
      %add3A_531 = arith.addi %add3A_380, %broadcast_in_dim3A_530 : vector<16xi32>
      %add3A_532 = arith.constant 64 : i32
      %add3A_533 = arith.addi %add3A_500, %add3A_532 : i32
      %swap3A_534 = arith.index_cast %add3A_533 : i32 to index
      %swap3A_535 = tpu.vector_load %arg6[%swap3A_534] {strides = array<i32>} : memref<16384xi32, #tpu.memory_space<vmem>>, vector<16xi32>,
      tpu.vector_store %arg6[%swap3A_534], %add3A_531 {strides = array<i32>} : memref<16384xi32, #tpu.memory_space<vmem>>, vector<16xi32>,
      %broadcast_in_dim3A_536 = arith.constant 16001664 : i32
      %broadcast_in_dim3A_537 = vector.broadcast %broadcast_in_dim3A_536 : i32 to vector<16xi32>
      %add3A_538 = arith.addi %add3A_380, %broadcast_in_dim3A_537 : vector<16xi32>
      %add3A_539 = arith.constant 80 : i32
      %add3A_540 = arith.addi %add3A_500, %add3A_539 : i32
      %swap3A_541 = arith.index_cast %add3A_540 : i32 to index
      %swap3A_542 = tpu.vector_load %arg6[%swap3A_541] {strides = array<i32>} : memref<16384xi32, #tpu.memory_space<vmem>>, vector<16xi32>,
      tpu.vector_store %arg6[%swap3A_541], %add3A_538 {strides = array<i32>} : memref<16384xi32, #tpu.memory_space<vmem>>, vector<16xi32>,
      %broadcast_in_dim3A_543 = arith.constant 16001792 : i32
      %broadcast_in_dim3A_544 = vector.broadcast %broadcast_in_dim3A_543 : i32 to vector<16xi32>
      %add3A_545 = arith.addi %add3A_380, %broadcast_in_dim3A_544 : vector<16xi32>
      %add3A_546 = arith.constant 96 : i32
      %add3A_547 = arith.addi %add3A_500, %add3A_546 : i32
      %swap3A_548 = arith.index_cast %add3A_547 : i32 to index
      %swap3A_549 = tpu.vector_load %arg6[%swap3A_548] {strides = array<i32>} : memref<16384xi32, #tpu.memory_space<vmem>>, vector<16xi32>,
      tpu.vector_store %arg6[%swap3A_548], %add3A_545 {strides = array<i32>} : memref<16384xi32, #tpu.memory_space<vmem>>, vector<16xi32>,
      %broadcast_in_dim3A_550 = arith.constant 16001920 : i32
      %broadcast_in_dim3A_551 = vector.broadcast %broadcast_in_dim3A_550 : i32 to vector<16xi32>
      %add3A_552 = arith.addi %add3A_380, %broadcast_in_dim3A_551 : vector<16xi32>
      %add3A_553 = arith.constant 112 : i32
      %add3A_554 = arith.addi %add3A_500, %add3A_553 : i32
      %swap3A_555 = arith.index_cast %add3A_554 : i32 to index
      %swap3A_556 = tpu.vector_load %arg6[%swap3A_555] {strides = array<i32>} : memref<16384xi32, #tpu.memory_space<vmem>>, vector<16xi32>,
      tpu.vector_store %arg6[%swap3A_555], %add3A_552 {strides = array<i32>} : memref<16384xi32, #tpu.memory_space<vmem>>, vector<16xi32>,
      %add3A_557 = arith.constant 384 : i32
      %add3A_558 = arith.addi %mul3A_382, %add3A_557 : i32
      %broadcast_in_dim3A_559 = arith.constant 24001536 : i32
      %broadcast_in_dim3A_560 = vector.broadcast %broadcast_in_dim3A_559 : i32 to vector<16xi32>
      %add3A_561 = arith.addi %add3A_380, %broadcast_in_dim3A_560 : vector<16xi32>
      %add3A_562 = arith.constant 0 : i32
      %add3A_563 = arith.addi %add3A_558, %add3A_562 : i32
      %swap3A_564 = arith.index_cast %add3A_563 : i32 to index
      %swap3A_565 = tpu.vector_load %arg6[%swap3A_564] {strides = array<i32>} : memref<16384xi32, #tpu.memory_space<vmem>>, vector<16xi32>,
      tpu.vector_store %arg6[%swap3A_564], %add3A_561 {strides = array<i32>} : memref<16384xi32, #tpu.memory_space<vmem>>, vector<16xi32>,
      %broadcast_in_dim3A_566 = arith.constant 24001664 : i32
      %broadcast_in_dim3A_567 = vector.broadcast %broadcast_in_dim3A_566 : i32 to vector<16xi32>
      %add3A_568 = arith.addi %add3A_380, %broadcast_in_dim3A_567 : vector<16xi32>
      %add3A_569 = arith.constant 16 : i32
      %add3A_570 = arith.addi %add3A_558, %add3A_569 : i32
      %swap3A_571 = arith.index_cast %add3A_570 : i32 to index
      %swap3A_572 = tpu.vector_load %arg6[%swap3A_571] {strides = array<i32>} : memref<16384xi32, #tpu.memory_space<vmem>>, vector<16xi32>,
      tpu.vector_store %arg6[%swap3A_571], %add3A_568 {strides = array<i32>} : memref<16384xi32, #tpu.memory_space<vmem>>, vector<16xi32>,
      %broadcast_in_dim3A_573 = arith.constant 24001792 : i32
      %broadcast_in_dim3A_574 = vector.broadcast %broadcast_in_dim3A_573 : i32 to vector<16xi32>
      %add3A_575 = arith.addi %add3A_380, %broadcast_in_dim3A_574 : vector<16xi32>
      %add3A_576 = arith.constant 32 : i32
      %add3A_577 = arith.addi %add3A_558, %add3A_576 : i32
      %swap3A_578 = arith.index_cast %add3A_577 : i32 to index
      %swap3A_579 = tpu.vector_load %arg6[%swap3A_578] {strides = array<i32>} : memref<16384xi32, #tpu.memory_space<vmem>>, vector<16xi32>,
      tpu.vector_store %arg6[%swap3A_578], %add3A_575 {strides = array<i32>} : memref<16384xi32, #tpu.memory_space<vmem>>, vector<16xi32>,
      %broadcast_in_dim3A_580 = arith.constant 24001920 : i32
      %broadcast_in_dim3A_581 = vector.broadcast %broadcast_in_dim3A_580 : i32 to vector<16xi32>
      %add3A_582 = arith.addi %add3A_380, %broadcast_in_dim3A_581 : vector<16xi32>
      %add3A_583 = arith.constant 48 : i32
      %add3A_584 = arith.addi %add3A_558, %add3A_583 : i32
      %swap3A_585 = arith.index_cast %add3A_584 : i32 to index
      %swap3A_586 = tpu.vector_load %arg6[%swap3A_585] {strides = array<i32>} : memref<16384xi32, #tpu.memory_space<vmem>>, vector<16xi32>,
      tpu.vector_store %arg6[%swap3A_585], %add3A_582 {strides = array<i32>} : memref<16384xi32, #tpu.memory_space<vmem>>, vector<16xi32>,
      %broadcast_in_dim3A_587 = arith.constant 24002048 : i32
      %broadcast_in_dim3A_588 = vector.broadcast %broadcast_in_dim3A_587 : i32 to vector<16xi32>
      %add3A_589 = arith.addi %add3A_380, %broadcast_in_dim3A_588 : vector<16xi32>
      %add3A_590 = arith.constant 64 : i32
      %add3A_591 = arith.addi %add3A_558, %add3A_590 : i32
      %swap3A_592 = arith.index_cast %add3A_591 : i32 to index
      %swap3A_593 = tpu.vector_load %arg6[%swap3A_592] {strides = array<i32>} : memref<16384xi32, #tpu.memory_space<vmem>>, vector<16xi32>,
      tpu.vector_store %arg6[%swap3A_592], %add3A_589 {strides = array<i32>} : memref<16384xi32, #tpu.memory_space<vmem>>, vector<16xi32>,
      %broadcast_in_dim3A_594 = arith.constant 24002176 : i32
      %broadcast_in_dim3A_595 = vector.broadcast %broadcast_in_dim3A_594 : i32 to vector<16xi32>
      %add3A_596 = arith.addi %add3A_380, %broadcast_in_dim3A_595 : vector<16xi32>
      %add3A_597 = arith.constant 80 : i32
      %add3A_598 = arith.addi %add3A_558, %add3A_597 : i32
      %swap3A_599 = arith.index_cast %add3A_598 : i32 to index
      %swap3A_600 = tpu.vector_load %arg6[%swap3A_599] {strides = array<i32>} : memref<16384xi32, #tpu.memory_space<vmem>>, vector<16xi32>,
      tpu.vector_store %arg6[%swap3A_599], %add3A_596 {strides = array<i32>} : memref<16384xi32, #tpu.memory_space<vmem>>, vector<16xi32>,
      %broadcast_in_dim3A_601 = arith.constant 24002304 : i32
      %broadcast_in_dim3A_602 = vector.broadcast %broadcast_in_dim3A_601 : i32 to vector<16xi32>
      %add3A_603 = arith.addi %add3A_380, %broadcast_in_dim3A_602 : vector<16xi32>
      %add3A_604 = arith.constant 96 : i32
      %add3A_605 = arith.addi %add3A_558, %add3A_604 : i32
      %swap3A_606 = arith.index_cast %add3A_605 : i32 to index
      %swap3A_607 = tpu.vector_load %arg6[%swap3A_606] {strides = array<i32>} : memref<16384xi32, #tpu.memory_space<vmem>>, vector<16xi32>,
      tpu.vector_store %arg6[%swap3A_606], %add3A_603 {strides = array<i32>} : memref<16384xi32, #tpu.memory_space<vmem>>, vector<16xi32>,
      %broadcast_in_dim3A_608 = arith.constant 24002432 : i32
      %broadcast_in_dim3A_609 = vector.broadcast %broadcast_in_dim3A_608 : i32 to vector<16xi32>
      %add3A_610 = arith.addi %add3A_380, %broadcast_in_dim3A_609 : vector<16xi32>
      %add3A_611 = arith.constant 112 : i32
      %add3A_612 = arith.addi %add3A_558, %add3A_611 : i32
      %swap3A_613 = arith.index_cast %add3A_612 : i32 to index
      %swap3A_614 = tpu.vector_load %arg6[%swap3A_613] {strides = array<i32>} : memref<16384xi32, #tpu.memory_space<vmem>>, vector<16xi32>,
      tpu.vector_store %arg6[%swap3A_613], %add3A_610 {strides = array<i32>} : memref<16384xi32, #tpu.memory_space<vmem>>, vector<16xi32>,
      %dma_start3A_615 = tpu.memref_slice %arg7[%mul3A_382] : memref<16384xf32, #tpu.memory_space<vmem>> -> memref<512xf32, #tpu.memory_space<vmem>>
      %dma_start3A_616 = tpu.memref_slice %arg6[%mul3A_382] : memref<16384xi32, #tpu.memory_space<vmem>> -> memref<512xi32, #tpu.memory_space<vmem>>
      %dma_start3A_617 = arith.constant 0 : i32
      %dma_start3A_618 = tpu.memref_slice %arg3[%scan3A, %dma_start3A_617] : memref<32x1000000xf32, #tpu.memory_space<hbm>> -> memref<1x128xf32, #tpu.memory_space<hbm>>
      %dma_start3A_619 = tpu.memref_squeeze %dma_start3A_618 : memref<1x128xf32, #tpu.memory_space<hbm>> -> memref<128xf32, #tpu.memory_space<hbm>>
      %dma_start3A_620 = arith.constant 0 : i32
      %dma_start3A_621 = tpu.memref_slice %dma_start3A_619[%dma_start3A_620] : memref<128xf32, #tpu.memory_space<hbm>> -> memref<128xf32, #tpu.memory_space<hbm>>
      tpu.enqueue_indirect_dma source(%dma_start3A_621 : memref<128xf32, #tpu.memory_space<hbm>>) target(%dma_start3A_615 : memref<512xf32, #tpu.memory_space<vmem>>) offsets(%dma_start3A_616 : memref<512xi32, #tpu.memory_space<vmem>>) semaphore(%arg9 : memref<!tpu.dma_semaphore, #tpu.memory_space<semaphore_mem>>)
      %scan3A_622 = arith.constant 0 : i32
      scf.yield %scan3A_622 : i32
    }
    %scan3A_14 = arith.constant 16 : i32
    %scan3A_15 = arith.constant 0 : i32
    %scan3A_16 = arith.constant 0 : i32
    %scan3A_17 = arith.constant 16 : i32
    %scan3A_18 = arith.constant 16 : i32
    %scan3A_19 = arith.addi %scan3A_17, %scan3A_18 : i32
    %scan3A_20 = arith.constant 2 : i32
    %scan3A_21 = scf.for %scan3A_119 = %scan3A_17 to %scan3A_19 step %scan3A_20 iter_args(%scan3A_120 = %scan3A_16) -> (i32)  : i32 {
      %mul3A_121 = arith.constant 16 : i32
      %mul3A_122 = arith.muli %scan3A_119, %mul3A_121 : i32
      %get3A = arith.index_cast %mul3A_122 : i32 to index
      %get3A_123 = tpu.vector_load %arg5[%get3A] {strides = array<i32>} : memref<512xi32, #tpu.memory_space<vmem>>, vector<16xi32>,
      %div3A_124 = arith.divsi %get3A_123, %broadcast_in_dim3A_3 : vector<16xi32>
      %div3A_125 = arith.divsi %div3A_124, %broadcast_in_dim3A_5 : vector<16xi32>
      %mul3A_126 = arith.muli %div3A_125, %broadcast_in_dim3A_7 : vector<16xi32>
      %rem3A_127 = arith.remsi %div3A_124, %broadcast_in_dim3A_5 : vector<16xi32>
      %add3A_128 = arith.addi %mul3A_126, %rem3A_127 : vector<16xi32>
      %mul3A_129 = arith.constant 512 : i32
      %mul3A_130 = arith.muli %scan3A_119, %mul3A_129 : i32
      %add3A_131 = arith.constant 0 : i32
      %add3A_132 = arith.addi %mul3A_130, %add3A_131 : i32
      %broadcast_in_dim3A_133 = arith.constant 0 : i32
      %broadcast_in_dim3A_134 = vector.broadcast %broadcast_in_dim3A_133 : i32 to vector<16xi32>
      %add3A_135 = arith.addi %add3A_128, %broadcast_in_dim3A_134 : vector<16xi32>
      %add3A_136 = arith.constant 0 : i32
      %add3A_137 = arith.addi %add3A_132, %add3A_136 : i32
      %swap3A = arith.index_cast %add3A_137 : i32 to index
      %swap3A_138 = tpu.vector_load %arg6[%swap3A] {strides = array<i32>} : memref<16384xi32, #tpu.memory_space<vmem>>, vector<16xi32>,
      tpu.vector_store %arg6[%swap3A], %add3A_135 {strides = array<i32>} : memref<16384xi32, #tpu.memory_space<vmem>>, vector<16xi32>,
      %broadcast_in_dim3A_139 = arith.constant 128 : i32
      %broadcast_in_dim3A_140 = vector.broadcast %broadcast_in_dim3A_139 : i32 to vector<16xi32>
      %add3A_141 = arith.addi %add3A_128, %broadcast_in_dim3A_140 : vector<16xi32>
      %add3A_142 = arith.constant 16 : i32
      %add3A_143 = arith.addi %add3A_132, %add3A_142 : i32
      %swap3A_144 = arith.index_cast %add3A_143 : i32 to index
      %swap3A_145 = tpu.vector_load %arg6[%swap3A_144] {strides = array<i32>} : memref<16384xi32, #tpu.memory_space<vmem>>, vector<16xi32>,
      tpu.vector_store %arg6[%swap3A_144], %add3A_141 {strides = array<i32>} : memref<16384xi32, #tpu.memory_space<vmem>>, vector<16xi32>,
      %broadcast_in_dim3A_146 = arith.constant 256 : i32
      %broadcast_in_dim3A_147 = vector.broadcast %broadcast_in_dim3A_146 : i32 to vector<16xi32>
      %add3A_148 = arith.addi %add3A_128, %broadcast_in_dim3A_147 : vector<16xi32>
      %add3A_149 = arith.constant 32 : i32
      %add3A_150 = arith.addi %add3A_132, %add3A_149 : i32
      %swap3A_151 = arith.index_cast %add3A_150 : i32 to index
      %swap3A_152 = tpu.vector_load %arg6[%swap3A_151] {strides = array<i32>} : memref<16384xi32, #tpu.memory_space<vmem>>, vector<16xi32>,
      tpu.vector_store %arg6[%swap3A_151], %add3A_148 {strides = array<i32>} : memref<16384xi32, #tpu.memory_space<vmem>>, vector<16xi32>,
      %broadcast_in_dim3A_153 = arith.constant 384 : i32
      %broadcast_in_dim3A_154 = vector.broadcast %broadcast_in_dim3A_153 : i32 to vector<16xi32>
      %add3A_155 = arith.addi %add3A_128, %broadcast_in_dim3A_154 : vector<16xi32>
      %add3A_156 = arith.constant 48 : i32
      %add3A_157 = arith.addi %add3A_132, %add3A_156 : i32
      %swap3A_158 = arith.index_cast %add3A_157 : i32 to index
      %swap3A_159 = tpu.vector_load %arg6[%swap3A_158] {strides = array<i32>} : memref<16384xi32, #tpu.memory_space<vmem>>, vector<16xi32>,
      tpu.vector_store %arg6[%swap3A_158], %add3A_155 {strides = array<i32>} : memref<16384xi32, #tpu.memory_space<vmem>>, vector<16xi32>,
      %broadcast_in_dim3A_160 = arith.constant 512 : i32
      %broadcast_in_dim3A_161 = vector.broadcast %broadcast_in_dim3A_160 : i32 to vector<16xi32>
      %add3A_162 = arith.addi %add3A_128, %broadcast_in_dim3A_161 : vector<16xi32>
      %add3A_163 = arith.constant 64 : i32
      %add3A_164 = arith.addi %add3A_132, %add3A_163 : i32
      %swap3A_165 = arith.index_cast %add3A_164 : i32 to index
      %swap3A_166 = tpu.vector_load %arg6[%swap3A_165] {strides = array<i32>} : memref<16384xi32, #tpu.memory_space<vmem>>, vector<16xi32>,
      tpu.vector_store %arg6[%swap3A_165], %add3A_162 {strides = array<i32>} : memref<16384xi32, #tpu.memory_space<vmem>>, vector<16xi32>,
      %broadcast_in_dim3A_167 = arith.constant 640 : i32
      %broadcast_in_dim3A_168 = vector.broadcast %broadcast_in_dim3A_167 : i32 to vector<16xi32>
      %add3A_169 = arith.addi %add3A_128, %broadcast_in_dim3A_168 : vector<16xi32>
      %add3A_170 = arith.constant 80 : i32
      %add3A_171 = arith.addi %add3A_132, %add3A_170 : i32
      %swap3A_172 = arith.index_cast %add3A_171 : i32 to index
      %swap3A_173 = tpu.vector_load %arg6[%swap3A_172] {strides = array<i32>} : memref<16384xi32, #tpu.memory_space<vmem>>, vector<16xi32>,
      tpu.vector_store %arg6[%swap3A_172], %add3A_169 {strides = array<i32>} : memref<16384xi32, #tpu.memory_space<vmem>>, vector<16xi32>,
      %broadcast_in_dim3A_174 = arith.constant 768 : i32
      %broadcast_in_dim3A_175 = vector.broadcast %broadcast_in_dim3A_174 : i32 to vector<16xi32>
      %add3A_176 = arith.addi %add3A_128, %broadcast_in_dim3A_175 : vector<16xi32>
      %add3A_177 = arith.constant 96 : i32
      %add3A_178 = arith.addi %add3A_132, %add3A_177 : i32
      %swap3A_179 = arith.index_cast %add3A_178 : i32 to index
      %swap3A_180 = tpu.vector_load %arg6[%swap3A_179] {strides = array<i32>} : memref<16384xi32, #tpu.memory_space<vmem>>, vector<16xi32>,
      tpu.vector_store %arg6[%swap3A_179], %add3A_176 {strides = array<i32>} : memref<16384xi32, #tpu.memory_space<vmem>>, vector<16xi32>,
      %broadcast_in_dim3A_181 = arith.constant 896 : i32
      %broadcast_in_dim3A_182 = vector.broadcast %broadcast_in_dim3A_181 : i32 to vector<16xi32>
      %add3A_183 = arith.addi %add3A_128, %broadcast_in_dim3A_182 : vector<16xi32>
      %add3A_184 = arith.constant 112 : i32
      %add3A_185 = arith.addi %add3A_132, %add3A_184 : i32
      %swap3A_186 = arith.index_cast %add3A_185 : i32 to index
      %swap3A_187 = tpu.vector_load %arg6[%swap3A_186] {strides = array<i32>} : memref<16384xi32, #tpu.memory_space<vmem>>, vector<16xi32>,
      tpu.vector_store %arg6[%swap3A_186], %add3A_183 {strides = array<i32>} : memref<16384xi32, #tpu.memory_space<vmem>>, vector<16xi32>,
      %add3A_188 = arith.constant 128 : i32
      %add3A_189 = arith.addi %mul3A_130, %add3A_188 : i32
      %broadcast_in_dim3A_190 = arith.constant 8000512 : i32
      %broadcast_in_dim3A_191 = vector.broadcast %broadcast_in_dim3A_190 : i32 to vector<16xi32>
      %add3A_192 = arith.addi %add3A_128, %broadcast_in_dim3A_191 : vector<16xi32>
      %add3A_193 = arith.constant 0 : i32
      %add3A_194 = arith.addi %add3A_189, %add3A_193 : i32
      %swap3A_195 = arith.index_cast %add3A_194 : i32 to index
      %swap3A_196 = tpu.vector_load %arg6[%swap3A_195] {strides = array<i32>} : memref<16384xi32, #tpu.memory_space<vmem>>, vector<16xi32>,
      tpu.vector_store %arg6[%swap3A_195], %add3A_192 {strides = array<i32>} : memref<16384xi32, #tpu.memory_space<vmem>>, vector<16xi32>,
      %broadcast_in_dim3A_197 = arith.constant 8000640 : i32
      %broadcast_in_dim3A_198 = vector.broadcast %broadcast_in_dim3A_197 : i32 to vector<16xi32>
      %add3A_199 = arith.addi %add3A_128, %broadcast_in_dim3A_198 : vector<16xi32>
      %add3A_200 = arith.constant 16 : i32
      %add3A_201 = arith.addi %add3A_189, %add3A_200 : i32
      %swap3A_202 = arith.index_cast %add3A_201 : i32 to index
      %swap3A_203 = tpu.vector_load %arg6[%swap3A_202] {strides = array<i32>} : memref<16384xi32, #tpu.memory_space<vmem>>, vector<16xi32>,
      tpu.vector_store %arg6[%swap3A_202], %add3A_199 {strides = array<i32>} : memref<16384xi32, #tpu.memory_space<vmem>>, vector<16xi32>,
      %broadcast_in_dim3A_204 = arith.constant 8000768 : i32
      %broadcast_in_dim3A_205 = vector.broadcast %broadcast_in_dim3A_204 : i32 to vector<16xi32>
      %add3A_206 = arith.addi %add3A_128, %broadcast_in_dim3A_205 : vector<16xi32>
      %add3A_207 = arith.constant 32 : i32
      %add3A_208 = arith.addi %add3A_189, %add3A_207 : i32
      %swap3A_209 = arith.index_cast %add3A_208 : i32 to index
      %swap3A_210 = tpu.vector_load %arg6[%swap3A_209] {strides = array<i32>} : memref<16384xi32, #tpu.memory_space<vmem>>, vector<16xi32>,
      tpu.vector_store %arg6[%swap3A_209], %add3A_206 {strides = array<i32>} : memref<16384xi32, #tpu.memory_space<vmem>>, vector<16xi32>,
      %broadcast_in_dim3A_211 = arith.constant 8000896 : i32
      %broadcast_in_dim3A_212 = vector.broadcast %broadcast_in_dim3A_211 : i32 to vector<16xi32>
      %add3A_213 = arith.addi %add3A_128, %broadcast_in_dim3A_212 : vector<16xi32>
      %add3A_214 = arith.constant 48 : i32
      %add3A_215 = arith.addi %add3A_189, %add3A_214 : i32
      %swap3A_216 = arith.index_cast %add3A_215 : i32 to index
      %swap3A_217 = tpu.vector_load %arg6[%swap3A_216] {strides = array<i32>} : memref<16384xi32, #tpu.memory_space<vmem>>, vector<16xi32>,
      tpu.vector_store %arg6[%swap3A_216], %add3A_213 {strides = array<i32>} : memref<16384xi32, #tpu.memory_space<vmem>>, vector<16xi32>,
      %broadcast_in_dim3A_218 = arith.constant 8001024 : i32
      %broadcast_in_dim3A_219 = vector.broadcast %broadcast_in_dim3A_218 : i32 to vector<16xi32>
      %add3A_220 = arith.addi %add3A_128, %broadcast_in_dim3A_219 : vector<16xi32>
      %add3A_221 = arith.constant 64 : i32
      %add3A_222 = arith.addi %add3A_189, %add3A_221 : i32
      %swap3A_223 = arith.index_cast %add3A_222 : i32 to index
      %swap3A_224 = tpu.vector_load %arg6[%swap3A_223] {strides = array<i32>} : memref<16384xi32, #tpu.memory_space<vmem>>, vector<16xi32>,
      tpu.vector_store %arg6[%swap3A_223], %add3A_220 {strides = array<i32>} : memref<16384xi32, #tpu.memory_space<vmem>>, vector<16xi32>,
      %broadcast_in_dim3A_225 = arith.constant 8001152 : i32
      %broadcast_in_dim3A_226 = vector.broadcast %broadcast_in_dim3A_225 : i32 to vector<16xi32>
      %add3A_227 = arith.addi %add3A_128, %broadcast_in_dim3A_226 : vector<16xi32>
      %add3A_228 = arith.constant 80 : i32
      %add3A_229 = arith.addi %add3A_189, %add3A_228 : i32
      %swap3A_230 = arith.index_cast %add3A_229 : i32 to index
      %swap3A_231 = tpu.vector_load %arg6[%swap3A_230] {strides = array<i32>} : memref<16384xi32, #tpu.memory_space<vmem>>, vector<16xi32>,
      tpu.vector_store %arg6[%swap3A_230], %add3A_227 {strides = array<i32>} : memref<16384xi32, #tpu.memory_space<vmem>>, vector<16xi32>,
      %broadcast_in_dim3A_232 = arith.constant 8001280 : i32
      %broadcast_in_dim3A_233 = vector.broadcast %broadcast_in_dim3A_232 : i32 to vector<16xi32>
      %add3A_234 = arith.addi %add3A_128, %broadcast_in_dim3A_233 : vector<16xi32>
      %add3A_235 = arith.constant 96 : i32
      %add3A_236 = arith.addi %add3A_189, %add3A_235 : i32
      %swap3A_237 = arith.index_cast %add3A_236 : i32 to index
      %swap3A_238 = tpu.vector_load %arg6[%swap3A_237] {strides = array<i32>} : memref<16384xi32, #tpu.memory_space<vmem>>, vector<16xi32>,
      tpu.vector_store %arg6[%swap3A_237], %add3A_234 {strides = array<i32>} : memref<16384xi32, #tpu.memory_space<vmem>>, vector<16xi32>,
      %broadcast_in_dim3A_239 = arith.constant 8001408 : i32
      %broadcast_in_dim3A_240 = vector.broadcast %broadcast_in_dim3A_239 : i32 to vector<16xi32>
      %add3A_241 = arith.addi %add3A_128, %broadcast_in_dim3A_240 : vector<16xi32>
      %add3A_242 = arith.constant 112 : i32
      %add3A_243 = arith.addi %add3A_189, %add3A_242 : i32
      %swap3A_244 = arith.index_cast %add3A_243 : i32 to index
      %swap3A_245 = tpu.vector_load %arg6[%swap3A_244] {strides = array<i32>} : memref<16384xi32, #tpu.memory_space<vmem>>, vector<16xi32>,
      tpu.vector_store %arg6[%swap3A_244], %add3A_241 {strides = array<i32>} : memref<16384xi32, #tpu.memory_space<vmem>>, vector<16xi32>,
      %add3A_246 = arith.constant 256 : i32
      %add3A_247 = arith.addi %mul3A_130, %add3A_246 : i32
      %broadcast_in_dim3A_248 = arith.constant 16001024 : i32
      %broadcast_in_dim3A_249 = vector.broadcast %broadcast_in_dim3A_248 : i32 to vector<16xi32>
      %add3A_250 = arith.addi %add3A_128, %broadcast_in_dim3A_249 : vector<16xi32>
      %add3A_251 = arith.constant 0 : i32
      %add3A_252 = arith.addi %add3A_247, %add3A_251 : i32
      %swap3A_253 = arith.index_cast %add3A_252 : i32 to index
      %swap3A_254 = tpu.vector_load %arg6[%swap3A_253] {strides = array<i32>} : memref<16384xi32, #tpu.memory_space<vmem>>, vector<16xi32>,
      tpu.vector_store %arg6[%swap3A_253], %add3A_250 {strides = array<i32>} : memref<16384xi32, #tpu.memory_space<vmem>>, vector<16xi32>,
      %broadcast_in_dim3A_255 = arith.constant 16001152 : i32
      %broadcast_in_dim3A_256 = vector.broadcast %broadcast_in_dim3A_255 : i32 to vector<16xi32>
      %add3A_257 = arith.addi %add3A_128, %broadcast_in_dim3A_256 : vector<16xi32>
      %add3A_258 = arith.constant 16 : i32
      %add3A_259 = arith.addi %add3A_247, %add3A_258 : i32
      %swap3A_260 = arith.index_cast %add3A_259 : i32 to index
      %swap3A_261 = tpu.vector_load %arg6[%swap3A_260] {strides = array<i32>} : memref<16384xi32, #tpu.memory_space<vmem>>, vector<16xi32>,
      tpu.vector_store %arg6[%swap3A_260], %add3A_257 {strides = array<i32>} : memref<16384xi32, #tpu.memory_space<vmem>>, vector<16xi32>,
      %broadcast_in_dim3A_262 = arith.constant 16001280 : i32
      %broadcast_in_dim3A_263 = vector.broadcast %broadcast_in_dim3A_262 : i32 to vector<16xi32>
      %add3A_264 = arith.addi %add3A_128, %broadcast_in_dim3A_263 : vector<16xi32>
      %add3A_265 = arith.constant 32 : i32
      %add3A_266 = arith.addi %add3A_247, %add3A_265 : i32
      %swap3A_267 = arith.index_cast %add3A_266 : i32 to index
      %swap3A_268 = tpu.vector_load %arg6[%swap3A_267] {strides = array<i32>} : memref<16384xi32, #tpu.memory_space<vmem>>, vector<16xi32>,
      tpu.vector_store %arg6[%swap3A_267], %add3A_264 {strides = array<i32>} : memref<16384xi32, #tpu.memory_space<vmem>>, vector<16xi32>,
      %broadcast_in_dim3A_269 = arith.constant 16001408 : i32
      %broadcast_in_dim3A_270 = vector.broadcast %broadcast_in_dim3A_269 : i32 to vector<16xi32>
      %add3A_271 = arith.addi %add3A_128, %broadcast_in_dim3A_270 : vector<16xi32>
      %add3A_272 = arith.constant 48 : i32
      %add3A_273 = arith.addi %add3A_247, %add3A_272 : i32
      %swap3A_274 = arith.index_cast %add3A_273 : i32 to index
      %swap3A_275 = tpu.vector_load %arg6[%swap3A_274] {strides = array<i32>} : memref<16384xi32, #tpu.memory_space<vmem>>, vector<16xi32>,
      tpu.vector_store %arg6[%swap3A_274], %add3A_271 {strides = array<i32>} : memref<16384xi32, #tpu.memory_space<vmem>>, vector<16xi32>,
      %broadcast_in_dim3A_276 = arith.constant 16001536 : i32
      %broadcast_in_dim3A_277 = vector.broadcast %broadcast_in_dim3A_276 : i32 to vector<16xi32>
      %add3A_278 = arith.addi %add3A_128, %broadcast_in_dim3A_277 : vector<16xi32>
      %add3A_279 = arith.constant 64 : i32
      %add3A_280 = arith.addi %add3A_247, %add3A_279 : i32
      %swap3A_281 = arith.index_cast %add3A_280 : i32 to index
      %swap3A_282 = tpu.vector_load %arg6[%swap3A_281] {strides = array<i32>} : memref<16384xi32, #tpu.memory_space<vmem>>, vector<16xi32>,
      tpu.vector_store %arg6[%swap3A_281], %add3A_278 {strides = array<i32>} : memref<16384xi32, #tpu.memory_space<vmem>>, vector<16xi32>,
      %broadcast_in_dim3A_283 = arith.constant 16001664 : i32
      %broadcast_in_dim3A_284 = vector.broadcast %broadcast_in_dim3A_283 : i32 to vector<16xi32>
      %add3A_285 = arith.addi %add3A_128, %broadcast_in_dim3A_284 : vector<16xi32>
      %add3A_286 = arith.constant 80 : i32
      %add3A_287 = arith.addi %add3A_247, %add3A_286 : i32
      %swap3A_288 = arith.index_cast %add3A_287 : i32 to index
      %swap3A_289 = tpu.vector_load %arg6[%swap3A_288] {strides = array<i32>} : memref<16384xi32, #tpu.memory_space<vmem>>, vector<16xi32>,
      tpu.vector_store %arg6[%swap3A_288], %add3A_285 {strides = array<i32>} : memref<16384xi32, #tpu.memory_space<vmem>>, vector<16xi32>,
      %broadcast_in_dim3A_290 = arith.constant 16001792 : i32
      %broadcast_in_dim3A_291 = vector.broadcast %broadcast_in_dim3A_290 : i32 to vector<16xi32>
      %add3A_292 = arith.addi %add3A_128, %broadcast_in_dim3A_291 : vector<16xi32>
      %add3A_293 = arith.constant 96 : i32
      %add3A_294 = arith.addi %add3A_247, %add3A_293 : i32
      %swap3A_295 = arith.index_cast %add3A_294 : i32 to index
      %swap3A_296 = tpu.vector_load %arg6[%swap3A_295] {strides = array<i32>} : memref<16384xi32, #tpu.memory_space<vmem>>, vector<16xi32>,
      tpu.vector_store %arg6[%swap3A_295], %add3A_292 {strides = array<i32>} : memref<16384xi32, #tpu.memory_space<vmem>>, vector<16xi32>,
      %broadcast_in_dim3A_297 = arith.constant 16001920 : i32
      %broadcast_in_dim3A_298 = vector.broadcast %broadcast_in_dim3A_297 : i32 to vector<16xi32>
      %add3A_299 = arith.addi %add3A_128, %broadcast_in_dim3A_298 : vector<16xi32>
      %add3A_300 = arith.constant 112 : i32
      %add3A_301 = arith.addi %add3A_247, %add3A_300 : i32
      %swap3A_302 = arith.index_cast %add3A_301 : i32 to index
      %swap3A_303 = tpu.vector_load %arg6[%swap3A_302] {strides = array<i32>} : memref<16384xi32, #tpu.memory_space<vmem>>, vector<16xi32>,
      tpu.vector_store %arg6[%swap3A_302], %add3A_299 {strides = array<i32>} : memref<16384xi32, #tpu.memory_space<vmem>>, vector<16xi32>,
      %add3A_304 = arith.constant 384 : i32
      %add3A_305 = arith.addi %mul3A_130, %add3A_304 : i32
      %broadcast_in_dim3A_306 = arith.constant 24001536 : i32
      %broadcast_in_dim3A_307 = vector.broadcast %broadcast_in_dim3A_306 : i32 to vector<16xi32>
      %add3A_308 = arith.addi %add3A_128, %broadcast_in_dim3A_307 : vector<16xi32>
      %add3A_309 = arith.constant 0 : i32
      %add3A_310 = arith.addi %add3A_305, %add3A_309 : i32
      %swap3A_311 = arith.index_cast %add3A_310 : i32 to index
      %swap3A_312 = tpu.vector_load %arg6[%swap3A_311] {strides = array<i32>} : memref<16384xi32, #tpu.memory_space<vmem>>, vector<16xi32>,
      tpu.vector_store %arg6[%swap3A_311], %add3A_308 {strides = array<i32>} : memref<16384xi32, #tpu.memory_space<vmem>>, vector<16xi32>,
      %broadcast_in_dim3A_313 = arith.constant 24001664 : i32
      %broadcast_in_dim3A_314 = vector.broadcast %broadcast_in_dim3A_313 : i32 to vector<16xi32>
      %add3A_315 = arith.addi %add3A_128, %broadcast_in_dim3A_314 : vector<16xi32>
      %add3A_316 = arith.constant 16 : i32
      %add3A_317 = arith.addi %add3A_305, %add3A_316 : i32
      %swap3A_318 = arith.index_cast %add3A_317 : i32 to index
      %swap3A_319 = tpu.vector_load %arg6[%swap3A_318] {strides = array<i32>} : memref<16384xi32, #tpu.memory_space<vmem>>, vector<16xi32>,
      tpu.vector_store %arg6[%swap3A_318], %add3A_315 {strides = array<i32>} : memref<16384xi32, #tpu.memory_space<vmem>>, vector<16xi32>,
      %broadcast_in_dim3A_320 = arith.constant 24001792 : i32
      %broadcast_in_dim3A_321 = vector.broadcast %broadcast_in_dim3A_320 : i32 to vector<16xi32>
      %add3A_322 = arith.addi %add3A_128, %broadcast_in_dim3A_321 : vector<16xi32>
      %add3A_323 = arith.constant 32 : i32
      %add3A_324 = arith.addi %add3A_305, %add3A_323 : i32
      %swap3A_325 = arith.index_cast %add3A_324 : i32 to index
      %swap3A_326 = tpu.vector_load %arg6[%swap3A_325] {strides = array<i32>} : memref<16384xi32, #tpu.memory_space<vmem>>, vector<16xi32>,
      tpu.vector_store %arg6[%swap3A_325], %add3A_322 {strides = array<i32>} : memref<16384xi32, #tpu.memory_space<vmem>>, vector<16xi32>,
      %broadcast_in_dim3A_327 = arith.constant 24001920 : i32
      %broadcast_in_dim3A_328 = vector.broadcast %broadcast_in_dim3A_327 : i32 to vector<16xi32>
      %add3A_329 = arith.addi %add3A_128, %broadcast_in_dim3A_328 : vector<16xi32>
      %add3A_330 = arith.constant 48 : i32
      %add3A_331 = arith.addi %add3A_305, %add3A_330 : i32
      %swap3A_332 = arith.index_cast %add3A_331 : i32 to index
      %swap3A_333 = tpu.vector_load %arg6[%swap3A_332] {strides = array<i32>} : memref<16384xi32, #tpu.memory_space<vmem>>, vector<16xi32>,
      tpu.vector_store %arg6[%swap3A_332], %add3A_329 {strides = array<i32>} : memref<16384xi32, #tpu.memory_space<vmem>>, vector<16xi32>,
      %broadcast_in_dim3A_334 = arith.constant 24002048 : i32
      %broadcast_in_dim3A_335 = vector.broadcast %broadcast_in_dim3A_334 : i32 to vector<16xi32>
      %add3A_336 = arith.addi %add3A_128, %broadcast_in_dim3A_335 : vector<16xi32>
      %add3A_337 = arith.constant 64 : i32
      %add3A_338 = arith.addi %add3A_305, %add3A_337 : i32
      %swap3A_339 = arith.index_cast %add3A_338 : i32 to index
      %swap3A_340 = tpu.vector_load %arg6[%swap3A_339] {strides = array<i32>} : memref<16384xi32, #tpu.memory_space<vmem>>, vector<16xi32>,
      tpu.vector_store %arg6[%swap3A_339], %add3A_336 {strides = array<i32>} : memref<16384xi32, #tpu.memory_space<vmem>>, vector<16xi32>,
      %broadcast_in_dim3A_341 = arith.constant 24002176 : i32
      %broadcast_in_dim3A_342 = vector.broadcast %broadcast_in_dim3A_341 : i32 to vector<16xi32>
      %add3A_343 = arith.addi %add3A_128, %broadcast_in_dim3A_342 : vector<16xi32>
      %add3A_344 = arith.constant 80 : i32
      %add3A_345 = arith.addi %add3A_305, %add3A_344 : i32
      %swap3A_346 = arith.index_cast %add3A_345 : i32 to index
      %swap3A_347 = tpu.vector_load %arg6[%swap3A_346] {strides = array<i32>} : memref<16384xi32, #tpu.memory_space<vmem>>, vector<16xi32>,
      tpu.vector_store %arg6[%swap3A_346], %add3A_343 {strides = array<i32>} : memref<16384xi32, #tpu.memory_space<vmem>>, vector<16xi32>,
      %broadcast_in_dim3A_348 = arith.constant 24002304 : i32
      %broadcast_in_dim3A_349 = vector.broadcast %broadcast_in_dim3A_348 : i32 to vector<16xi32>
      %add3A_350 = arith.addi %add3A_128, %broadcast_in_dim3A_349 : vector<16xi32>
      %add3A_351 = arith.constant 96 : i32
      %add3A_352 = arith.addi %add3A_305, %add3A_351 : i32
      %swap3A_353 = arith.index_cast %add3A_352 : i32 to index
      %swap3A_354 = tpu.vector_load %arg6[%swap3A_353] {strides = array<i32>} : memref<16384xi32, #tpu.memory_space<vmem>>, vector<16xi32>,
      tpu.vector_store %arg6[%swap3A_353], %add3A_350 {strides = array<i32>} : memref<16384xi32, #tpu.memory_space<vmem>>, vector<16xi32>,
      %broadcast_in_dim3A_355 = arith.constant 24002432 : i32
      %broadcast_in_dim3A_356 = vector.broadcast %broadcast_in_dim3A_355 : i32 to vector<16xi32>
      %add3A_357 = arith.addi %add3A_128, %broadcast_in_dim3A_356 : vector<16xi32>
      %add3A_358 = arith.constant 112 : i32
      %add3A_359 = arith.addi %add3A_305, %add3A_358 : i32
      %swap3A_360 = arith.index_cast %add3A_359 : i32 to index
      %swap3A_361 = tpu.vector_load %arg6[%swap3A_360] {strides = array<i32>} : memref<16384xi32, #tpu.memory_space<vmem>>, vector<16xi32>,
      tpu.vector_store %arg6[%swap3A_360], %add3A_357 {strides = array<i32>} : memref<16384xi32, #tpu.memory_space<vmem>>, vector<16xi32>,
      %dma_start3A_362 = tpu.memref_slice %arg7[%mul3A_130] : memref<16384xf32, #tpu.memory_space<vmem>> -> memref<512xf32, #tpu.memory_space<vmem>>
      %dma_start3A_363 = tpu.memref_slice %arg6[%mul3A_130] : memref<16384xi32, #tpu.memory_space<vmem>> -> memref<512xi32, #tpu.memory_space<vmem>>
      %dma_start3A_364 = arith.constant 0 : i32
      %dma_start3A_365 = tpu.memref_slice %arg3[%scan3A_15, %dma_start3A_364] : memref<32x1000000xf32, #tpu.memory_space<hbm>> -> memref<1x128xf32, #tpu.memory_space<hbm>>
      %dma_start3A_366 = tpu.memref_squeeze %dma_start3A_365 : memref<1x128xf32, #tpu.memory_space<hbm>> -> memref<128xf32, #tpu.memory_space<hbm>>
      %dma_start3A_367 = arith.constant 0 : i32
      %dma_start3A_368 = tpu.memref_slice %dma_start3A_366[%dma_start3A_367] : memref<128xf32, #tpu.memory_space<hbm>> -> memref<128xf32, #tpu.memory_space<hbm>>
      tpu.enqueue_indirect_dma source(%dma_start3A_368 : memref<128xf32, #tpu.memory_space<hbm>>) target(%dma_start3A_362 : memref<512xf32, #tpu.memory_space<vmem>>) offsets(%dma_start3A_363 : memref<512xi32, #tpu.memory_space<vmem>>) semaphore(%arg10 : memref<!tpu.dma_semaphore, #tpu.memory_space<semaphore_mem>>)
      %scan3A_369 = arith.constant 0 : i32
      %scan3A_370 = arith.constant 1 : i32
      %scan3A_371 = arith.addi %scan3A_119, %scan3A_370 : i32
      %mul3A_372 = arith.constant 16 : i32
      %mul3A_373 = arith.muli %scan3A_371, %mul3A_372 : i32
      %get3A_374 = arith.index_cast %mul3A_373 : i32 to index
      %get3A_375 = tpu.vector_load %arg5[%get3A_374] {strides = array<i32>} : memref<512xi32, #tpu.memory_space<vmem>>, vector<16xi32>,
      %div3A_376 = arith.divsi %get3A_375, %broadcast_in_dim3A_3 : vector<16xi32>
      %div3A_377 = arith.divsi %div3A_376, %broadcast_in_dim3A_5 : vector<16xi32>
      %mul3A_378 = arith.muli %div3A_377, %broadcast_in_dim3A_7 : vector<16xi32>
      %rem3A_379 = arith.remsi %div3A_376, %broadcast_in_dim3A_5 : vector<16xi32>
      %add3A_380 = arith.addi %mul3A_378, %rem3A_379 : vector<16xi32>
      %mul3A_381 = arith.constant 512 : i32
      %mul3A_382 = arith.muli %scan3A_371, %mul3A_381 : i32
      %add3A_383 = arith.constant 0 : i32
      %add3A_384 = arith.addi %mul3A_382, %add3A_383 : i32
      %broadcast_in_dim3A_385 = arith.constant 0 : i32
      %broadcast_in_dim3A_386 = vector.broadcast %broadcast_in_dim3A_385 : i32 to vector<16xi32>
      %add3A_387 = arith.addi %add3A_380, %broadcast_in_dim3A_386 : vector<16xi32>
      %add3A_388 = arith.constant 0 : i32
      %add3A_389 = arith.addi %add3A_384, %add3A_388 : i32
      %swap3A_390 = arith.index_cast %add3A_389 : i32 to index
      %swap3A_391 = tpu.vector_load %arg6[%swap3A_390] {strides = array<i32>} : memref<16384xi32, #tpu.memory_space<vmem>>, vector<16xi32>,
      tpu.vector_store %arg6[%swap3A_390], %add3A_387 {strides = array<i32>} : memref<16384xi32, #tpu.memory_space<vmem>>, vector<16xi32>,
      %broadcast_in_dim3A_392 = arith.constant 128 : i32
      %broadcast_in_dim3A_393 = vector.broadcast %broadcast_in_dim3A_392 : i32 to vector<16xi32>
      %add3A_394 = arith.addi %add3A_380, %broadcast_in_dim3A_393 : vector<16xi32>
      %add3A_395 = arith.constant 16 : i32
      %add3A_396 = arith.addi %add3A_384, %add3A_395 : i32
      %swap3A_397 = arith.index_cast %add3A_396 : i32 to index
      %swap3A_398 = tpu.vector_load %arg6[%swap3A_397] {strides = array<i32>} : memref<16384xi32, #tpu.memory_space<vmem>>, vector<16xi32>,
      tpu.vector_store %arg6[%swap3A_397], %add3A_394 {strides = array<i32>} : memref<16384xi32, #tpu.memory_space<vmem>>, vector<16xi32>,
      %broadcast_in_dim3A_399 = arith.constant 256 : i32
      %broadcast_in_dim3A_400 = vector.broadcast %broadcast_in_dim3A_399 : i32 to vector<16xi32>
      %add3A_401 = arith.addi %add3A_380, %broadcast_in_dim3A_400 : vector<16xi32>
      %add3A_402 = arith.constant 32 : i32
      %add3A_403 = arith.addi %add3A_384, %add3A_402 : i32
      %swap3A_404 = arith.index_cast %add3A_403 : i32 to index
      %swap3A_405 = tpu.vector_load %arg6[%swap3A_404] {strides = array<i32>} : memref<16384xi32, #tpu.memory_space<vmem>>, vector<16xi32>,
      tpu.vector_store %arg6[%swap3A_404], %add3A_401 {strides = array<i32>} : memref<16384xi32, #tpu.memory_space<vmem>>, vector<16xi32>,
      %broadcast_in_dim3A_406 = arith.constant 384 : i32
      %broadcast_in_dim3A_407 = vector.broadcast %broadcast_in_dim3A_406 : i32 to vector<16xi32>
      %add3A_408 = arith.addi %add3A_380, %broadcast_in_dim3A_407 : vector<16xi32>
      %add3A_409 = arith.constant 48 : i32
      %add3A_410 = arith.addi %add3A_384, %add3A_409 : i32
      %swap3A_411 = arith.index_cast %add3A_410 : i32 to index
      %swap3A_412 = tpu.vector_load %arg6[%swap3A_411] {strides = array<i32>} : memref<16384xi32, #tpu.memory_space<vmem>>, vector<16xi32>,
      tpu.vector_store %arg6[%swap3A_411], %add3A_408 {strides = array<i32>} : memref<16384xi32, #tpu.memory_space<vmem>>, vector<16xi32>,
      %broadcast_in_dim3A_413 = arith.constant 512 : i32
      %broadcast_in_dim3A_414 = vector.broadcast %broadcast_in_dim3A_413 : i32 to vector<16xi32>
      %add3A_415 = arith.addi %add3A_380, %broadcast_in_dim3A_414 : vector<16xi32>
      %add3A_416 = arith.constant 64 : i32
      %add3A_417 = arith.addi %add3A_384, %add3A_416 : i32
      %swap3A_418 = arith.index_cast %add3A_417 : i32 to index
      %swap3A_419 = tpu.vector_load %arg6[%swap3A_418] {strides = array<i32>} : memref<16384xi32, #tpu.memory_space<vmem>>, vector<16xi32>,
      tpu.vector_store %arg6[%swap3A_418], %add3A_415 {strides = array<i32>} : memref<16384xi32, #tpu.memory_space<vmem>>, vector<16xi32>,
      %broadcast_in_dim3A_420 = arith.constant 640 : i32
      %broadcast_in_dim3A_421 = vector.broadcast %broadcast_in_dim3A_420 : i32 to vector<16xi32>
      %add3A_422 = arith.addi %add3A_380, %broadcast_in_dim3A_421 : vector<16xi32>
      %add3A_423 = arith.constant 80 : i32
      %add3A_424 = arith.addi %add3A_384, %add3A_423 : i32
      %swap3A_425 = arith.index_cast %add3A_424 : i32 to index
      %swap3A_426 = tpu.vector_load %arg6[%swap3A_425] {strides = array<i32>} : memref<16384xi32, #tpu.memory_space<vmem>>, vector<16xi32>,
      tpu.vector_store %arg6[%swap3A_425], %add3A_422 {strides = array<i32>} : memref<16384xi32, #tpu.memory_space<vmem>>, vector<16xi32>,
      %broadcast_in_dim3A_427 = arith.constant 768 : i32
      %broadcast_in_dim3A_428 = vector.broadcast %broadcast_in_dim3A_427 : i32 to vector<16xi32>
      %add3A_429 = arith.addi %add3A_380, %broadcast_in_dim3A_428 : vector<16xi32>
      %add3A_430 = arith.constant 96 : i32
      %add3A_431 = arith.addi %add3A_384, %add3A_430 : i32
      %swap3A_432 = arith.index_cast %add3A_431 : i32 to index
      %swap3A_433 = tpu.vector_load %arg6[%swap3A_432] {strides = array<i32>} : memref<16384xi32, #tpu.memory_space<vmem>>, vector<16xi32>,
      tpu.vector_store %arg6[%swap3A_432], %add3A_429 {strides = array<i32>} : memref<16384xi32, #tpu.memory_space<vmem>>, vector<16xi32>,
      %broadcast_in_dim3A_434 = arith.constant 896 : i32
      %broadcast_in_dim3A_435 = vector.broadcast %broadcast_in_dim3A_434 : i32 to vector<16xi32>
      %add3A_436 = arith.addi %add3A_380, %broadcast_in_dim3A_435 : vector<16xi32>
      %add3A_437 = arith.constant 112 : i32
      %add3A_438 = arith.addi %add3A_384, %add3A_437 : i32
      %swap3A_439 = arith.index_cast %add3A_438 : i32 to index
      %swap3A_440 = tpu.vector_load %arg6[%swap3A_439] {strides = array<i32>} : memref<16384xi32, #tpu.memory_space<vmem>>, vector<16xi32>,
      tpu.vector_store %arg6[%swap3A_439], %add3A_436 {strides = array<i32>} : memref<16384xi32, #tpu.memory_space<vmem>>, vector<16xi32>,
      %add3A_441 = arith.constant 128 : i32
      %add3A_442 = arith.addi %mul3A_382, %add3A_441 : i32
      %broadcast_in_dim3A_443 = arith.constant 8000512 : i32
      %broadcast_in_dim3A_444 = vector.broadcast %broadcast_in_dim3A_443 : i32 to vector<16xi32>
      %add3A_445 = arith.addi %add3A_380, %broadcast_in_dim3A_444 : vector<16xi32>
      %add3A_446 = arith.constant 0 : i32
      %add3A_447 = arith.addi %add3A_442, %add3A_446 : i32
      %swap3A_448 = arith.index_cast %add3A_447 : i32 to index
      %swap3A_449 = tpu.vector_load %arg6[%swap3A_448] {strides = array<i32>} : memref<16384xi32, #tpu.memory_space<vmem>>, vector<16xi32>,
      tpu.vector_store %arg6[%swap3A_448], %add3A_445 {strides = array<i32>} : memref<16384xi32, #tpu.memory_space<vmem>>, vector<16xi32>,
      %broadcast_in_dim3A_450 = arith.constant 8000640 : i32
      %broadcast_in_dim3A_451 = vector.broadcast %broadcast_in_dim3A_450 : i32 to vector<16xi32>
      %add3A_452 = arith.addi %add3A_380, %broadcast_in_dim3A_451 : vector<16xi32>
      %add3A_453 = arith.constant 16 : i32
      %add3A_454 = arith.addi %add3A_442, %add3A_453 : i32
      %swap3A_455 = arith.index_cast %add3A_454 : i32 to index
      %swap3A_456 = tpu.vector_load %arg6[%swap3A_455] {strides = array<i32>} : memref<16384xi32, #tpu.memory_space<vmem>>, vector<16xi32>,
      tpu.vector_store %arg6[%swap3A_455], %add3A_452 {strides = array<i32>} : memref<16384xi32, #tpu.memory_space<vmem>>, vector<16xi32>,
      %broadcast_in_dim3A_457 = arith.constant 8000768 : i32
      %broadcast_in_dim3A_458 = vector.broadcast %broadcast_in_dim3A_457 : i32 to vector<16xi32>
      %add3A_459 = arith.addi %add3A_380, %broadcast_in_dim3A_458 : vector<16xi32>
      %add3A_460 = arith.constant 32 : i32
      %add3A_461 = arith.addi %add3A_442, %add3A_460 : i32
      %swap3A_462 = arith.index_cast %add3A_461 : i32 to index
      %swap3A_463 = tpu.vector_load %arg6[%swap3A_462] {strides = array<i32>} : memref<16384xi32, #tpu.memory_space<vmem>>, vector<16xi32>,
      tpu.vector_store %arg6[%swap3A_462], %add3A_459 {strides = array<i32>} : memref<16384xi32, #tpu.memory_space<vmem>>, vector<16xi32>,
      %broadcast_in_dim3A_464 = arith.constant 8000896 : i32
      %broadcast_in_dim3A_465 = vector.broadcast %broadcast_in_dim3A_464 : i32 to vector<16xi32>
      %add3A_466 = arith.addi %add3A_380, %broadcast_in_dim3A_465 : vector<16xi32>
      %add3A_467 = arith.constant 48 : i32
      %add3A_468 = arith.addi %add3A_442, %add3A_467 : i32
      %swap3A_469 = arith.index_cast %add3A_468 : i32 to index
      %swap3A_470 = tpu.vector_load %arg6[%swap3A_469] {strides = array<i32>} : memref<16384xi32, #tpu.memory_space<vmem>>, vector<16xi32>,
      tpu.vector_store %arg6[%swap3A_469], %add3A_466 {strides = array<i32>} : memref<16384xi32, #tpu.memory_space<vmem>>, vector<16xi32>,
      %broadcast_in_dim3A_471 = arith.constant 8001024 : i32
      %broadcast_in_dim3A_472 = vector.broadcast %broadcast_in_dim3A_471 : i32 to vector<16xi32>
      %add3A_473 = arith.addi %add3A_380, %broadcast_in_dim3A_472 : vector<16xi32>
      %add3A_474 = arith.constant 64 : i32
      %add3A_475 = arith.addi %add3A_442, %add3A_474 : i32
      %swap3A_476 = arith.index_cast %add3A_475 : i32 to index
      %swap3A_477 = tpu.vector_load %arg6[%swap3A_476] {strides = array<i32>} : memref<16384xi32, #tpu.memory_space<vmem>>, vector<16xi32>,
      tpu.vector_store %arg6[%swap3A_476], %add3A_473 {strides = array<i32>} : memref<16384xi32, #tpu.memory_space<vmem>>, vector<16xi32>,
      %broadcast_in_dim3A_478 = arith.constant 8001152 : i32
      %broadcast_in_dim3A_479 = vector.broadcast %broadcast_in_dim3A_478 : i32 to vector<16xi32>
      %add3A_480 = arith.addi %add3A_380, %broadcast_in_dim3A_479 : vector<16xi32>
      %add3A_481 = arith.constant 80 : i32
      %add3A_482 = arith.addi %add3A_442, %add3A_481 : i32
      %swap3A_483 = arith.index_cast %add3A_482 : i32 to index
      %swap3A_484 = tpu.vector_load %arg6[%swap3A_483] {strides = array<i32>} : memref<16384xi32, #tpu.memory_space<vmem>>, vector<16xi32>,
      tpu.vector_store %arg6[%swap3A_483], %add3A_480 {strides = array<i32>} : memref<16384xi32, #tpu.memory_space<vmem>>, vector<16xi32>,
      %broadcast_in_dim3A_485 = arith.constant 8001280 : i32
      %broadcast_in_dim3A_486 = vector.broadcast %broadcast_in_dim3A_485 : i32 to vector<16xi32>
      %add3A_487 = arith.addi %add3A_380, %broadcast_in_dim3A_486 : vector<16xi32>
      %add3A_488 = arith.constant 96 : i32
      %add3A_489 = arith.addi %add3A_442, %add3A_488 : i32
      %swap3A_490 = arith.index_cast %add3A_489 : i32 to index
      %swap3A_491 = tpu.vector_load %arg6[%swap3A_490] {strides = array<i32>} : memref<16384xi32, #tpu.memory_space<vmem>>, vector<16xi32>,
      tpu.vector_store %arg6[%swap3A_490], %add3A_487 {strides = array<i32>} : memref<16384xi32, #tpu.memory_space<vmem>>, vector<16xi32>,
      %broadcast_in_dim3A_492 = arith.constant 8001408 : i32
      %broadcast_in_dim3A_493 = vector.broadcast %broadcast_in_dim3A_492 : i32 to vector<16xi32>
      %add3A_494 = arith.addi %add3A_380, %broadcast_in_dim3A_493 : vector<16xi32>
      %add3A_495 = arith.constant 112 : i32
      %add3A_496 = arith.addi %add3A_442, %add3A_495 : i32
      %swap3A_497 = arith.index_cast %add3A_496 : i32 to index
      %swap3A_498 = tpu.vector_load %arg6[%swap3A_497] {strides = array<i32>} : memref<16384xi32, #tpu.memory_space<vmem>>, vector<16xi32>,
      tpu.vector_store %arg6[%swap3A_497], %add3A_494 {strides = array<i32>} : memref<16384xi32, #tpu.memory_space<vmem>>, vector<16xi32>,
      %add3A_499 = arith.constant 256 : i32
      %add3A_500 = arith.addi %mul3A_382, %add3A_499 : i32
      %broadcast_in_dim3A_501 = arith.constant 16001024 : i32
      %broadcast_in_dim3A_502 = vector.broadcast %broadcast_in_dim3A_501 : i32 to vector<16xi32>
      %add3A_503 = arith.addi %add3A_380, %broadcast_in_dim3A_502 : vector<16xi32>
      %add3A_504 = arith.constant 0 : i32
      %add3A_505 = arith.addi %add3A_500, %add3A_504 : i32
      %swap3A_506 = arith.index_cast %add3A_505 : i32 to index
      %swap3A_507 = tpu.vector_load %arg6[%swap3A_506] {strides = array<i32>} : memref<16384xi32, #tpu.memory_space<vmem>>, vector<16xi32>,
      tpu.vector_store %arg6[%swap3A_506], %add3A_503 {strides = array<i32>} : memref<16384xi32, #tpu.memory_space<vmem>>, vector<16xi32>,
      %broadcast_in_dim3A_508 = arith.constant 16001152 : i32
      %broadcast_in_dim3A_509 = vector.broadcast %broadcast_in_dim3A_508 : i32 to vector<16xi32>
      %add3A_510 = arith.addi %add3A_380, %broadcast_in_dim3A_509 : vector<16xi32>
      %add3A_511 = arith.constant 16 : i32
      %add3A_512 = arith.addi %add3A_500, %add3A_511 : i32
      %swap3A_513 = arith.index_cast %add3A_512 : i32 to index
      %swap3A_514 = tpu.vector_load %arg6[%swap3A_513] {strides = array<i32>} : memref<16384xi32, #tpu.memory_space<vmem>>, vector<16xi32>,
      tpu.vector_store %arg6[%swap3A_513], %add3A_510 {strides = array<i32>} : memref<16384xi32, #tpu.memory_space<vmem>>, vector<16xi32>,
      %broadcast_in_dim3A_515 = arith.constant 16001280 : i32
      %broadcast_in_dim3A_516 = vector.broadcast %broadcast_in_dim3A_515 : i32 to vector<16xi32>
      %add3A_517 = arith.addi %add3A_380, %broadcast_in_dim3A_516 : vector<16xi32>
      %add3A_518 = arith.constant 32 : i32
      %add3A_519 = arith.addi %add3A_500, %add3A_518 : i32
      %swap3A_520 = arith.index_cast %add3A_519 : i32 to index
      %swap3A_521 = tpu.vector_load %arg6[%swap3A_520] {strides = array<i32>} : memref<16384xi32, #tpu.memory_space<vmem>>, vector<16xi32>,
      tpu.vector_store %arg6[%swap3A_520], %add3A_517 {strides = array<i32>} : memref<16384xi32, #tpu.memory_space<vmem>>, vector<16xi32>,
      %broadcast_in_dim3A_522 = arith.constant 16001408 : i32
      %broadcast_in_dim3A_523 = vector.broadcast %broadcast_in_dim3A_522 : i32 to vector<16xi32>
      %add3A_524 = arith.addi %add3A_380, %broadcast_in_dim3A_523 : vector<16xi32>
      %add3A_525 = arith.constant 48 : i32
      %add3A_526 = arith.addi %add3A_500, %add3A_525 : i32
      %swap3A_527 = arith.index_cast %add3A_526 : i32 to index
      %swap3A_528 = tpu.vector_load %arg6[%swap3A_527] {strides = array<i32>} : memref<16384xi32, #tpu.memory_space<vmem>>, vector<16xi32>,
      tpu.vector_store %arg6[%swap3A_527], %add3A_524 {strides = array<i32>} : memref<16384xi32, #tpu.memory_space<vmem>>, vector<16xi32>,
      %broadcast_in_dim3A_529 = arith.constant 16001536 : i32
      %broadcast_in_dim3A_530 = vector.broadcast %broadcast_in_dim3A_529 : i32 to vector<16xi32>
      %add3A_531 = arith.addi %add3A_380, %broadcast_in_dim3A_530 : vector<16xi32>
      %add3A_532 = arith.constant 64 : i32
      %add3A_533 = arith.addi %add3A_500, %add3A_532 : i32
      %swap3A_534 = arith.index_cast %add3A_533 : i32 to index
      %swap3A_535 = tpu.vector_load %arg6[%swap3A_534] {strides = array<i32>} : memref<16384xi32, #tpu.memory_space<vmem>>, vector<16xi32>,
      tpu.vector_store %arg6[%swap3A_534], %add3A_531 {strides = array<i32>} : memref<16384xi32, #tpu.memory_space<vmem>>, vector<16xi32>,
      %broadcast_in_dim3A_536 = arith.constant 16001664 : i32
      %broadcast_in_dim3A_537 = vector.broadcast %broadcast_in_dim3A_536 : i32 to vector<16xi32>
      %add3A_538 = arith.addi %add3A_380, %broadcast_in_dim3A_537 : vector<16xi32>
      %add3A_539 = arith.constant 80 : i32
      %add3A_540 = arith.addi %add3A_500, %add3A_539 : i32
      %swap3A_541 = arith.index_cast %add3A_540 : i32 to index
      %swap3A_542 = tpu.vector_load %arg6[%swap3A_541] {strides = array<i32>} : memref<16384xi32, #tpu.memory_space<vmem>>, vector<16xi32>,
      tpu.vector_store %arg6[%swap3A_541], %add3A_538 {strides = array<i32>} : memref<16384xi32, #tpu.memory_space<vmem>>, vector<16xi32>,
      %broadcast_in_dim3A_543 = arith.constant 16001792 : i32
      %broadcast_in_dim3A_544 = vector.broadcast %broadcast_in_dim3A_543 : i32 to vector<16xi32>
      %add3A_545 = arith.addi %add3A_380, %broadcast_in_dim3A_544 : vector<16xi32>
      %add3A_546 = arith.constant 96 : i32
      %add3A_547 = arith.addi %add3A_500, %add3A_546 : i32
      %swap3A_548 = arith.index_cast %add3A_547 : i32 to index
      %swap3A_549 = tpu.vector_load %arg6[%swap3A_548] {strides = array<i32>} : memref<16384xi32, #tpu.memory_space<vmem>>, vector<16xi32>,
      tpu.vector_store %arg6[%swap3A_548], %add3A_545 {strides = array<i32>} : memref<16384xi32, #tpu.memory_space<vmem>>, vector<16xi32>,
      %broadcast_in_dim3A_550 = arith.constant 16001920 : i32
      %broadcast_in_dim3A_551 = vector.broadcast %broadcast_in_dim3A_550 : i32 to vector<16xi32>
      %add3A_552 = arith.addi %add3A_380, %broadcast_in_dim3A_551 : vector<16xi32>
      %add3A_553 = arith.constant 112 : i32
      %add3A_554 = arith.addi %add3A_500, %add3A_553 : i32
      %swap3A_555 = arith.index_cast %add3A_554 : i32 to index
      %swap3A_556 = tpu.vector_load %arg6[%swap3A_555] {strides = array<i32>} : memref<16384xi32, #tpu.memory_space<vmem>>, vector<16xi32>,
      tpu.vector_store %arg6[%swap3A_555], %add3A_552 {strides = array<i32>} : memref<16384xi32, #tpu.memory_space<vmem>>, vector<16xi32>,
      %add3A_557 = arith.constant 384 : i32
      %add3A_558 = arith.addi %mul3A_382, %add3A_557 : i32
      %broadcast_in_dim3A_559 = arith.constant 24001536 : i32
      %broadcast_in_dim3A_560 = vector.broadcast %broadcast_in_dim3A_559 : i32 to vector<16xi32>
      %add3A_561 = arith.addi %add3A_380, %broadcast_in_dim3A_560 : vector<16xi32>
      %add3A_562 = arith.constant 0 : i32
      %add3A_563 = arith.addi %add3A_558, %add3A_562 : i32
      %swap3A_564 = arith.index_cast %add3A_563 : i32 to index
      %swap3A_565 = tpu.vector_load %arg6[%swap3A_564] {strides = array<i32>} : memref<16384xi32, #tpu.memory_space<vmem>>, vector<16xi32>,
      tpu.vector_store %arg6[%swap3A_564], %add3A_561 {strides = array<i32>} : memref<16384xi32, #tpu.memory_space<vmem>>, vector<16xi32>,
      %broadcast_in_dim3A_566 = arith.constant 24001664 : i32
      %broadcast_in_dim3A_567 = vector.broadcast %broadcast_in_dim3A_566 : i32 to vector<16xi32>
      %add3A_568 = arith.addi %add3A_380, %broadcast_in_dim3A_567 : vector<16xi32>
      %add3A_569 = arith.constant 16 : i32
      %add3A_570 = arith.addi %add3A_558, %add3A_569 : i32
      %swap3A_571 = arith.index_cast %add3A_570 : i32 to index
      %swap3A_572 = tpu.vector_load %arg6[%swap3A_571] {strides = array<i32>} : memref<16384xi32, #tpu.memory_space<vmem>>, vector<16xi32>,
      tpu.vector_store %arg6[%swap3A_571], %add3A_568 {strides = array<i32>} : memref<16384xi32, #tpu.memory_space<vmem>>, vector<16xi32>,
      %broadcast_in_dim3A_573 = arith.constant 24001792 : i32
      %broadcast_in_dim3A_574 = vector.broadcast %broadcast_in_dim3A_573 : i32 to vector<16xi32>
      %add3A_575 = arith.addi %add3A_380, %broadcast_in_dim3A_574 : vector<16xi32>
      %add3A_576 = arith.constant 32 : i32
      %add3A_577 = arith.addi %add3A_558, %add3A_576 : i32
      %swap3A_578 = arith.index_cast %add3A_577 : i32 to index
      %swap3A_579 = tpu.vector_load %arg6[%swap3A_578] {strides = array<i32>} : memref<16384xi32, #tpu.memory_space<vmem>>, vector<16xi32>,
      tpu.vector_store %arg6[%swap3A_578], %add3A_575 {strides = array<i32>} : memref<16384xi32, #tpu.memory_space<vmem>>, vector<16xi32>,
      %broadcast_in_dim3A_580 = arith.constant 24001920 : i32
      %broadcast_in_dim3A_581 = vector.broadcast %broadcast_in_dim3A_580 : i32 to vector<16xi32>
      %add3A_582 = arith.addi %add3A_380, %broadcast_in_dim3A_581 : vector<16xi32>
      %add3A_583 = arith.constant 48 : i32
      %add3A_584 = arith.addi %add3A_558, %add3A_583 : i32
      %swap3A_585 = arith.index_cast %add3A_584 : i32 to index
      %swap3A_586 = tpu.vector_load %arg6[%swap3A_585] {strides = array<i32>} : memref<16384xi32, #tpu.memory_space<vmem>>, vector<16xi32>,
      tpu.vector_store %arg6[%swap3A_585], %add3A_582 {strides = array<i32>} : memref<16384xi32, #tpu.memory_space<vmem>>, vector<16xi32>,
      %broadcast_in_dim3A_587 = arith.constant 24002048 : i32
      %broadcast_in_dim3A_588 = vector.broadcast %broadcast_in_dim3A_587 : i32 to vector<16xi32>
      %add3A_589 = arith.addi %add3A_380, %broadcast_in_dim3A_588 : vector<16xi32>
      %add3A_590 = arith.constant 64 : i32
      %add3A_591 = arith.addi %add3A_558, %add3A_590 : i32
      %swap3A_592 = arith.index_cast %add3A_591 : i32 to index
      %swap3A_593 = tpu.vector_load %arg6[%swap3A_592] {strides = array<i32>} : memref<16384xi32, #tpu.memory_space<vmem>>, vector<16xi32>,
      tpu.vector_store %arg6[%swap3A_592], %add3A_589 {strides = array<i32>} : memref<16384xi32, #tpu.memory_space<vmem>>, vector<16xi32>,
      %broadcast_in_dim3A_594 = arith.constant 24002176 : i32
      %broadcast_in_dim3A_595 = vector.broadcast %broadcast_in_dim3A_594 : i32 to vector<16xi32>
      %add3A_596 = arith.addi %add3A_380, %broadcast_in_dim3A_595 : vector<16xi32>
      %add3A_597 = arith.constant 80 : i32
      %add3A_598 = arith.addi %add3A_558, %add3A_597 : i32
      %swap3A_599 = arith.index_cast %add3A_598 : i32 to index
      %swap3A_600 = tpu.vector_load %arg6[%swap3A_599] {strides = array<i32>} : memref<16384xi32, #tpu.memory_space<vmem>>, vector<16xi32>,
      tpu.vector_store %arg6[%swap3A_599], %add3A_596 {strides = array<i32>} : memref<16384xi32, #tpu.memory_space<vmem>>, vector<16xi32>,
      %broadcast_in_dim3A_601 = arith.constant 24002304 : i32
      %broadcast_in_dim3A_602 = vector.broadcast %broadcast_in_dim3A_601 : i32 to vector<16xi32>
      %add3A_603 = arith.addi %add3A_380, %broadcast_in_dim3A_602 : vector<16xi32>
      %add3A_604 = arith.constant 96 : i32
      %add3A_605 = arith.addi %add3A_558, %add3A_604 : i32
      %swap3A_606 = arith.index_cast %add3A_605 : i32 to index
      %swap3A_607 = tpu.vector_load %arg6[%swap3A_606] {strides = array<i32>} : memref<16384xi32, #tpu.memory_space<vmem>>, vector<16xi32>,
      tpu.vector_store %arg6[%swap3A_606], %add3A_603 {strides = array<i32>} : memref<16384xi32, #tpu.memory_space<vmem>>, vector<16xi32>,
      %broadcast_in_dim3A_608 = arith.constant 24002432 : i32
      %broadcast_in_dim3A_609 = vector.broadcast %broadcast_in_dim3A_608 : i32 to vector<16xi32>
      %add3A_610 = arith.addi %add3A_380, %broadcast_in_dim3A_609 : vector<16xi32>
      %add3A_611 = arith.constant 112 : i32
      %add3A_612 = arith.addi %add3A_558, %add3A_611 : i32
      %swap3A_613 = arith.index_cast %add3A_612 : i32 to index
      %swap3A_614 = tpu.vector_load %arg6[%swap3A_613] {strides = array<i32>} : memref<16384xi32, #tpu.memory_space<vmem>>, vector<16xi32>,
      tpu.vector_store %arg6[%swap3A_613], %add3A_610 {strides = array<i32>} : memref<16384xi32, #tpu.memory_space<vmem>>, vector<16xi32>,
      %dma_start3A_615 = tpu.memref_slice %arg7[%mul3A_382] : memref<16384xf32, #tpu.memory_space<vmem>> -> memref<512xf32, #tpu.memory_space<vmem>>
      %dma_start3A_616 = tpu.memref_slice %arg6[%mul3A_382] : memref<16384xi32, #tpu.memory_space<vmem>> -> memref<512xi32, #tpu.memory_space<vmem>>
      %dma_start3A_617 = arith.constant 0 : i32
      %dma_start3A_618 = tpu.memref_slice %arg3[%scan3A_15, %dma_start3A_617] : memref<32x1000000xf32, #tpu.memory_space<hbm>> -> memref<1x128xf32, #tpu.memory_space<hbm>>
      %dma_start3A_619 = tpu.memref_squeeze %dma_start3A_618 : memref<1x128xf32, #tpu.memory_space<hbm>> -> memref<128xf32, #tpu.memory_space<hbm>>
      %dma_start3A_620 = arith.constant 0 : i32
      %dma_start3A_621 = tpu.memref_slice %dma_start3A_619[%dma_start3A_620] : memref<128xf32, #tpu.memory_space<hbm>> -> memref<128xf32, #tpu.memory_space<hbm>>
      tpu.enqueue_indirect_dma source(%dma_start3A_621 : memref<128xf32, #tpu.memory_space<hbm>>) target(%dma_start3A_615 : memref<512xf32, #tpu.memory_space<vmem>>) offsets(%dma_start3A_616 : memref<512xi32, #tpu.memory_space<vmem>>) semaphore(%arg10 : memref<!tpu.dma_semaphore, #tpu.memory_space<semaphore_mem>>)
      %scan3A_622 = arith.constant 0 : i32
      scf.yield %scan3A_622 : i32
    }
    %scan3A_22 = arith.constant 16 : i32
    %iota3A = tpu.iota {dimensions = array<i32: 0>} : vector<16xi32>
    %broadcast_in_dim3A_23 = arith.constant 8 : i32
    %broadcast_in_dim3A_24 = vector.broadcast %broadcast_in_dim3A_23 : i32 to vector<16xi32>
    %broadcast_in_dim3A_25 = arith.constant 16 : i32
    %broadcast_in_dim3A_26 = vector.broadcast %broadcast_in_dim3A_25 : i32 to vector<16xi32>
    %broadcast_in_dim3A_27 = arith.constant 128 : i32
    %broadcast_in_dim3A_28 = vector.broadcast %broadcast_in_dim3A_27 : i32 to vector<16xi32>
    %div3A = arith.divsi %iota3A, %broadcast_in_dim3A_24 : vector<16xi32>
    %mul3A_29 = arith.muli %div3A, %broadcast_in_dim3A_28 : vector<16xi32>
    %rem3A = arith.remsi %iota3A, %broadcast_in_dim3A_24 : vector<16xi32>
    %mul3A_30 = arith.muli %rem3A, %broadcast_in_dim3A_26 : vector<16xi32>
    %add3A_31 = arith.addi %mul3A_29, %mul3A_30 : vector<16xi32>
    %broadcast_in_dim3A_32 = arith.constant 256 : i32
    %broadcast_in_dim3A_33 = vector.broadcast %broadcast_in_dim3A_32 : i32 to vector<16xi32>
    %add3A_34 = arith.addi %add3A_31, %broadcast_in_dim3A_33 : vector<16xi32>
    %dma_wait3A = arith.constant 0 : i32
    %dma_wait3A_35 = arith.constant 0 : i32
    %dma_wait3A_36 = tpu.memref_slice %arg7[%dma_wait3A_35] : memref<16384xf32, #tpu.memory_space<vmem>> -> memref<8192xf32, #tpu.memory_space<vmem>>
    %dma_wait3A_37 = arith.constant 0 : i32
    %dma_wait3A_38 = tpu.memref_slice %arg3[%dma_wait3A, %dma_wait3A_37] : memref<32x1000000xf32, #tpu.memory_space<hbm>> -> memref<1x128xf32, #tpu.memory_space<hbm>>
    %dma_wait3A_39 = tpu.memref_squeeze %dma_wait3A_38 : memref<1x128xf32, #tpu.memory_space<hbm>> -> memref<128xf32, #tpu.memory_space<hbm>>
    %dma_wait3A_40 = arith.constant 0 : i32
    %dma_wait3A_41 = tpu.memref_slice %dma_wait3A_39[%dma_wait3A_40] : memref<128xf32, #tpu.memory_space<hbm>> -> memref<8192xf32, #tpu.memory_space<hbm>>
    %dma_wait3A_42 = arith.constant 0 : i32
    %dma_wait3A_43 = tpu.memref_slice %arg7[%dma_wait3A_42] : memref<16384xf32, #tpu.memory_space<vmem>> -> memref<8192xf32, #tpu.memory_space<vmem>>
    %dma_wait3A_44 = arith.constant 0 : i32
    %dma_wait3A_45 = tpu.memref_slice %arg3[%dma_wait3A, %dma_wait3A_44] : memref<32x1000000xf32, #tpu.memory_space<hbm>> -> memref<1x128xf32, #tpu.memory_space<hbm>>
    %dma_wait3A_46 = tpu.memref_squeeze %dma_wait3A_45 : memref<1x128xf32, #tpu.memory_space<hbm>> -> memref<128xf32, #tpu.memory_space<hbm>>
    %dma_wait3A_47 = arith.constant 0 : i32
    %dma_wait3A_48 = tpu.memref_slice %dma_wait3A_46[%dma_wait3A_47] : memref<128xf32, #tpu.memory_space<hbm>> -> memref<8192xf32, #tpu.memory_space<hbm>>
    tpu.wait_dma2 semaphore(%arg9 : memref<!tpu.dma_semaphore, #tpu.memory_space<semaphore_mem>>) src(%dma_wait3A_48 : memref<8192xf32, #tpu.memory_space<hbm>>) dst(%dma_wait3A_43 : memref<8192xf32, #tpu.memory_space<vmem>>)
    %scan3A_49 = arith.constant 0 : i32
    %scan3A_50 = arith.constant 0 : i32
    %scan3A_51 = arith.constant 16 : i32
    %scan3A_52 = arith.addi %scan3A_50, %scan3A_51 : i32
    %scan3A_53 = arith.constant 2 : i32
    %scan3A_54 = scf.for %scan3A_119 = %scan3A_50 to %scan3A_52 step %scan3A_53 iter_args(%scan3A_120 = %scan3A_49) -> (i32)  : i32 {
      %mul3A_121 = arith.constant 512 : i32
      %mul3A_122 = arith.muli %scan3A_119, %mul3A_121 : i32
      %add3A_123 = arith.constant 0 : i32
      %add3A_124 = arith.addi %mul3A_122, %add3A_123 : i32
      %broadcast_in_dim3A_125 = vector.broadcast %add3A_124 : i32 to vector<16xi32>
      %add3A_126 = arith.addi %add3A_31, %broadcast_in_dim3A_125 : vector<16xi32>
      %gather3A = tpu.vector_load_idx %arg7[%add3A_126] : memref<16384xf32, #tpu.memory_space<vmem>>[vector<16xi32>], vector<16xf32>,
      %add3A_127 = arith.addi %add3A_34, %broadcast_in_dim3A_125 : vector<16xi32>
      %gather3A_128 = tpu.vector_load_idx %arg7[%add3A_127] : memref<16384xf32, #tpu.memory_space<vmem>>[vector<16xi32>], vector<16xf32>,
      %add3A_129 = arith.constant 1 : i32
      %add3A_130 = arith.addi %mul3A_122, %add3A_129 : i32
      %broadcast_in_dim3A_131 = vector.broadcast %add3A_130 : i32 to vector<16xi32>
      %add3A_132 = arith.addi %add3A_31, %broadcast_in_dim3A_131 : vector<16xi32>
      %gather3A_133 = tpu.vector_load_idx %arg7[%add3A_132] : memref<16384xf32, #tpu.memory_space<vmem>>[vector<16xi32>], vector<16xf32>,
      %add3A_134 = arith.addi %add3A_34, %broadcast_in_dim3A_131 : vector<16xi32>
      %gather3A_135 = tpu.vector_load_idx %arg7[%add3A_134] : memref<16384xf32, #tpu.memory_space<vmem>>[vector<16xi32>], vector<16xf32>,
      %add3A_136 = arith.constant 2 : i32
      %add3A_137 = arith.addi %mul3A_122, %add3A_136 : i32
      %broadcast_in_dim3A_138 = vector.broadcast %add3A_137 : i32 to vector<16xi32>
      %add3A_139 = arith.addi %add3A_31, %broadcast_in_dim3A_138 : vector<16xi32>
      %gather3A_140 = tpu.vector_load_idx %arg7[%add3A_139] : memref<16384xf32, #tpu.memory_space<vmem>>[vector<16xi32>], vector<16xf32>,
      %add3A_141 = arith.addi %add3A_34, %broadcast_in_dim3A_138 : vector<16xi32>
      %gather3A_142 = tpu.vector_load_idx %arg7[%add3A_141] : memref<16384xf32, #tpu.memory_space<vmem>>[vector<16xi32>], vector<16xf32>,
      %add3A_143 = arith.constant 3 : i32
      %add3A_144 = arith.addi %mul3A_122, %add3A_143 : i32
      %broadcast_in_dim3A_145 = vector.broadcast %add3A_144 : i32 to vector<16xi32>
      %add3A_146 = arith.addi %add3A_31, %broadcast_in_dim3A_145 : vector<16xi32>
      %gather3A_147 = tpu.vector_load_idx %arg7[%add3A_146] : memref<16384xf32, #tpu.memory_space<vmem>>[vector<16xi32>], vector<16xf32>,
      %add3A_148 = arith.addi %add3A_34, %broadcast_in_dim3A_145 : vector<16xi32>
      %gather3A_149 = tpu.vector_load_idx %arg7[%add3A_148] : memref<16384xf32, #tpu.memory_space<vmem>>[vector<16xi32>], vector<16xf32>,
      %add3A_150 = arith.constant 4 : i32
      %add3A_151 = arith.addi %mul3A_122, %add3A_150 : i32
      %broadcast_in_dim3A_152 = vector.broadcast %add3A_151 : i32 to vector<16xi32>
      %add3A_153 = arith.addi %add3A_31, %broadcast_in_dim3A_152 : vector<16xi32>
      %gather3A_154 = tpu.vector_load_idx %arg7[%add3A_153] : memref<16384xf32, #tpu.memory_space<vmem>>[vector<16xi32>], vector<16xf32>,
      %add3A_155 = arith.addi %add3A_34, %broadcast_in_dim3A_152 : vector<16xi32>
      %gather3A_156 = tpu.vector_load_idx %arg7[%add3A_155] : memref<16384xf32, #tpu.memory_space<vmem>>[vector<16xi32>], vector<16xf32>,
      %add3A_157 = arith.constant 5 : i32
      %add3A_158 = arith.addi %mul3A_122, %add3A_157 : i32
      %broadcast_in_dim3A_159 = vector.broadcast %add3A_158 : i32 to vector<16xi32>
      %add3A_160 = arith.addi %add3A_31, %broadcast_in_dim3A_159 : vector<16xi32>
      %gather3A_161 = tpu.vector_load_idx %arg7[%add3A_160] : memref<16384xf32, #tpu.memory_space<vmem>>[vector<16xi32>], vector<16xf32>,
      %add3A_162 = arith.addi %add3A_34, %broadcast_in_dim3A_159 : vector<16xi32>
      %gather3A_163 = tpu.vector_load_idx %arg7[%add3A_162] : memref<16384xf32, #tpu.memory_space<vmem>>[vector<16xi32>], vector<16xf32>,
      %add3A_164 = arith.constant 6 : i32
      %add3A_165 = arith.addi %mul3A_122, %add3A_164 : i32
      %broadcast_in_dim3A_166 = vector.broadcast %add3A_165 : i32 to vector<16xi32>
      %add3A_167 = arith.addi %add3A_31, %broadcast_in_dim3A_166 : vector<16xi32>
      %gather3A_168 = tpu.vector_load_idx %arg7[%add3A_167] : memref<16384xf32, #tpu.memory_space<vmem>>[vector<16xi32>], vector<16xf32>,
      %add3A_169 = arith.addi %add3A_34, %broadcast_in_dim3A_166 : vector<16xi32>
      %gather3A_170 = tpu.vector_load_idx %arg7[%add3A_169] : memref<16384xf32, #tpu.memory_space<vmem>>[vector<16xi32>], vector<16xf32>,
      %add3A_171 = arith.constant 7 : i32
      %add3A_172 = arith.addi %mul3A_122, %add3A_171 : i32
      %broadcast_in_dim3A_173 = vector.broadcast %add3A_172 : i32 to vector<16xi32>
      %add3A_174 = arith.addi %add3A_31, %broadcast_in_dim3A_173 : vector<16xi32>
      %gather3A_175 = tpu.vector_load_idx %arg7[%add3A_174] : memref<16384xf32, #tpu.memory_space<vmem>>[vector<16xi32>], vector<16xf32>,
      %add3A_176 = arith.addi %add3A_34, %broadcast_in_dim3A_173 : vector<16xi32>
      %gather3A_177 = tpu.vector_load_idx %arg7[%add3A_176] : memref<16384xf32, #tpu.memory_space<vmem>>[vector<16xi32>], vector<16xf32>,
      %add3A_178 = arith.constant 8 : i32
      %add3A_179 = arith.addi %mul3A_122, %add3A_178 : i32
      %broadcast_in_dim3A_180 = vector.broadcast %add3A_179 : i32 to vector<16xi32>
      %add3A_181 = arith.addi %add3A_31, %broadcast_in_dim3A_180 : vector<16xi32>
      %gather3A_182 = tpu.vector_load_idx %arg7[%add3A_181] : memref<16384xf32, #tpu.memory_space<vmem>>[vector<16xi32>], vector<16xf32>,
      %add3A_183 = arith.addi %add3A_34, %broadcast_in_dim3A_180 : vector<16xi32>
      %gather3A_184 = tpu.vector_load_idx %arg7[%add3A_183] : memref<16384xf32, #tpu.memory_space<vmem>>[vector<16xi32>], vector<16xf32>,
      %add3A_185 = arith.constant 9 : i32
      %add3A_186 = arith.addi %mul3A_122, %add3A_185 : i32
      %broadcast_in_dim3A_187 = vector.broadcast %add3A_186 : i32 to vector<16xi32>
      %add3A_188 = arith.addi %add3A_31, %broadcast_in_dim3A_187 : vector<16xi32>
      %gather3A_189 = tpu.vector_load_idx %arg7[%add3A_188] : memref<16384xf32, #tpu.memory_space<vmem>>[vector<16xi32>], vector<16xf32>,
      %add3A_190 = arith.addi %add3A_34, %broadcast_in_dim3A_187 : vector<16xi32>
      %gather3A_191 = tpu.vector_load_idx %arg7[%add3A_190] : memref<16384xf32, #tpu.memory_space<vmem>>[vector<16xi32>], vector<16xf32>,
      %add3A_192 = arith.constant 10 : i32
      %add3A_193 = arith.addi %mul3A_122, %add3A_192 : i32
      %broadcast_in_dim3A_194 = vector.broadcast %add3A_193 : i32 to vector<16xi32>
      %add3A_195 = arith.addi %add3A_31, %broadcast_in_dim3A_194 : vector<16xi32>
      %gather3A_196 = tpu.vector_load_idx %arg7[%add3A_195] : memref<16384xf32, #tpu.memory_space<vmem>>[vector<16xi32>], vector<16xf32>,
      %add3A_197 = arith.addi %add3A_34, %broadcast_in_dim3A_194 : vector<16xi32>
      %gather3A_198 = tpu.vector_load_idx %arg7[%add3A_197] : memref<16384xf32, #tpu.memory_space<vmem>>[vector<16xi32>], vector<16xf32>,
      %add3A_199 = arith.constant 11 : i32
      %add3A_200 = arith.addi %mul3A_122, %add3A_199 : i32
      %broadcast_in_dim3A_201 = vector.broadcast %add3A_200 : i32 to vector<16xi32>
      %add3A_202 = arith.addi %add3A_31, %broadcast_in_dim3A_201 : vector<16xi32>
      %gather3A_203 = tpu.vector_load_idx %arg7[%add3A_202] : memref<16384xf32, #tpu.memory_space<vmem>>[vector<16xi32>], vector<16xf32>,
      %add3A_204 = arith.addi %add3A_34, %broadcast_in_dim3A_201 : vector<16xi32>
      %gather3A_205 = tpu.vector_load_idx %arg7[%add3A_204] : memref<16384xf32, #tpu.memory_space<vmem>>[vector<16xi32>], vector<16xf32>,
      %add3A_206 = arith.constant 12 : i32
      %add3A_207 = arith.addi %mul3A_122, %add3A_206 : i32
      %broadcast_in_dim3A_208 = vector.broadcast %add3A_207 : i32 to vector<16xi32>
      %add3A_209 = arith.addi %add3A_31, %broadcast_in_dim3A_208 : vector<16xi32>
      %gather3A_210 = tpu.vector_load_idx %arg7[%add3A_209] : memref<16384xf32, #tpu.memory_space<vmem>>[vector<16xi32>], vector<16xf32>,
      %add3A_211 = arith.addi %add3A_34, %broadcast_in_dim3A_208 : vector<16xi32>
      %gather3A_212 = tpu.vector_load_idx %arg7[%add3A_211] : memref<16384xf32, #tpu.memory_space<vmem>>[vector<16xi32>], vector<16xf32>,
      %add3A_213 = arith.constant 13 : i32
      %add3A_214 = arith.addi %mul3A_122, %add3A_213 : i32
      %broadcast_in_dim3A_215 = vector.broadcast %add3A_214 : i32 to vector<16xi32>
      %add3A_216 = arith.addi %add3A_31, %broadcast_in_dim3A_215 : vector<16xi32>
      %gather3A_217 = tpu.vector_load_idx %arg7[%add3A_216] : memref<16384xf32, #tpu.memory_space<vmem>>[vector<16xi32>], vector<16xf32>,
      %add3A_218 = arith.addi %add3A_34, %broadcast_in_dim3A_215 : vector<16xi32>
      %gather3A_219 = tpu.vector_load_idx %arg7[%add3A_218] : memref<16384xf32, #tpu.memory_space<vmem>>[vector<16xi32>], vector<16xf32>,
      %add3A_220 = arith.constant 14 : i32
      %add3A_221 = arith.addi %mul3A_122, %add3A_220 : i32
      %broadcast_in_dim3A_222 = vector.broadcast %add3A_221 : i32 to vector<16xi32>
      %add3A_223 = arith.addi %add3A_31, %broadcast_in_dim3A_222 : vector<16xi32>
      %gather3A_224 = tpu.vector_load_idx %arg7[%add3A_223] : memref<16384xf32, #tpu.memory_space<vmem>>[vector<16xi32>], vector<16xf32>,
      %add3A_225 = arith.addi %add3A_34, %broadcast_in_dim3A_222 : vector<16xi32>
      %gather3A_226 = tpu.vector_load_idx %arg7[%add3A_225] : memref<16384xf32, #tpu.memory_space<vmem>>[vector<16xi32>], vector<16xf32>,
      %add3A_227 = arith.constant 15 : i32
      %add3A_228 = arith.addi %mul3A_122, %add3A_227 : i32
      %broadcast_in_dim3A_229 = vector.broadcast %add3A_228 : i32 to vector<16xi32>
      %add3A_230 = arith.addi %add3A_31, %broadcast_in_dim3A_229 : vector<16xi32>
      %gather3A_231 = tpu.vector_load_idx %arg7[%add3A_230] : memref<16384xf32, #tpu.memory_space<vmem>>[vector<16xi32>], vector<16xf32>,
      %add3A_232 = arith.addi %add3A_34, %broadcast_in_dim3A_229 : vector<16xi32>
      %gather3A_233 = tpu.vector_load_idx %arg7[%add3A_232] : memref<16384xf32, #tpu.memory_space<vmem>>[vector<16xi32>], vector<16xf32>,
      %mul3A_234 = arith.constant 16 : i32
      %mul3A_235 = arith.muli %scan3A_119, %mul3A_234 : i32
      %add3A_236 = arith.constant 0 : i32
      %add3A_237 = arith.addi %mul3A_235, %add3A_236 : i32
      %swap3A = arith.index_cast %add3A_237 : i32 to index
      %swap3A_238 = arith.constant 0 : index
      %swap3A_239 = tpu.vector_load %arg8[%swap3A, %swap3A_238] {strides = array<i32>} : memref<512x32xf32, #tpu.memory_space<vmem>>, vector<16xf32>,
      tpu.vector_store %arg8[%swap3A, %swap3A_238], %gather3A {strides = array<i32>} : memref<512x32xf32, #tpu.memory_space<vmem>>, vector<16xf32>,
      %swap3A_240 = arith.index_cast %add3A_237 : i32 to index
      %swap3A_241 = arith.constant 16 : index
      %swap3A_242 = tpu.vector_load %arg8[%swap3A_240, %swap3A_241] {strides = array<i32>} : memref<512x32xf32, #tpu.memory_space<vmem>>, vector<16xf32>,
      tpu.vector_store %arg8[%swap3A_240, %swap3A_241], %gather3A_128 {strides = array<i32>} : memref<512x32xf32, #tpu.memory_space<vmem>>, vector<16xf32>,
      %mul3A_243 = arith.constant 16 : i32
      %mul3A_244 = arith.muli %scan3A_119, %mul3A_243 : i32
      %add3A_245 = arith.constant 1 : i32
      %add3A_246 = arith.addi %mul3A_244, %add3A_245 : i32
      %swap3A_247 = arith.index_cast %add3A_246 : i32 to index
      %swap3A_248 = arith.constant 0 : index
      %swap3A_249 = tpu.vector_load %arg8[%swap3A_247, %swap3A_248] {strides = array<i32>} : memref<512x32xf32, #tpu.memory_space<vmem>>, vector<16xf32>,
      tpu.vector_store %arg8[%swap3A_247, %swap3A_248], %gather3A_133 {strides = array<i32>} : memref<512x32xf32, #tpu.memory_space<vmem>>, vector<16xf32>,
      %swap3A_250 = arith.index_cast %add3A_246 : i32 to index
      %swap3A_251 = arith.constant 16 : index
      %swap3A_252 = tpu.vector_load %arg8[%swap3A_250, %swap3A_251] {strides = array<i32>} : memref<512x32xf32, #tpu.memory_space<vmem>>, vector<16xf32>,
      tpu.vector_store %arg8[%swap3A_250, %swap3A_251], %gather3A_135 {strides = array<i32>} : memref<512x32xf32, #tpu.memory_space<vmem>>, vector<16xf32>,
      %mul3A_253 = arith.constant 16 : i32
      %mul3A_254 = arith.muli %scan3A_119, %mul3A_253 : i32
      %add3A_255 = arith.constant 2 : i32
      %add3A_256 = arith.addi %mul3A_254, %add3A_255 : i32
      %swap3A_257 = arith.index_cast %add3A_256 : i32 to index
      %swap3A_258 = arith.constant 0 : index
      %swap3A_259 = tpu.vector_load %arg8[%swap3A_257, %swap3A_258] {strides = array<i32>} : memref<512x32xf32, #tpu.memory_space<vmem>>, vector<16xf32>,
      tpu.vector_store %arg8[%swap3A_257, %swap3A_258], %gather3A_140 {strides = array<i32>} : memref<512x32xf32, #tpu.memory_space<vmem>>, vector<16xf32>,
      %swap3A_260 = arith.index_cast %add3A_256 : i32 to index
      %swap3A_261 = arith.constant 16 : index
      %swap3A_262 = tpu.vector_load %arg8[%swap3A_260, %swap3A_261] {strides = array<i32>} : memref<512x32xf32, #tpu.memory_space<vmem>>, vector<16xf32>,
      tpu.vector_store %arg8[%swap3A_260, %swap3A_261], %gather3A_142 {strides = array<i32>} : memref<512x32xf32, #tpu.memory_space<vmem>>, vector<16xf32>,
      %mul3A_263 = arith.constant 16 : i32
      %mul3A_264 = arith.muli %scan3A_119, %mul3A_263 : i32
      %add3A_265 = arith.constant 3 : i32
      %add3A_266 = arith.addi %mul3A_264, %add3A_265 : i32
      %swap3A_267 = arith.index_cast %add3A_266 : i32 to index
      %swap3A_268 = arith.constant 0 : index
      %swap3A_269 = tpu.vector_load %arg8[%swap3A_267, %swap3A_268] {strides = array<i32>} : memref<512x32xf32, #tpu.memory_space<vmem>>, vector<16xf32>,
      tpu.vector_store %arg8[%swap3A_267, %swap3A_268], %gather3A_147 {strides = array<i32>} : memref<512x32xf32, #tpu.memory_space<vmem>>, vector<16xf32>,
      %swap3A_270 = arith.index_cast %add3A_266 : i32 to index
      %swap3A_271 = arith.constant 16 : index
      %swap3A_272 = tpu.vector_load %arg8[%swap3A_270, %swap3A_271] {strides = array<i32>} : memref<512x32xf32, #tpu.memory_space<vmem>>, vector<16xf32>,
      tpu.vector_store %arg8[%swap3A_270, %swap3A_271], %gather3A_149 {strides = array<i32>} : memref<512x32xf32, #tpu.memory_space<vmem>>, vector<16xf32>,
      %mul3A_273 = arith.constant 16 : i32
      %mul3A_274 = arith.muli %scan3A_119, %mul3A_273 : i32
      %add3A_275 = arith.constant 4 : i32
      %add3A_276 = arith.addi %mul3A_274, %add3A_275 : i32
      %swap3A_277 = arith.index_cast %add3A_276 : i32 to index
      %swap3A_278 = arith.constant 0 : index
      %swap3A_279 = tpu.vector_load %arg8[%swap3A_277, %swap3A_278] {strides = array<i32>} : memref<512x32xf32, #tpu.memory_space<vmem>>, vector<16xf32>,
      tpu.vector_store %arg8[%swap3A_277, %swap3A_278], %gather3A_154 {strides = array<i32>} : memref<512x32xf32, #tpu.memory_space<vmem>>, vector<16xf32>,
      %swap3A_280 = arith.index_cast %add3A_276 : i32 to index
      %swap3A_281 = arith.constant 16 : index
      %swap3A_282 = tpu.vector_load %arg8[%swap3A_280, %swap3A_281] {strides = array<i32>} : memref<512x32xf32, #tpu.memory_space<vmem>>, vector<16xf32>,
      tpu.vector_store %arg8[%swap3A_280, %swap3A_281], %gather3A_156 {strides = array<i32>} : memref<512x32xf32, #tpu.memory_space<vmem>>, vector<16xf32>,
      %mul3A_283 = arith.constant 16 : i32
      %mul3A_284 = arith.muli %scan3A_119, %mul3A_283 : i32
      %add3A_285 = arith.constant 5 : i32
      %add3A_286 = arith.addi %mul3A_284, %add3A_285 : i32
      %swap3A_287 = arith.index_cast %add3A_286 : i32 to index
      %swap3A_288 = arith.constant 0 : index
      %swap3A_289 = tpu.vector_load %arg8[%swap3A_287, %swap3A_288] {strides = array<i32>} : memref<512x32xf32, #tpu.memory_space<vmem>>, vector<16xf32>,
      tpu.vector_store %arg8[%swap3A_287, %swap3A_288], %gather3A_161 {strides = array<i32>} : memref<512x32xf32, #tpu.memory_space<vmem>>, vector<16xf32>,
      %swap3A_290 = arith.index_cast %add3A_286 : i32 to index
      %swap3A_291 = arith.constant 16 : index
      %swap3A_292 = tpu.vector_load %arg8[%swap3A_290, %swap3A_291] {strides = array<i32>} : memref<512x32xf32, #tpu.memory_space<vmem>>, vector<16xf32>,
      tpu.vector_store %arg8[%swap3A_290, %swap3A_291], %gather3A_163 {strides = array<i32>} : memref<512x32xf32, #tpu.memory_space<vmem>>, vector<16xf32>,
      %mul3A_293 = arith.constant 16 : i32
      %mul3A_294 = arith.muli %scan3A_119, %mul3A_293 : i32
      %add3A_295 = arith.constant 6 : i32
      %add3A_296 = arith.addi %mul3A_294, %add3A_295 : i32
      %swap3A_297 = arith.index_cast %add3A_296 : i32 to index
      %swap3A_298 = arith.constant 0 : index
      %swap3A_299 = tpu.vector_load %arg8[%swap3A_297, %swap3A_298] {strides = array<i32>} : memref<512x32xf32, #tpu.memory_space<vmem>>, vector<16xf32>,
      tpu.vector_store %arg8[%swap3A_297, %swap3A_298], %gather3A_168 {strides = array<i32>} : memref<512x32xf32, #tpu.memory_space<vmem>>, vector<16xf32>,
      %swap3A_300 = arith.index_cast %add3A_296 : i32 to index
      %swap3A_301 = arith.constant 16 : index
      %swap3A_302 = tpu.vector_load %arg8[%swap3A_300, %swap3A_301] {strides = array<i32>} : memref<512x32xf32, #tpu.memory_space<vmem>>, vector<16xf32>,
      tpu.vector_store %arg8[%swap3A_300, %swap3A_301], %gather3A_170 {strides = array<i32>} : memref<512x32xf32, #tpu.memory_space<vmem>>, vector<16xf32>,
      %mul3A_303 = arith.constant 16 : i32
      %mul3A_304 = arith.muli %scan3A_119, %mul3A_303 : i32
      %add3A_305 = arith.constant 7 : i32
      %add3A_306 = arith.addi %mul3A_304, %add3A_305 : i32
      %swap3A_307 = arith.index_cast %add3A_306 : i32 to index
      %swap3A_308 = arith.constant 0 : index
      %swap3A_309 = tpu.vector_load %arg8[%swap3A_307, %swap3A_308] {strides = array<i32>} : memref<512x32xf32, #tpu.memory_space<vmem>>, vector<16xf32>,
      tpu.vector_store %arg8[%swap3A_307, %swap3A_308], %gather3A_175 {strides = array<i32>} : memref<512x32xf32, #tpu.memory_space<vmem>>, vector<16xf32>,
      %swap3A_310 = arith.index_cast %add3A_306 : i32 to index
      %swap3A_311 = arith.constant 16 : index
      %swap3A_312 = tpu.vector_load %arg8[%swap3A_310, %swap3A_311] {strides = array<i32>} : memref<512x32xf32, #tpu.memory_space<vmem>>, vector<16xf32>,
      tpu.vector_store %arg8[%swap3A_310, %swap3A_311], %gather3A_177 {strides = array<i32>} : memref<512x32xf32, #tpu.memory_space<vmem>>, vector<16xf32>,
      %mul3A_313 = arith.constant 16 : i32
      %mul3A_314 = arith.muli %scan3A_119, %mul3A_313 : i32
      %add3A_315 = arith.constant 8 : i32
      %add3A_316 = arith.addi %mul3A_314, %add3A_315 : i32
      %swap3A_317 = arith.index_cast %add3A_316 : i32 to index
      %swap3A_318 = arith.constant 0 : index
      %swap3A_319 = tpu.vector_load %arg8[%swap3A_317, %swap3A_318] {strides = array<i32>} : memref<512x32xf32, #tpu.memory_space<vmem>>, vector<16xf32>,
      tpu.vector_store %arg8[%swap3A_317, %swap3A_318], %gather3A_182 {strides = array<i32>} : memref<512x32xf32, #tpu.memory_space<vmem>>, vector<16xf32>,
      %swap3A_320 = arith.index_cast %add3A_316 : i32 to index
      %swap3A_321 = arith.constant 16 : index
      %swap3A_322 = tpu.vector_load %arg8[%swap3A_320, %swap3A_321] {strides = array<i32>} : memref<512x32xf32, #tpu.memory_space<vmem>>, vector<16xf32>,
      tpu.vector_store %arg8[%swap3A_320, %swap3A_321], %gather3A_184 {strides = array<i32>} : memref<512x32xf32, #tpu.memory_space<vmem>>, vector<16xf32>,
      %mul3A_323 = arith.constant 16 : i32
      %mul3A_324 = arith.muli %scan3A_119, %mul3A_323 : i32
      %add3A_325 = arith.constant 9 : i32
      %add3A_326 = arith.addi %mul3A_324, %add3A_325 : i32
      %swap3A_327 = arith.index_cast %add3A_326 : i32 to index
      %swap3A_328 = arith.constant 0 : index
      %swap3A_329 = tpu.vector_load %arg8[%swap3A_327, %swap3A_328] {strides = array<i32>} : memref<512x32xf32, #tpu.memory_space<vmem>>, vector<16xf32>,
      tpu.vector_store %arg8[%swap3A_327, %swap3A_328], %gather3A_189 {strides = array<i32>} : memref<512x32xf32, #tpu.memory_space<vmem>>, vector<16xf32>,
      %swap3A_330 = arith.index_cast %add3A_326 : i32 to index
      %swap3A_331 = arith.constant 16 : index
      %swap3A_332 = tpu.vector_load %arg8[%swap3A_330, %swap3A_331] {strides = array<i32>} : memref<512x32xf32, #tpu.memory_space<vmem>>, vector<16xf32>,
      tpu.vector_store %arg8[%swap3A_330, %swap3A_331], %gather3A_191 {strides = array<i32>} : memref<512x32xf32, #tpu.memory_space<vmem>>, vector<16xf32>,
      %mul3A_333 = arith.constant 16 : i32
      %mul3A_334 = arith.muli %scan3A_119, %mul3A_333 : i32
      %add3A_335 = arith.constant 10 : i32
      %add3A_336 = arith.addi %mul3A_334, %add3A_335 : i32
      %swap3A_337 = arith.index_cast %add3A_336 : i32 to index
      %swap3A_338 = arith.constant 0 : index
      %swap3A_339 = tpu.vector_load %arg8[%swap3A_337, %swap3A_338] {strides = array<i32>} : memref<512x32xf32, #tpu.memory_space<vmem>>, vector<16xf32>,
      tpu.vector_store %arg8[%swap3A_337, %swap3A_338], %gather3A_196 {strides = array<i32>} : memref<512x32xf32, #tpu.memory_space<vmem>>, vector<16xf32>,
      %swap3A_340 = arith.index_cast %add3A_336 : i32 to index
      %swap3A_341 = arith.constant 16 : index
      %swap3A_342 = tpu.vector_load %arg8[%swap3A_340, %swap3A_341] {strides = array<i32>} : memref<512x32xf32, #tpu.memory_space<vmem>>, vector<16xf32>,
      tpu.vector_store %arg8[%swap3A_340, %swap3A_341], %gather3A_198 {strides = array<i32>} : memref<512x32xf32, #tpu.memory_space<vmem>>, vector<16xf32>,
      %mul3A_343 = arith.constant 16 : i32
      %mul3A_344 = arith.muli %scan3A_119, %mul3A_343 : i32
      %add3A_345 = arith.constant 11 : i32
      %add3A_346 = arith.addi %mul3A_344, %add3A_345 : i32
      %swap3A_347 = arith.index_cast %add3A_346 : i32 to index
      %swap3A_348 = arith.constant 0 : index
      %swap3A_349 = tpu.vector_load %arg8[%swap3A_347, %swap3A_348] {strides = array<i32>} : memref<512x32xf32, #tpu.memory_space<vmem>>, vector<16xf32>,
      tpu.vector_store %arg8[%swap3A_347, %swap3A_348], %gather3A_203 {strides = array<i32>} : memref<512x32xf32, #tpu.memory_space<vmem>>, vector<16xf32>,
      %swap3A_350 = arith.index_cast %add3A_346 : i32 to index
      %swap3A_351 = arith.constant 16 : index
      %swap3A_352 = tpu.vector_load %arg8[%swap3A_350, %swap3A_351] {strides = array<i32>} : memref<512x32xf32, #tpu.memory_space<vmem>>, vector<16xf32>,
      tpu.vector_store %arg8[%swap3A_350, %swap3A_351], %gather3A_205 {strides = array<i32>} : memref<512x32xf32, #tpu.memory_space<vmem>>, vector<16xf32>,
      %mul3A_353 = arith.constant 16 : i32
      %mul3A_354 = arith.muli %scan3A_119, %mul3A_353 : i32
      %add3A_355 = arith.constant 12 : i32
      %add3A_356 = arith.addi %mul3A_354, %add3A_355 : i32
      %swap3A_357 = arith.index_cast %add3A_356 : i32 to index
      %swap3A_358 = arith.constant 0 : index
      %swap3A_359 = tpu.vector_load %arg8[%swap3A_357, %swap3A_358] {strides = array<i32>} : memref<512x32xf32, #tpu.memory_space<vmem>>, vector<16xf32>,
      tpu.vector_store %arg8[%swap3A_357, %swap3A_358], %gather3A_210 {strides = array<i32>} : memref<512x32xf32, #tpu.memory_space<vmem>>, vector<16xf32>,
      %swap3A_360 = arith.index_cast %add3A_356 : i32 to index
      %swap3A_361 = arith.constant 16 : index
      %swap3A_362 = tpu.vector_load %arg8[%swap3A_360, %swap3A_361] {strides = array<i32>} : memref<512x32xf32, #tpu.memory_space<vmem>>, vector<16xf32>,
      tpu.vector_store %arg8[%swap3A_360, %swap3A_361], %gather3A_212 {strides = array<i32>} : memref<512x32xf32, #tpu.memory_space<vmem>>, vector<16xf32>,
      %mul3A_363 = arith.constant 16 : i32
      %mul3A_364 = arith.muli %scan3A_119, %mul3A_363 : i32
      %add3A_365 = arith.constant 13 : i32
      %add3A_366 = arith.addi %mul3A_364, %add3A_365 : i32
      %swap3A_367 = arith.index_cast %add3A_366 : i32 to index
      %swap3A_368 = arith.constant 0 : index
      %swap3A_369 = tpu.vector_load %arg8[%swap3A_367, %swap3A_368] {strides = array<i32>} : memref<512x32xf32, #tpu.memory_space<vmem>>, vector<16xf32>,
      tpu.vector_store %arg8[%swap3A_367, %swap3A_368], %gather3A_217 {strides = array<i32>} : memref<512x32xf32, #tpu.memory_space<vmem>>, vector<16xf32>,
      %swap3A_370 = arith.index_cast %add3A_366 : i32 to index
      %swap3A_371 = arith.constant 16 : index
      %swap3A_372 = tpu.vector_load %arg8[%swap3A_370, %swap3A_371] {strides = array<i32>} : memref<512x32xf32, #tpu.memory_space<vmem>>, vector<16xf32>,
      tpu.vector_store %arg8[%swap3A_370, %swap3A_371], %gather3A_219 {strides = array<i32>} : memref<512x32xf32, #tpu.memory_space<vmem>>, vector<16xf32>,
      %mul3A_373 = arith.constant 16 : i32
      %mul3A_374 = arith.muli %scan3A_119, %mul3A_373 : i32
      %add3A_375 = arith.constant 14 : i32
      %add3A_376 = arith.addi %mul3A_374, %add3A_375 : i32
      %swap3A_377 = arith.index_cast %add3A_376 : i32 to index
      %swap3A_378 = arith.constant 0 : index
      %swap3A_379 = tpu.vector_load %arg8[%swap3A_377, %swap3A_378] {strides = array<i32>} : memref<512x32xf32, #tpu.memory_space<vmem>>, vector<16xf32>,
      tpu.vector_store %arg8[%swap3A_377, %swap3A_378], %gather3A_224 {strides = array<i32>} : memref<512x32xf32, #tpu.memory_space<vmem>>, vector<16xf32>,
      %swap3A_380 = arith.index_cast %add3A_376 : i32 to index
      %swap3A_381 = arith.constant 16 : index
      %swap3A_382 = tpu.vector_load %arg8[%swap3A_380, %swap3A_381] {strides = array<i32>} : memref<512x32xf32, #tpu.memory_space<vmem>>, vector<16xf32>,
      tpu.vector_store %arg8[%swap3A_380, %swap3A_381], %gather3A_226 {strides = array<i32>} : memref<512x32xf32, #tpu.memory_space<vmem>>, vector<16xf32>,
      %mul3A_383 = arith.constant 16 : i32
      %mul3A_384 = arith.muli %scan3A_119, %mul3A_383 : i32
      %add3A_385 = arith.constant 15 : i32
      %add3A_386 = arith.addi %mul3A_384, %add3A_385 : i32
      %swap3A_387 = arith.index_cast %add3A_386 : i32 to index
      %swap3A_388 = arith.constant 0 : index
      %swap3A_389 = tpu.vector_load %arg8[%swap3A_387, %swap3A_388] {strides = array<i32>} : memref<512x32xf32, #tpu.memory_space<vmem>>, vector<16xf32>,
      tpu.vector_store %arg8[%swap3A_387, %swap3A_388], %gather3A_231 {strides = array<i32>} : memref<512x32xf32, #tpu.memory_space<vmem>>, vector<16xf32>,
      %swap3A_390 = arith.index_cast %add3A_386 : i32 to index
      %swap3A_391 = arith.constant 16 : index
      %swap3A_392 = tpu.vector_load %arg8[%swap3A_390, %swap3A_391] {strides = array<i32>} : memref<512x32xf32, #tpu.memory_space<vmem>>, vector<16xf32>,
      tpu.vector_store %arg8[%swap3A_390, %swap3A_391], %gather3A_233 {strides = array<i32>} : memref<512x32xf32, #tpu.memory_space<vmem>>, vector<16xf32>,
      %scan3A_393 = arith.constant 0 : i32
      %scan3A_394 = arith.constant 1 : i32
      %scan3A_395 = arith.addi %scan3A_119, %scan3A_394 : i32
      %mul3A_396 = arith.constant 512 : i32
      %mul3A_397 = arith.muli %scan3A_395, %mul3A_396 : i32
      %add3A_398 = arith.constant 0 : i32
      %add3A_399 = arith.addi %mul3A_397, %add3A_398 : i32
      %broadcast_in_dim3A_400 = vector.broadcast %add3A_399 : i32 to vector<16xi32>
      %add3A_401 = arith.addi %add3A_31, %broadcast_in_dim3A_400 : vector<16xi32>
      %gather3A_402 = tpu.vector_load_idx %arg7[%add3A_401] : memref<16384xf32, #tpu.memory_space<vmem>>[vector<16xi32>], vector<16xf32>,
      %add3A_403 = arith.addi %add3A_34, %broadcast_in_dim3A_400 : vector<16xi32>
      %gather3A_404 = tpu.vector_load_idx %arg7[%add3A_403] : memref<16384xf32, #tpu.memory_space<vmem>>[vector<16xi32>], vector<16xf32>,
      %add3A_405 = arith.constant 1 : i32
      %add3A_406 = arith.addi %mul3A_397, %add3A_405 : i32
      %broadcast_in_dim3A_407 = vector.broadcast %add3A_406 : i32 to vector<16xi32>
      %add3A_408 = arith.addi %add3A_31, %broadcast_in_dim3A_407 : vector<16xi32>
      %gather3A_409 = tpu.vector_load_idx %arg7[%add3A_408] : memref<16384xf32, #tpu.memory_space<vmem>>[vector<16xi32>], vector<16xf32>,
      %add3A_410 = arith.addi %add3A_34, %broadcast_in_dim3A_407 : vector<16xi32>
      %gather3A_411 = tpu.vector_load_idx %arg7[%add3A_410] : memref<16384xf32, #tpu.memory_space<vmem>>[vector<16xi32>], vector<16xf32>,
      %add3A_412 = arith.constant 2 : i32
      %add3A_413 = arith.addi %mul3A_397, %add3A_412 : i32
      %broadcast_in_dim3A_414 = vector.broadcast %add3A_413 : i32 to vector<16xi32>
      %add3A_415 = arith.addi %add3A_31, %broadcast_in_dim3A_414 : vector<16xi32>
      %gather3A_416 = tpu.vector_load_idx %arg7[%add3A_415] : memref<16384xf32, #tpu.memory_space<vmem>>[vector<16xi32>], vector<16xf32>,
      %add3A_417 = arith.addi %add3A_34, %broadcast_in_dim3A_414 : vector<16xi32>
      %gather3A_418 = tpu.vector_load_idx %arg7[%add3A_417] : memref<16384xf32, #tpu.memory_space<vmem>>[vector<16xi32>], vector<16xf32>,
      %add3A_419 = arith.constant 3 : i32
      %add3A_420 = arith.addi %mul3A_397, %add3A_419 : i32
      %broadcast_in_dim3A_421 = vector.broadcast %add3A_420 : i32 to vector<16xi32>
      %add3A_422 = arith.addi %add3A_31, %broadcast_in_dim3A_421 : vector<16xi32>
      %gather3A_423 = tpu.vector_load_idx %arg7[%add3A_422] : memref<16384xf32, #tpu.memory_space<vmem>>[vector<16xi32>], vector<16xf32>,
      %add3A_424 = arith.addi %add3A_34, %broadcast_in_dim3A_421 : vector<16xi32>
      %gather3A_425 = tpu.vector_load_idx %arg7[%add3A_424] : memref<16384xf32, #tpu.memory_space<vmem>>[vector<16xi32>], vector<16xf32>,
      %add3A_426 = arith.constant 4 : i32
      %add3A_427 = arith.addi %mul3A_397, %add3A_426 : i32
      %broadcast_in_dim3A_428 = vector.broadcast %add3A_427 : i32 to vector<16xi32>
      %add3A_429 = arith.addi %add3A_31, %broadcast_in_dim3A_428 : vector<16xi32>
      %gather3A_430 = tpu.vector_load_idx %arg7[%add3A_429] : memref<16384xf32, #tpu.memory_space<vmem>>[vector<16xi32>], vector<16xf32>,
      %add3A_431 = arith.addi %add3A_34, %broadcast_in_dim3A_428 : vector<16xi32>
      %gather3A_432 = tpu.vector_load_idx %arg7[%add3A_431] : memref<16384xf32, #tpu.memory_space<vmem>>[vector<16xi32>], vector<16xf32>,
      %add3A_433 = arith.constant 5 : i32
      %add3A_434 = arith.addi %mul3A_397, %add3A_433 : i32
      %broadcast_in_dim3A_435 = vector.broadcast %add3A_434 : i32 to vector<16xi32>
      %add3A_436 = arith.addi %add3A_31, %broadcast_in_dim3A_435 : vector<16xi32>
      %gather3A_437 = tpu.vector_load_idx %arg7[%add3A_436] : memref<16384xf32, #tpu.memory_space<vmem>>[vector<16xi32>], vector<16xf32>,
      %add3A_438 = arith.addi %add3A_34, %broadcast_in_dim3A_435 : vector<16xi32>
      %gather3A_439 = tpu.vector_load_idx %arg7[%add3A_438] : memref<16384xf32, #tpu.memory_space<vmem>>[vector<16xi32>], vector<16xf32>,
      %add3A_440 = arith.constant 6 : i32
      %add3A_441 = arith.addi %mul3A_397, %add3A_440 : i32
      %broadcast_in_dim3A_442 = vector.broadcast %add3A_441 : i32 to vector<16xi32>
      %add3A_443 = arith.addi %add3A_31, %broadcast_in_dim3A_442 : vector<16xi32>
      %gather3A_444 = tpu.vector_load_idx %arg7[%add3A_443] : memref<16384xf32, #tpu.memory_space<vmem>>[vector<16xi32>], vector<16xf32>,
      %add3A_445 = arith.addi %add3A_34, %broadcast_in_dim3A_442 : vector<16xi32>
      %gather3A_446 = tpu.vector_load_idx %arg7[%add3A_445] : memref<16384xf32, #tpu.memory_space<vmem>>[vector<16xi32>], vector<16xf32>,
      %add3A_447 = arith.constant 7 : i32
      %add3A_448 = arith.addi %mul3A_397, %add3A_447 : i32
      %broadcast_in_dim3A_449 = vector.broadcast %add3A_448 : i32 to vector<16xi32>
      %add3A_450 = arith.addi %add3A_31, %broadcast_in_dim3A_449 : vector<16xi32>
      %gather3A_451 = tpu.vector_load_idx %arg7[%add3A_450] : memref<16384xf32, #tpu.memory_space<vmem>>[vector<16xi32>], vector<16xf32>,
      %add3A_452 = arith.addi %add3A_34, %broadcast_in_dim3A_449 : vector<16xi32>
      %gather3A_453 = tpu.vector_load_idx %arg7[%add3A_452] : memref<16384xf32, #tpu.memory_space<vmem>>[vector<16xi32>], vector<16xf32>,
      %add3A_454 = arith.constant 8 : i32
      %add3A_455 = arith.addi %mul3A_397, %add3A_454 : i32
      %broadcast_in_dim3A_456 = vector.broadcast %add3A_455 : i32 to vector<16xi32>
      %add3A_457 = arith.addi %add3A_31, %broadcast_in_dim3A_456 : vector<16xi32>
      %gather3A_458 = tpu.vector_load_idx %arg7[%add3A_457] : memref<16384xf32, #tpu.memory_space<vmem>>[vector<16xi32>], vector<16xf32>,
      %add3A_459 = arith.addi %add3A_34, %broadcast_in_dim3A_456 : vector<16xi32>
      %gather3A_460 = tpu.vector_load_idx %arg7[%add3A_459] : memref<16384xf32, #tpu.memory_space<vmem>>[vector<16xi32>], vector<16xf32>,
      %add3A_461 = arith.constant 9 : i32
      %add3A_462 = arith.addi %mul3A_397, %add3A_461 : i32
      %broadcast_in_dim3A_463 = vector.broadcast %add3A_462 : i32 to vector<16xi32>
      %add3A_464 = arith.addi %add3A_31, %broadcast_in_dim3A_463 : vector<16xi32>
      %gather3A_465 = tpu.vector_load_idx %arg7[%add3A_464] : memref<16384xf32, #tpu.memory_space<vmem>>[vector<16xi32>], vector<16xf32>,
      %add3A_466 = arith.addi %add3A_34, %broadcast_in_dim3A_463 : vector<16xi32>
      %gather3A_467 = tpu.vector_load_idx %arg7[%add3A_466] : memref<16384xf32, #tpu.memory_space<vmem>>[vector<16xi32>], vector<16xf32>,
      %add3A_468 = arith.constant 10 : i32
      %add3A_469 = arith.addi %mul3A_397, %add3A_468 : i32
      %broadcast_in_dim3A_470 = vector.broadcast %add3A_469 : i32 to vector<16xi32>
      %add3A_471 = arith.addi %add3A_31, %broadcast_in_dim3A_470 : vector<16xi32>
      %gather3A_472 = tpu.vector_load_idx %arg7[%add3A_471] : memref<16384xf32, #tpu.memory_space<vmem>>[vector<16xi32>], vector<16xf32>,
      %add3A_473 = arith.addi %add3A_34, %broadcast_in_dim3A_470 : vector<16xi32>
      %gather3A_474 = tpu.vector_load_idx %arg7[%add3A_473] : memref<16384xf32, #tpu.memory_space<vmem>>[vector<16xi32>], vector<16xf32>,
      %add3A_475 = arith.constant 11 : i32
      %add3A_476 = arith.addi %mul3A_397, %add3A_475 : i32
      %broadcast_in_dim3A_477 = vector.broadcast %add3A_476 : i32 to vector<16xi32>
      %add3A_478 = arith.addi %add3A_31, %broadcast_in_dim3A_477 : vector<16xi32>
      %gather3A_479 = tpu.vector_load_idx %arg7[%add3A_478] : memref<16384xf32, #tpu.memory_space<vmem>>[vector<16xi32>], vector<16xf32>,
      %add3A_480 = arith.addi %add3A_34, %broadcast_in_dim3A_477 : vector<16xi32>
      %gather3A_481 = tpu.vector_load_idx %arg7[%add3A_480] : memref<16384xf32, #tpu.memory_space<vmem>>[vector<16xi32>], vector<16xf32>,
      %add3A_482 = arith.constant 12 : i32
      %add3A_483 = arith.addi %mul3A_397, %add3A_482 : i32
      %broadcast_in_dim3A_484 = vector.broadcast %add3A_483 : i32 to vector<16xi32>
      %add3A_485 = arith.addi %add3A_31, %broadcast_in_dim3A_484 : vector<16xi32>
      %gather3A_486 = tpu.vector_load_idx %arg7[%add3A_485] : memref<16384xf32, #tpu.memory_space<vmem>>[vector<16xi32>], vector<16xf32>,
      %add3A_487 = arith.addi %add3A_34, %broadcast_in_dim3A_484 : vector<16xi32>
      %gather3A_488 = tpu.vector_load_idx %arg7[%add3A_487] : memref<16384xf32, #tpu.memory_space<vmem>>[vector<16xi32>], vector<16xf32>,
      %add3A_489 = arith.constant 13 : i32
      %add3A_490 = arith.addi %mul3A_397, %add3A_489 : i32
      %broadcast_in_dim3A_491 = vector.broadcast %add3A_490 : i32 to vector<16xi32>
      %add3A_492 = arith.addi %add3A_31, %broadcast_in_dim3A_491 : vector<16xi32>
      %gather3A_493 = tpu.vector_load_idx %arg7[%add3A_492] : memref<16384xf32, #tpu.memory_space<vmem>>[vector<16xi32>], vector<16xf32>,
      %add3A_494 = arith.addi %add3A_34, %broadcast_in_dim3A_491 : vector<16xi32>
      %gather3A_495 = tpu.vector_load_idx %arg7[%add3A_494] : memref<16384xf32, #tpu.memory_space<vmem>>[vector<16xi32>], vector<16xf32>,
      %add3A_496 = arith.constant 14 : i32
      %add3A_497 = arith.addi %mul3A_397, %add3A_496 : i32
      %broadcast_in_dim3A_498 = vector.broadcast %add3A_497 : i32 to vector<16xi32>
      %add3A_499 = arith.addi %add3A_31, %broadcast_in_dim3A_498 : vector<16xi32>
      %gather3A_500 = tpu.vector_load_idx %arg7[%add3A_499] : memref<16384xf32, #tpu.memory_space<vmem>>[vector<16xi32>], vector<16xf32>,
      %add3A_501 = arith.addi %add3A_34, %broadcast_in_dim3A_498 : vector<16xi32>
      %gather3A_502 = tpu.vector_load_idx %arg7[%add3A_501] : memref<16384xf32, #tpu.memory_space<vmem>>[vector<16xi32>], vector<16xf32>,
      %add3A_503 = arith.constant 15 : i32
      %add3A_504 = arith.addi %mul3A_397, %add3A_503 : i32
      %broadcast_in_dim3A_505 = vector.broadcast %add3A_504 : i32 to vector<16xi32>
      %add3A_506 = arith.addi %add3A_31, %broadcast_in_dim3A_505 : vector<16xi32>
      %gather3A_507 = tpu.vector_load_idx %arg7[%add3A_506] : memref<16384xf32, #tpu.memory_space<vmem>>[vector<16xi32>], vector<16xf32>,
      %add3A_508 = arith.addi %add3A_34, %broadcast_in_dim3A_505 : vector<16xi32>
      %gather3A_509 = tpu.vector_load_idx %arg7[%add3A_508] : memref<16384xf32, #tpu.memory_space<vmem>>[vector<16xi32>], vector<16xf32>,
      %mul3A_510 = arith.constant 16 : i32
      %mul3A_511 = arith.muli %scan3A_395, %mul3A_510 : i32
      %add3A_512 = arith.constant 0 : i32
      %add3A_513 = arith.addi %mul3A_511, %add3A_512 : i32
      %swap3A_514 = arith.index_cast %add3A_513 : i32 to index
      %swap3A_515 = arith.constant 0 : index
      %swap3A_516 = tpu.vector_load %arg8[%swap3A_514, %swap3A_515] {strides = array<i32>} : memref<512x32xf32, #tpu.memory_space<vmem>>, vector<16xf32>,
      tpu.vector_store %arg8[%swap3A_514, %swap3A_515], %gather3A_402 {strides = array<i32>} : memref<512x32xf32, #tpu.memory_space<vmem>>, vector<16xf32>,
      %swap3A_517 = arith.index_cast %add3A_513 : i32 to index
      %swap3A_518 = arith.constant 16 : index
      %swap3A_519 = tpu.vector_load %arg8[%swap3A_517, %swap3A_518] {strides = array<i32>} : memref<512x32xf32, #tpu.memory_space<vmem>>, vector<16xf32>,
      tpu.vector_store %arg8[%swap3A_517, %swap3A_518], %gather3A_404 {strides = array<i32>} : memref<512x32xf32, #tpu.memory_space<vmem>>, vector<16xf32>,
      %mul3A_520 = arith.constant 16 : i32
      %mul3A_521 = arith.muli %scan3A_395, %mul3A_520 : i32
      %add3A_522 = arith.constant 1 : i32
      %add3A_523 = arith.addi %mul3A_521, %add3A_522 : i32
      %swap3A_524 = arith.index_cast %add3A_523 : i32 to index
      %swap3A_525 = arith.constant 0 : index
      %swap3A_526 = tpu.vector_load %arg8[%swap3A_524, %swap3A_525] {strides = array<i32>} : memref<512x32xf32, #tpu.memory_space<vmem>>, vector<16xf32>,
      tpu.vector_store %arg8[%swap3A_524, %swap3A_525], %gather3A_409 {strides = array<i32>} : memref<512x32xf32, #tpu.memory_space<vmem>>, vector<16xf32>,
      %swap3A_527 = arith.index_cast %add3A_523 : i32 to index
      %swap3A_528 = arith.constant 16 : index
      %swap3A_529 = tpu.vector_load %arg8[%swap3A_527, %swap3A_528] {strides = array<i32>} : memref<512x32xf32, #tpu.memory_space<vmem>>, vector<16xf32>,
      tpu.vector_store %arg8[%swap3A_527, %swap3A_528], %gather3A_411 {strides = array<i32>} : memref<512x32xf32, #tpu.memory_space<vmem>>, vector<16xf32>,
      %mul3A_530 = arith.constant 16 : i32
      %mul3A_531 = arith.muli %scan3A_395, %mul3A_530 : i32
      %add3A_532 = arith.constant 2 : i32
      %add3A_533 = arith.addi %mul3A_531, %add3A_532 : i32
      %swap3A_534 = arith.index_cast %add3A_533 : i32 to index
      %swap3A_535 = arith.constant 0 : index
      %swap3A_536 = tpu.vector_load %arg8[%swap3A_534, %swap3A_535] {strides = array<i32>} : memref<512x32xf32, #tpu.memory_space<vmem>>, vector<16xf32>,
      tpu.vector_store %arg8[%swap3A_534, %swap3A_535], %gather3A_416 {strides = array<i32>} : memref<512x32xf32, #tpu.memory_space<vmem>>, vector<16xf32>,
      %swap3A_537 = arith.index_cast %add3A_533 : i32 to index
      %swap3A_538 = arith.constant 16 : index
      %swap3A_539 = tpu.vector_load %arg8[%swap3A_537, %swap3A_538] {strides = array<i32>} : memref<512x32xf32, #tpu.memory_space<vmem>>, vector<16xf32>,
      tpu.vector_store %arg8[%swap3A_537, %swap3A_538], %gather3A_418 {strides = array<i32>} : memref<512x32xf32, #tpu.memory_space<vmem>>, vector<16xf32>,
      %mul3A_540 = arith.constant 16 : i32
      %mul3A_541 = arith.muli %scan3A_395, %mul3A_540 : i32
      %add3A_542 = arith.constant 3 : i32
      %add3A_543 = arith.addi %mul3A_541, %add3A_542 : i32
      %swap3A_544 = arith.index_cast %add3A_543 : i32 to index
      %swap3A_545 = arith.constant 0 : index
      %swap3A_546 = tpu.vector_load %arg8[%swap3A_544, %swap3A_545] {strides = array<i32>} : memref<512x32xf32, #tpu.memory_space<vmem>>, vector<16xf32>,
      tpu.vector_store %arg8[%swap3A_544, %swap3A_545], %gather3A_423 {strides = array<i32>} : memref<512x32xf32, #tpu.memory_space<vmem>>, vector<16xf32>,
      %swap3A_547 = arith.index_cast %add3A_543 : i32 to index
      %swap3A_548 = arith.constant 16 : index
      %swap3A_549 = tpu.vector_load %arg8[%swap3A_547, %swap3A_548] {strides = array<i32>} : memref<512x32xf32, #tpu.memory_space<vmem>>, vector<16xf32>,
      tpu.vector_store %arg8[%swap3A_547, %swap3A_548], %gather3A_425 {strides = array<i32>} : memref<512x32xf32, #tpu.memory_space<vmem>>, vector<16xf32>,
      %mul3A_550 = arith.constant 16 : i32
      %mul3A_551 = arith.muli %scan3A_395, %mul3A_550 : i32
      %add3A_552 = arith.constant 4 : i32
      %add3A_553 = arith.addi %mul3A_551, %add3A_552 : i32
      %swap3A_554 = arith.index_cast %add3A_553 : i32 to index
      %swap3A_555 = arith.constant 0 : index
      %swap3A_556 = tpu.vector_load %arg8[%swap3A_554, %swap3A_555] {strides = array<i32>} : memref<512x32xf32, #tpu.memory_space<vmem>>, vector<16xf32>,
      tpu.vector_store %arg8[%swap3A_554, %swap3A_555], %gather3A_430 {strides = array<i32>} : memref<512x32xf32, #tpu.memory_space<vmem>>, vector<16xf32>,
      %swap3A_557 = arith.index_cast %add3A_553 : i32 to index
      %swap3A_558 = arith.constant 16 : index
      %swap3A_559 = tpu.vector_load %arg8[%swap3A_557, %swap3A_558] {strides = array<i32>} : memref<512x32xf32, #tpu.memory_space<vmem>>, vector<16xf32>,
      tpu.vector_store %arg8[%swap3A_557, %swap3A_558], %gather3A_432 {strides = array<i32>} : memref<512x32xf32, #tpu.memory_space<vmem>>, vector<16xf32>,
      %mul3A_560 = arith.constant 16 : i32
      %mul3A_561 = arith.muli %scan3A_395, %mul3A_560 : i32
      %add3A_562 = arith.constant 5 : i32
      %add3A_563 = arith.addi %mul3A_561, %add3A_562 : i32
      %swap3A_564 = arith.index_cast %add3A_563 : i32 to index
      %swap3A_565 = arith.constant 0 : index
      %swap3A_566 = tpu.vector_load %arg8[%swap3A_564, %swap3A_565] {strides = array<i32>} : memref<512x32xf32, #tpu.memory_space<vmem>>, vector<16xf32>,
      tpu.vector_store %arg8[%swap3A_564, %swap3A_565], %gather3A_437 {strides = array<i32>} : memref<512x32xf32, #tpu.memory_space<vmem>>, vector<16xf32>,
      %swap3A_567 = arith.index_cast %add3A_563 : i32 to index
      %swap3A_568 = arith.constant 16 : index
      %swap3A_569 = tpu.vector_load %arg8[%swap3A_567, %swap3A_568] {strides = array<i32>} : memref<512x32xf32, #tpu.memory_space<vmem>>, vector<16xf32>,
      tpu.vector_store %arg8[%swap3A_567, %swap3A_568], %gather3A_439 {strides = array<i32>} : memref<512x32xf32, #tpu.memory_space<vmem>>, vector<16xf32>,
      %mul3A_570 = arith.constant 16 : i32
      %mul3A_571 = arith.muli %scan3A_395, %mul3A_570 : i32
      %add3A_572 = arith.constant 6 : i32
      %add3A_573 = arith.addi %mul3A_571, %add3A_572 : i32
      %swap3A_574 = arith.index_cast %add3A_573 : i32 to index
      %swap3A_575 = arith.constant 0 : index
      %swap3A_576 = tpu.vector_load %arg8[%swap3A_574, %swap3A_575] {strides = array<i32>} : memref<512x32xf32, #tpu.memory_space<vmem>>, vector<16xf32>,
      tpu.vector_store %arg8[%swap3A_574, %swap3A_575], %gather3A_444 {strides = array<i32>} : memref<512x32xf32, #tpu.memory_space<vmem>>, vector<16xf32>,
      %swap3A_577 = arith.index_cast %add3A_573 : i32 to index
      %swap3A_578 = arith.constant 16 : index
      %swap3A_579 = tpu.vector_load %arg8[%swap3A_577, %swap3A_578] {strides = array<i32>} : memref<512x32xf32, #tpu.memory_space<vmem>>, vector<16xf32>,
      tpu.vector_store %arg8[%swap3A_577, %swap3A_578], %gather3A_446 {strides = array<i32>} : memref<512x32xf32, #tpu.memory_space<vmem>>, vector<16xf32>,
      %mul3A_580 = arith.constant 16 : i32
      %mul3A_581 = arith.muli %scan3A_395, %mul3A_580 : i32
      %add3A_582 = arith.constant 7 : i32
      %add3A_583 = arith.addi %mul3A_581, %add3A_582 : i32
      %swap3A_584 = arith.index_cast %add3A_583 : i32 to index
      %swap3A_585 = arith.constant 0 : index
      %swap3A_586 = tpu.vector_load %arg8[%swap3A_584, %swap3A_585] {strides = array<i32>} : memref<512x32xf32, #tpu.memory_space<vmem>>, vector<16xf32>,
      tpu.vector_store %arg8[%swap3A_584, %swap3A_585], %gather3A_451 {strides = array<i32>} : memref<512x32xf32, #tpu.memory_space<vmem>>, vector<16xf32>,
      %swap3A_587 = arith.index_cast %add3A_583 : i32 to index
      %swap3A_588 = arith.constant 16 : index
      %swap3A_589 = tpu.vector_load %arg8[%swap3A_587, %swap3A_588] {strides = array<i32>} : memref<512x32xf32, #tpu.memory_space<vmem>>, vector<16xf32>,
      tpu.vector_store %arg8[%swap3A_587, %swap3A_588], %gather3A_453 {strides = array<i32>} : memref<512x32xf32, #tpu.memory_space<vmem>>, vector<16xf32>,
      %mul3A_590 = arith.constant 16 : i32
      %mul3A_591 = arith.muli %scan3A_395, %mul3A_590 : i32
      %add3A_592 = arith.constant 8 : i32
      %add3A_593 = arith.addi %mul3A_591, %add3A_592 : i32
      %swap3A_594 = arith.index_cast %add3A_593 : i32 to index
      %swap3A_595 = arith.constant 0 : index
      %swap3A_596 = tpu.vector_load %arg8[%swap3A_594, %swap3A_595] {strides = array<i32>} : memref<512x32xf32, #tpu.memory_space<vmem>>, vector<16xf32>,
      tpu.vector_store %arg8[%swap3A_594, %swap3A_595], %gather3A_458 {strides = array<i32>} : memref<512x32xf32, #tpu.memory_space<vmem>>, vector<16xf32>,
      %swap3A_597 = arith.index_cast %add3A_593 : i32 to index
      %swap3A_598 = arith.constant 16 : index
      %swap3A_599 = tpu.vector_load %arg8[%swap3A_597, %swap3A_598] {strides = array<i32>} : memref<512x32xf32, #tpu.memory_space<vmem>>, vector<16xf32>,
      tpu.vector_store %arg8[%swap3A_597, %swap3A_598], %gather3A_460 {strides = array<i32>} : memref<512x32xf32, #tpu.memory_space<vmem>>, vector<16xf32>,
      %mul3A_600 = arith.constant 16 : i32
      %mul3A_601 = arith.muli %scan3A_395, %mul3A_600 : i32
      %add3A_602 = arith.constant 9 : i32
      %add3A_603 = arith.addi %mul3A_601, %add3A_602 : i32
      %swap3A_604 = arith.index_cast %add3A_603 : i32 to index
      %swap3A_605 = arith.constant 0 : index
      %swap3A_606 = tpu.vector_load %arg8[%swap3A_604, %swap3A_605] {strides = array<i32>} : memref<512x32xf32, #tpu.memory_space<vmem>>, vector<16xf32>,
      tpu.vector_store %arg8[%swap3A_604, %swap3A_605], %gather3A_465 {strides = array<i32>} : memref<512x32xf32, #tpu.memory_space<vmem>>, vector<16xf32>,
      %swap3A_607 = arith.index_cast %add3A_603 : i32 to index
      %swap3A_608 = arith.constant 16 : index
      %swap3A_609 = tpu.vector_load %arg8[%swap3A_607, %swap3A_608] {strides = array<i32>} : memref<512x32xf32, #tpu.memory_space<vmem>>, vector<16xf32>,
      tpu.vector_store %arg8[%swap3A_607, %swap3A_608], %gather3A_467 {strides = array<i32>} : memref<512x32xf32, #tpu.memory_space<vmem>>, vector<16xf32>,
      %mul3A_610 = arith.constant 16 : i32
      %mul3A_611 = arith.muli %scan3A_395, %mul3A_610 : i32
      %add3A_612 = arith.constant 10 : i32
      %add3A_613 = arith.addi %mul3A_611, %add3A_612 : i32
      %swap3A_614 = arith.index_cast %add3A_613 : i32 to index
      %swap3A_615 = arith.constant 0 : index
      %swap3A_616 = tpu.vector_load %arg8[%swap3A_614, %swap3A_615] {strides = array<i32>} : memref<512x32xf32, #tpu.memory_space<vmem>>, vector<16xf32>,
      tpu.vector_store %arg8[%swap3A_614, %swap3A_615], %gather3A_472 {strides = array<i32>} : memref<512x32xf32, #tpu.memory_space<vmem>>, vector<16xf32>,
      %swap3A_617 = arith.index_cast %add3A_613 : i32 to index
      %swap3A_618 = arith.constant 16 : index
      %swap3A_619 = tpu.vector_load %arg8[%swap3A_617, %swap3A_618] {strides = array<i32>} : memref<512x32xf32, #tpu.memory_space<vmem>>, vector<16xf32>,
      tpu.vector_store %arg8[%swap3A_617, %swap3A_618], %gather3A_474 {strides = array<i32>} : memref<512x32xf32, #tpu.memory_space<vmem>>, vector<16xf32>,
      %mul3A_620 = arith.constant 16 : i32
      %mul3A_621 = arith.muli %scan3A_395, %mul3A_620 : i32
      %add3A_622 = arith.constant 11 : i32
      %add3A_623 = arith.addi %mul3A_621, %add3A_622 : i32
      %swap3A_624 = arith.index_cast %add3A_623 : i32 to index
      %swap3A_625 = arith.constant 0 : index
      %swap3A_626 = tpu.vector_load %arg8[%swap3A_624, %swap3A_625] {strides = array<i32>} : memref<512x32xf32, #tpu.memory_space<vmem>>, vector<16xf32>,
      tpu.vector_store %arg8[%swap3A_624, %swap3A_625], %gather3A_479 {strides = array<i32>} : memref<512x32xf32, #tpu.memory_space<vmem>>, vector<16xf32>,
      %swap3A_627 = arith.index_cast %add3A_623 : i32 to index
      %swap3A_628 = arith.constant 16 : index
      %swap3A_629 = tpu.vector_load %arg8[%swap3A_627, %swap3A_628] {strides = array<i32>} : memref<512x32xf32, #tpu.memory_space<vmem>>, vector<16xf32>,
      tpu.vector_store %arg8[%swap3A_627, %swap3A_628], %gather3A_481 {strides = array<i32>} : memref<512x32xf32, #tpu.memory_space<vmem>>, vector<16xf32>,
      %mul3A_630 = arith.constant 16 : i32
      %mul3A_631 = arith.muli %scan3A_395, %mul3A_630 : i32
      %add3A_632 = arith.constant 12 : i32
      %add3A_633 = arith.addi %mul3A_631, %add3A_632 : i32
      %swap3A_634 = arith.index_cast %add3A_633 : i32 to index
      %swap3A_635 = arith.constant 0 : index
      %swap3A_636 = tpu.vector_load %arg8[%swap3A_634, %swap3A_635] {strides = array<i32>} : memref<512x32xf32, #tpu.memory_space<vmem>>, vector<16xf32>,
      tpu.vector_store %arg8[%swap3A_634, %swap3A_635], %gather3A_486 {strides = array<i32>} : memref<512x32xf32, #tpu.memory_space<vmem>>, vector<16xf32>,
      %swap3A_637 = arith.index_cast %add3A_633 : i32 to index
      %swap3A_638 = arith.constant 16 : index
      %swap3A_639 = tpu.vector_load %arg8[%swap3A_637, %swap3A_638] {strides = array<i32>} : memref<512x32xf32, #tpu.memory_space<vmem>>, vector<16xf32>,
      tpu.vector_store %arg8[%swap3A_637, %swap3A_638], %gather3A_488 {strides = array<i32>} : memref<512x32xf32, #tpu.memory_space<vmem>>, vector<16xf32>,
      %mul3A_640 = arith.constant 16 : i32
      %mul3A_641 = arith.muli %scan3A_395, %mul3A_640 : i32
      %add3A_642 = arith.constant 13 : i32
      %add3A_643 = arith.addi %mul3A_641, %add3A_642 : i32
      %swap3A_644 = arith.index_cast %add3A_643 : i32 to index
      %swap3A_645 = arith.constant 0 : index
      %swap3A_646 = tpu.vector_load %arg8[%swap3A_644, %swap3A_645] {strides = array<i32>} : memref<512x32xf32, #tpu.memory_space<vmem>>, vector<16xf32>,
      tpu.vector_store %arg8[%swap3A_644, %swap3A_645], %gather3A_493 {strides = array<i32>} : memref<512x32xf32, #tpu.memory_space<vmem>>, vector<16xf32>,
      %swap3A_647 = arith.index_cast %add3A_643 : i32 to index
      %swap3A_648 = arith.constant 16 : index
      %swap3A_649 = tpu.vector_load %arg8[%swap3A_647, %swap3A_648] {strides = array<i32>} : memref<512x32xf32, #tpu.memory_space<vmem>>, vector<16xf32>,
      tpu.vector_store %arg8[%swap3A_647, %swap3A_648], %gather3A_495 {strides = array<i32>} : memref<512x32xf32, #tpu.memory_space<vmem>>, vector<16xf32>,
      %mul3A_650 = arith.constant 16 : i32
      %mul3A_651 = arith.muli %scan3A_395, %mul3A_650 : i32
      %add3A_652 = arith.constant 14 : i32
      %add3A_653 = arith.addi %mul3A_651, %add3A_652 : i32
      %swap3A_654 = arith.index_cast %add3A_653 : i32 to index
      %swap3A_655 = arith.constant 0 : index
      %swap3A_656 = tpu.vector_load %arg8[%swap3A_654, %swap3A_655] {strides = array<i32>} : memref<512x32xf32, #tpu.memory_space<vmem>>, vector<16xf32>,
      tpu.vector_store %arg8[%swap3A_654, %swap3A_655], %gather3A_500 {strides = array<i32>} : memref<512x32xf32, #tpu.memory_space<vmem>>, vector<16xf32>,
      %swap3A_657 = arith.index_cast %add3A_653 : i32 to index
      %swap3A_658 = arith.constant 16 : index
      %swap3A_659 = tpu.vector_load %arg8[%swap3A_657, %swap3A_658] {strides = array<i32>} : memref<512x32xf32, #tpu.memory_space<vmem>>, vector<16xf32>,
      tpu.vector_store %arg8[%swap3A_657, %swap3A_658], %gather3A_502 {strides = array<i32>} : memref<512x32xf32, #tpu.memory_space<vmem>>, vector<16xf32>,
      %mul3A_660 = arith.constant 16 : i32
      %mul3A_661 = arith.muli %scan3A_395, %mul3A_660 : i32
      %add3A_662 = arith.constant 15 : i32
      %add3A_663 = arith.addi %mul3A_661, %add3A_662 : i32
      %swap3A_664 = arith.index_cast %add3A_663 : i32 to index
      %swap3A_665 = arith.constant 0 : index
      %swap3A_666 = tpu.vector_load %arg8[%swap3A_664, %swap3A_665] {strides = array<i32>} : memref<512x32xf32, #tpu.memory_space<vmem>>, vector<16xf32>,
      tpu.vector_store %arg8[%swap3A_664, %swap3A_665], %gather3A_507 {strides = array<i32>} : memref<512x32xf32, #tpu.memory_space<vmem>>, vector<16xf32>,
      %swap3A_667 = arith.index_cast %add3A_663 : i32 to index
      %swap3A_668 = arith.constant 16 : index
      %swap3A_669 = tpu.vector_load %arg8[%swap3A_667, %swap3A_668] {strides = array<i32>} : memref<512x32xf32, #tpu.memory_space<vmem>>, vector<16xf32>,
      tpu.vector_store %arg8[%swap3A_667, %swap3A_668], %gather3A_509 {strides = array<i32>} : memref<512x32xf32, #tpu.memory_space<vmem>>, vector<16xf32>,
      %scan3A_670 = arith.constant 0 : i32
      scf.yield %scan3A_670 : i32
    }
    %scan3A_55 = arith.constant 16 : i32
    %dma_start3A = arith.constant 0 : i32
    %dma_start3A_56 = arith.constant 0 : i32
    %dma_start3A_57 = tpu.memref_slice %arg8[%dma_start3A, %dma_start3A_56] : memref<512x32xf32, #tpu.memory_space<vmem>> -> memref<256x32xf32, #tpu.memory_space<vmem>>
    %dma_start3A_58 = arith.constant 0 : i32
    %dma_start3A_59 = tpu.memref_slice %arg4[%mul3A_2, %dma_start3A_58] : memref<16384x32xf32, #tpu.memory_space<hbm>> -> memref<256x32xf32, #tpu.memory_space<hbm>>
    %dma_start3A_60 = arith.constant 0 : i32
    %dma_start3A_61 = tpu.memref_slice %arg4[%mul3A_2, %dma_start3A_60] : memref<16384x32xf32, #tpu.memory_space<hbm>> -> memref<256x32xf32, #tpu.memory_space<hbm>>
    %dma_start3A_62 = arith.constant 0 : i32
    %dma_start3A_63 = arith.constant 0 : i32
    %dma_start3A_64 = tpu.memref_slice %arg8[%dma_start3A_62, %dma_start3A_63] : memref<512x32xf32, #tpu.memory_space<vmem>> -> memref<256x32xf32, #tpu.memory_space<vmem>>
    tpu.enqueue_dma source(%dma_start3A_64 : memref<256x32xf32, #tpu.memory_space<vmem>>) target(%dma_start3A_61 : memref<256x32xf32, #tpu.memory_space<hbm>>) target_semaphore(%arg11 : memref<!tpu.dma_semaphore, #tpu.memory_space<semaphore_mem>>)
    %dma_wait3A_65 = arith.constant 0 : i32
    %dma_wait3A_66 = arith.constant 8192 : i32
    %dma_wait3A_67 = tpu.memref_slice %arg7[%dma_wait3A_66] : memref<16384xf32, #tpu.memory_space<vmem>> -> memref<8192xf32, #tpu.memory_space<vmem>>
    %dma_wait3A_68 = arith.constant 0 : i32
    %dma_wait3A_69 = tpu.memref_slice %arg3[%dma_wait3A_65, %dma_wait3A_68] : memref<32x1000000xf32, #tpu.memory_space<hbm>> -> memref<1x128xf32, #tpu.memory_space<hbm>>
    %dma_wait3A_70 = tpu.memref_squeeze %dma_wait3A_69 : memref<1x128xf32, #tpu.memory_space<hbm>> -> memref<128xf32, #tpu.memory_space<hbm>>
    %dma_wait3A_71 = arith.constant 0 : i32
    %dma_wait3A_72 = tpu.memref_slice %dma_wait3A_70[%dma_wait3A_71] : memref<128xf32, #tpu.memory_space<hbm>> -> memref<8192xf32, #tpu.memory_space<hbm>>
    %dma_wait3A_73 = arith.constant 8192 : i32
    %dma_wait3A_74 = tpu.memref_slice %arg7[%dma_wait3A_73] : memref<16384xf32, #tpu.memory_space<vmem>> -> memref<8192xf32, #tpu.memory_space<vmem>>
    %dma_wait3A_75 = arith.constant 0 : i32
    %dma_wait3A_76 = tpu.memref_slice %arg3[%dma_wait3A_65, %dma_wait3A_75] : memref<32x1000000xf32, #tpu.memory_space<hbm>> -> memref<1x128xf32, #tpu.memory_space<hbm>>
    %dma_wait3A_77 = tpu.memref_squeeze %dma_wait3A_76 : memref<1x128xf32, #tpu.memory_space<hbm>> -> memref<128xf32, #tpu.memory_space<hbm>>
    %dma_wait3A_78 = arith.constant 0 : i32
    %dma_wait3A_79 = tpu.memref_slice %dma_wait3A_77[%dma_wait3A_78] : memref<128xf32, #tpu.memory_space<hbm>> -> memref<8192xf32, #tpu.memory_space<hbm>>
    tpu.wait_dma2 semaphore(%arg10 : memref<!tpu.dma_semaphore, #tpu.memory_space<semaphore_mem>>) src(%dma_wait3A_79 : memref<8192xf32, #tpu.memory_space<hbm>>) dst(%dma_wait3A_74 : memref<8192xf32, #tpu.memory_space<vmem>>)
    %scan3A_80 = arith.constant 0 : i32
    %scan3A_81 = arith.constant 16 : i32
    %scan3A_82 = arith.constant 16 : i32
    %scan3A_83 = arith.addi %scan3A_81, %scan3A_82 : i32
    %scan3A_84 = arith.constant 2 : i32
    %scan3A_85 = scf.for %scan3A_119 = %scan3A_81 to %scan3A_83 step %scan3A_84 iter_args(%scan3A_120 = %scan3A_80) -> (i32)  : i32 {
      %mul3A_121 = arith.constant 512 : i32
      %mul3A_122 = arith.muli %scan3A_119, %mul3A_121 : i32
      %add3A_123 = arith.constant 0 : i32
      %add3A_124 = arith.addi %mul3A_122, %add3A_123 : i32
      %broadcast_in_dim3A_125 = vector.broadcast %add3A_124 : i32 to vector<16xi32>
      %add3A_126 = arith.addi %add3A_31, %broadcast_in_dim3A_125 : vector<16xi32>
      %gather3A = tpu.vector_load_idx %arg7[%add3A_126] : memref<16384xf32, #tpu.memory_space<vmem>>[vector<16xi32>], vector<16xf32>,
      %add3A_127 = arith.addi %add3A_34, %broadcast_in_dim3A_125 : vector<16xi32>
      %gather3A_128 = tpu.vector_load_idx %arg7[%add3A_127] : memref<16384xf32, #tpu.memory_space<vmem>>[vector<16xi32>], vector<16xf32>,
      %add3A_129 = arith.constant 1 : i32
      %add3A_130 = arith.addi %mul3A_122, %add3A_129 : i32
      %broadcast_in_dim3A_131 = vector.broadcast %add3A_130 : i32 to vector<16xi32>
      %add3A_132 = arith.addi %add3A_31, %broadcast_in_dim3A_131 : vector<16xi32>
      %gather3A_133 = tpu.vector_load_idx %arg7[%add3A_132] : memref<16384xf32, #tpu.memory_space<vmem>>[vector<16xi32>], vector<16xf32>,
      %add3A_134 = arith.addi %add3A_34, %broadcast_in_dim3A_131 : vector<16xi32>
      %gather3A_135 = tpu.vector_load_idx %arg7[%add3A_134] : memref<16384xf32, #tpu.memory_space<vmem>>[vector<16xi32>], vector<16xf32>,
      %add3A_136 = arith.constant 2 : i32
      %add3A_137 = arith.addi %mul3A_122, %add3A_136 : i32
      %broadcast_in_dim3A_138 = vector.broadcast %add3A_137 : i32 to vector<16xi32>
      %add3A_139 = arith.addi %add3A_31, %broadcast_in_dim3A_138 : vector<16xi32>
      %gather3A_140 = tpu.vector_load_idx %arg7[%add3A_139] : memref<16384xf32, #tpu.memory_space<vmem>>[vector<16xi32>], vector<16xf32>,
      %add3A_141 = arith.addi %add3A_34, %broadcast_in_dim3A_138 : vector<16xi32>
      %gather3A_142 = tpu.vector_load_idx %arg7[%add3A_141] : memref<16384xf32, #tpu.memory_space<vmem>>[vector<16xi32>], vector<16xf32>,
      %add3A_143 = arith.constant 3 : i32
      %add3A_144 = arith.addi %mul3A_122, %add3A_143 : i32
      %broadcast_in_dim3A_145 = vector.broadcast %add3A_144 : i32 to vector<16xi32>
      %add3A_146 = arith.addi %add3A_31, %broadcast_in_dim3A_145 : vector<16xi32>
      %gather3A_147 = tpu.vector_load_idx %arg7[%add3A_146] : memref<16384xf32, #tpu.memory_space<vmem>>[vector<16xi32>], vector<16xf32>,
      %add3A_148 = arith.addi %add3A_34, %broadcast_in_dim3A_145 : vector<16xi32>
      %gather3A_149 = tpu.vector_load_idx %arg7[%add3A_148] : memref<16384xf32, #tpu.memory_space<vmem>>[vector<16xi32>], vector<16xf32>,
      %add3A_150 = arith.constant 4 : i32
      %add3A_151 = arith.addi %mul3A_122, %add3A_150 : i32
      %broadcast_in_dim3A_152 = vector.broadcast %add3A_151 : i32 to vector<16xi32>
      %add3A_153 = arith.addi %add3A_31, %broadcast_in_dim3A_152 : vector<16xi32>
      %gather3A_154 = tpu.vector_load_idx %arg7[%add3A_153] : memref<16384xf32, #tpu.memory_space<vmem>>[vector<16xi32>], vector<16xf32>,
      %add3A_155 = arith.addi %add3A_34, %broadcast_in_dim3A_152 : vector<16xi32>
      %gather3A_156 = tpu.vector_load_idx %arg7[%add3A_155] : memref<16384xf32, #tpu.memory_space<vmem>>[vector<16xi32>], vector<16xf32>,
      %add3A_157 = arith.constant 5 : i32
      %add3A_158 = arith.addi %mul3A_122, %add3A_157 : i32
      %broadcast_in_dim3A_159 = vector.broadcast %add3A_158 : i32 to vector<16xi32>
      %add3A_160 = arith.addi %add3A_31, %broadcast_in_dim3A_159 : vector<16xi32>
      %gather3A_161 = tpu.vector_load_idx %arg7[%add3A_160] : memref<16384xf32, #tpu.memory_space<vmem>>[vector<16xi32>], vector<16xf32>,
      %add3A_162 = arith.addi %add3A_34, %broadcast_in_dim3A_159 : vector<16xi32>
      %gather3A_163 = tpu.vector_load_idx %arg7[%add3A_162] : memref<16384xf32, #tpu.memory_space<vmem>>[vector<16xi32>], vector<16xf32>,
      %add3A_164 = arith.constant 6 : i32
      %add3A_165 = arith.addi %mul3A_122, %add3A_164 : i32
      %broadcast_in_dim3A_166 = vector.broadcast %add3A_165 : i32 to vector<16xi32>
      %add3A_167 = arith.addi %add3A_31, %broadcast_in_dim3A_166 : vector<16xi32>
      %gather3A_168 = tpu.vector_load_idx %arg7[%add3A_167] : memref<16384xf32, #tpu.memory_space<vmem>>[vector<16xi32>], vector<16xf32>,
      %add3A_169 = arith.addi %add3A_34, %broadcast_in_dim3A_166 : vector<16xi32>
      %gather3A_170 = tpu.vector_load_idx %arg7[%add3A_169] : memref<16384xf32, #tpu.memory_space<vmem>>[vector<16xi32>], vector<16xf32>,
      %add3A_171 = arith.constant 7 : i32
      %add3A_172 = arith.addi %mul3A_122, %add3A_171 : i32
      %broadcast_in_dim3A_173 = vector.broadcast %add3A_172 : i32 to vector<16xi32>
      %add3A_174 = arith.addi %add3A_31, %broadcast_in_dim3A_173 : vector<16xi32>
      %gather3A_175 = tpu.vector_load_idx %arg7[%add3A_174] : memref<16384xf32, #tpu.memory_space<vmem>>[vector<16xi32>], vector<16xf32>,
      %add3A_176 = arith.addi %add3A_34, %broadcast_in_dim3A_173 : vector<16xi32>
      %gather3A_177 = tpu.vector_load_idx %arg7[%add3A_176] : memref<16384xf32, #tpu.memory_space<vmem>>[vector<16xi32>], vector<16xf32>,
      %add3A_178 = arith.constant 8 : i32
      %add3A_179 = arith.addi %mul3A_122, %add3A_178 : i32
      %broadcast_in_dim3A_180 = vector.broadcast %add3A_179 : i32 to vector<16xi32>
      %add3A_181 = arith.addi %add3A_31, %broadcast_in_dim3A_180 : vector<16xi32>
      %gather3A_182 = tpu.vector_load_idx %arg7[%add3A_181] : memref<16384xf32, #tpu.memory_space<vmem>>[vector<16xi32>], vector<16xf32>,
      %add3A_183 = arith.addi %add3A_34, %broadcast_in_dim3A_180 : vector<16xi32>
      %gather3A_184 = tpu.vector_load_idx %arg7[%add3A_183] : memref<16384xf32, #tpu.memory_space<vmem>>[vector<16xi32>], vector<16xf32>,
      %add3A_185 = arith.constant 9 : i32
      %add3A_186 = arith.addi %mul3A_122, %add3A_185 : i32
      %broadcast_in_dim3A_187 = vector.broadcast %add3A_186 : i32 to vector<16xi32>
      %add3A_188 = arith.addi %add3A_31, %broadcast_in_dim3A_187 : vector<16xi32>
      %gather3A_189 = tpu.vector_load_idx %arg7[%add3A_188] : memref<16384xf32, #tpu.memory_space<vmem>>[vector<16xi32>], vector<16xf32>,
      %add3A_190 = arith.addi %add3A_34, %broadcast_in_dim3A_187 : vector<16xi32>
      %gather3A_191 = tpu.vector_load_idx %arg7[%add3A_190] : memref<16384xf32, #tpu.memory_space<vmem>>[vector<16xi32>], vector<16xf32>,
      %add3A_192 = arith.constant 10 : i32
      %add3A_193 = arith.addi %mul3A_122, %add3A_192 : i32
      %broadcast_in_dim3A_194 = vector.broadcast %add3A_193 : i32 to vector<16xi32>
      %add3A_195 = arith.addi %add3A_31, %broadcast_in_dim3A_194 : vector<16xi32>
      %gather3A_196 = tpu.vector_load_idx %arg7[%add3A_195] : memref<16384xf32, #tpu.memory_space<vmem>>[vector<16xi32>], vector<16xf32>,
      %add3A_197 = arith.addi %add3A_34, %broadcast_in_dim3A_194 : vector<16xi32>
      %gather3A_198 = tpu.vector_load_idx %arg7[%add3A_197] : memref<16384xf32, #tpu.memory_space<vmem>>[vector<16xi32>], vector<16xf32>,
      %add3A_199 = arith.constant 11 : i32
      %add3A_200 = arith.addi %mul3A_122, %add3A_199 : i32
      %broadcast_in_dim3A_201 = vector.broadcast %add3A_200 : i32 to vector<16xi32>
      %add3A_202 = arith.addi %add3A_31, %broadcast_in_dim3A_201 : vector<16xi32>
      %gather3A_203 = tpu.vector_load_idx %arg7[%add3A_202] : memref<16384xf32, #tpu.memory_space<vmem>>[vector<16xi32>], vector<16xf32>,
      %add3A_204 = arith.addi %add3A_34, %broadcast_in_dim3A_201 : vector<16xi32>
      %gather3A_205 = tpu.vector_load_idx %arg7[%add3A_204] : memref<16384xf32, #tpu.memory_space<vmem>>[vector<16xi32>], vector<16xf32>,
      %add3A_206 = arith.constant 12 : i32
      %add3A_207 = arith.addi %mul3A_122, %add3A_206 : i32
      %broadcast_in_dim3A_208 = vector.broadcast %add3A_207 : i32 to vector<16xi32>
      %add3A_209 = arith.addi %add3A_31, %broadcast_in_dim3A_208 : vector<16xi32>
      %gather3A_210 = tpu.vector_load_idx %arg7[%add3A_209] : memref<16384xf32, #tpu.memory_space<vmem>>[vector<16xi32>], vector<16xf32>,
      %add3A_211 = arith.addi %add3A_34, %broadcast_in_dim3A_208 : vector<16xi32>
      %gather3A_212 = tpu.vector_load_idx %arg7[%add3A_211] : memref<16384xf32, #tpu.memory_space<vmem>>[vector<16xi32>], vector<16xf32>,
      %add3A_213 = arith.constant 13 : i32
      %add3A_214 = arith.addi %mul3A_122, %add3A_213 : i32
      %broadcast_in_dim3A_215 = vector.broadcast %add3A_214 : i32 to vector<16xi32>
      %add3A_216 = arith.addi %add3A_31, %broadcast_in_dim3A_215 : vector<16xi32>
      %gather3A_217 = tpu.vector_load_idx %arg7[%add3A_216] : memref<16384xf32, #tpu.memory_space<vmem>>[vector<16xi32>], vector<16xf32>,
      %add3A_218 = arith.addi %add3A_34, %broadcast_in_dim3A_215 : vector<16xi32>
      %gather3A_219 = tpu.vector_load_idx %arg7[%add3A_218] : memref<16384xf32, #tpu.memory_space<vmem>>[vector<16xi32>], vector<16xf32>,
      %add3A_220 = arith.constant 14 : i32
      %add3A_221 = arith.addi %mul3A_122, %add3A_220 : i32
      %broadcast_in_dim3A_222 = vector.broadcast %add3A_221 : i32 to vector<16xi32>
      %add3A_223 = arith.addi %add3A_31, %broadcast_in_dim3A_222 : vector<16xi32>
      %gather3A_224 = tpu.vector_load_idx %arg7[%add3A_223] : memref<16384xf32, #tpu.memory_space<vmem>>[vector<16xi32>], vector<16xf32>,
      %add3A_225 = arith.addi %add3A_34, %broadcast_in_dim3A_222 : vector<16xi32>
      %gather3A_226 = tpu.vector_load_idx %arg7[%add3A_225] : memref<16384xf32, #tpu.memory_space<vmem>>[vector<16xi32>], vector<16xf32>,
      %add3A_227 = arith.constant 15 : i32
      %add3A_228 = arith.addi %mul3A_122, %add3A_227 : i32
      %broadcast_in_dim3A_229 = vector.broadcast %add3A_228 : i32 to vector<16xi32>
      %add3A_230 = arith.addi %add3A_31, %broadcast_in_dim3A_229 : vector<16xi32>
      %gather3A_231 = tpu.vector_load_idx %arg7[%add3A_230] : memref<16384xf32, #tpu.memory_space<vmem>>[vector<16xi32>], vector<16xf32>,
      %add3A_232 = arith.addi %add3A_34, %broadcast_in_dim3A_229 : vector<16xi32>
      %gather3A_233 = tpu.vector_load_idx %arg7[%add3A_232] : memref<16384xf32, #tpu.memory_space<vmem>>[vector<16xi32>], vector<16xf32>,
      %mul3A_234 = arith.constant 16 : i32
      %mul3A_235 = arith.muli %scan3A_119, %mul3A_234 : i32
      %add3A_236 = arith.constant 0 : i32
      %add3A_237 = arith.addi %mul3A_235, %add3A_236 : i32
      %swap3A = arith.index_cast %add3A_237 : i32 to index
      %swap3A_238 = arith.constant 0 : index
      %swap3A_239 = tpu.vector_load %arg8[%swap3A, %swap3A_238] {strides = array<i32>} : memref<512x32xf32, #tpu.memory_space<vmem>>, vector<16xf32>,
      tpu.vector_store %arg8[%swap3A, %swap3A_238], %gather3A {strides = array<i32>} : memref<512x32xf32, #tpu.memory_space<vmem>>, vector<16xf32>,
      %swap3A_240 = arith.index_cast %add3A_237 : i32 to index
      %swap3A_241 = arith.constant 16 : index
      %swap3A_242 = tpu.vector_load %arg8[%swap3A_240, %swap3A_241] {strides = array<i32>} : memref<512x32xf32, #tpu.memory_space<vmem>>, vector<16xf32>,
      tpu.vector_store %arg8[%swap3A_240, %swap3A_241], %gather3A_128 {strides = array<i32>} : memref<512x32xf32, #tpu.memory_space<vmem>>, vector<16xf32>,
      %mul3A_243 = arith.constant 16 : i32
      %mul3A_244 = arith.muli %scan3A_119, %mul3A_243 : i32
      %add3A_245 = arith.constant 1 : i32
      %add3A_246 = arith.addi %mul3A_244, %add3A_245 : i32
      %swap3A_247 = arith.index_cast %add3A_246 : i32 to index
      %swap3A_248 = arith.constant 0 : index
      %swap3A_249 = tpu.vector_load %arg8[%swap3A_247, %swap3A_248] {strides = array<i32>} : memref<512x32xf32, #tpu.memory_space<vmem>>, vector<16xf32>,
      tpu.vector_store %arg8[%swap3A_247, %swap3A_248], %gather3A_133 {strides = array<i32>} : memref<512x32xf32, #tpu.memory_space<vmem>>, vector<16xf32>,
      %swap3A_250 = arith.index_cast %add3A_246 : i32 to index
      %swap3A_251 = arith.constant 16 : index
      %swap3A_252 = tpu.vector_load %arg8[%swap3A_250, %swap3A_251] {strides = array<i32>} : memref<512x32xf32, #tpu.memory_space<vmem>>, vector<16xf32>,
      tpu.vector_store %arg8[%swap3A_250, %swap3A_251], %gather3A_135 {strides = array<i32>} : memref<512x32xf32, #tpu.memory_space<vmem>>, vector<16xf32>,
      %mul3A_253 = arith.constant 16 : i32
      %mul3A_254 = arith.muli %scan3A_119, %mul3A_253 : i32
      %add3A_255 = arith.constant 2 : i32
      %add3A_256 = arith.addi %mul3A_254, %add3A_255 : i32
      %swap3A_257 = arith.index_cast %add3A_256 : i32 to index
      %swap3A_258 = arith.constant 0 : index
      %swap3A_259 = tpu.vector_load %arg8[%swap3A_257, %swap3A_258] {strides = array<i32>} : memref<512x32xf32, #tpu.memory_space<vmem>>, vector<16xf32>,
      tpu.vector_store %arg8[%swap3A_257, %swap3A_258], %gather3A_140 {strides = array<i32>} : memref<512x32xf32, #tpu.memory_space<vmem>>, vector<16xf32>,
      %swap3A_260 = arith.index_cast %add3A_256 : i32 to index
      %swap3A_261 = arith.constant 16 : index
      %swap3A_262 = tpu.vector_load %arg8[%swap3A_260, %swap3A_261] {strides = array<i32>} : memref<512x32xf32, #tpu.memory_space<vmem>>, vector<16xf32>,
      tpu.vector_store %arg8[%swap3A_260, %swap3A_261], %gather3A_142 {strides = array<i32>} : memref<512x32xf32, #tpu.memory_space<vmem>>, vector<16xf32>,
      %mul3A_263 = arith.constant 16 : i32
      %mul3A_264 = arith.muli %scan3A_119, %mul3A_263 : i32
      %add3A_265 = arith.constant 3 : i32
      %add3A_266 = arith.addi %mul3A_264, %add3A_265 : i32
      %swap3A_267 = arith.index_cast %add3A_266 : i32 to index
      %swap3A_268 = arith.constant 0 : index
      %swap3A_269 = tpu.vector_load %arg8[%swap3A_267, %swap3A_268] {strides = array<i32>} : memref<512x32xf32, #tpu.memory_space<vmem>>, vector<16xf32>,
      tpu.vector_store %arg8[%swap3A_267, %swap3A_268], %gather3A_147 {strides = array<i32>} : memref<512x32xf32, #tpu.memory_space<vmem>>, vector<16xf32>,
      %swap3A_270 = arith.index_cast %add3A_266 : i32 to index
      %swap3A_271 = arith.constant 16 : index
      %swap3A_272 = tpu.vector_load %arg8[%swap3A_270, %swap3A_271] {strides = array<i32>} : memref<512x32xf32, #tpu.memory_space<vmem>>, vector<16xf32>,
      tpu.vector_store %arg8[%swap3A_270, %swap3A_271], %gather3A_149 {strides = array<i32>} : memref<512x32xf32, #tpu.memory_space<vmem>>, vector<16xf32>,
      %mul3A_273 = arith.constant 16 : i32
      %mul3A_274 = arith.muli %scan3A_119, %mul3A_273 : i32
      %add3A_275 = arith.constant 4 : i32
      %add3A_276 = arith.addi %mul3A_274, %add3A_275 : i32
      %swap3A_277 = arith.index_cast %add3A_276 : i32 to index
      %swap3A_278 = arith.constant 0 : index
      %swap3A_279 = tpu.vector_load %arg8[%swap3A_277, %swap3A_278] {strides = array<i32>} : memref<512x32xf32, #tpu.memory_space<vmem>>, vector<16xf32>,
      tpu.vector_store %arg8[%swap3A_277, %swap3A_278], %gather3A_154 {strides = array<i32>} : memref<512x32xf32, #tpu.memory_space<vmem>>, vector<16xf32>,
      %swap3A_280 = arith.index_cast %add3A_276 : i32 to index
      %swap3A_281 = arith.constant 16 : index
      %swap3A_282 = tpu.vector_load %arg8[%swap3A_280, %swap3A_281] {strides = array<i32>} : memref<512x32xf32, #tpu.memory_space<vmem>>, vector<16xf32>,
      tpu.vector_store %arg8[%swap3A_280, %swap3A_281], %gather3A_156 {strides = array<i32>} : memref<512x32xf32, #tpu.memory_space<vmem>>, vector<16xf32>,
      %mul3A_283 = arith.constant 16 : i32
      %mul3A_284 = arith.muli %scan3A_119, %mul3A_283 : i32
      %add3A_285 = arith.constant 5 : i32
      %add3A_286 = arith.addi %mul3A_284, %add3A_285 : i32
      %swap3A_287 = arith.index_cast %add3A_286 : i32 to index
      %swap3A_288 = arith.constant 0 : index
      %swap3A_289 = tpu.vector_load %arg8[%swap3A_287, %swap3A_288] {strides = array<i32>} : memref<512x32xf32, #tpu.memory_space<vmem>>, vector<16xf32>,
      tpu.vector_store %arg8[%swap3A_287, %swap3A_288], %gather3A_161 {strides = array<i32>} : memref<512x32xf32, #tpu.memory_space<vmem>>, vector<16xf32>,
      %swap3A_290 = arith.index_cast %add3A_286 : i32 to index
      %swap3A_291 = arith.constant 16 : index
      %swap3A_292 = tpu.vector_load %arg8[%swap3A_290, %swap3A_291] {strides = array<i32>} : memref<512x32xf32, #tpu.memory_space<vmem>>, vector<16xf32>,
      tpu.vector_store %arg8[%swap3A_290, %swap3A_291], %gather3A_163 {strides = array<i32>} : memref<512x32xf32, #tpu.memory_space<vmem>>, vector<16xf32>,
      %mul3A_293 = arith.constant 16 : i32
      %mul3A_294 = arith.muli %scan3A_119, %mul3A_293 : i32
      %add3A_295 = arith.constant 6 : i32
      %add3A_296 = arith.addi %mul3A_294, %add3A_295 : i32
      %swap3A_297 = arith.index_cast %add3A_296 : i32 to index
      %swap3A_298 = arith.constant 0 : index
      %swap3A_299 = tpu.vector_load %arg8[%swap3A_297, %swap3A_298] {strides = array<i32>} : memref<512x32xf32, #tpu.memory_space<vmem>>, vector<16xf32>,
      tpu.vector_store %arg8[%swap3A_297, %swap3A_298], %gather3A_168 {strides = array<i32>} : memref<512x32xf32, #tpu.memory_space<vmem>>, vector<16xf32>,
      %swap3A_300 = arith.index_cast %add3A_296 : i32 to index
      %swap3A_301 = arith.constant 16 : index
      %swap3A_302 = tpu.vector_load %arg8[%swap3A_300, %swap3A_301] {strides = array<i32>} : memref<512x32xf32, #tpu.memory_space<vmem>>, vector<16xf32>,
      tpu.vector_store %arg8[%swap3A_300, %swap3A_301], %gather3A_170 {strides = array<i32>} : memref<512x32xf32, #tpu.memory_space<vmem>>, vector<16xf32>,
      %mul3A_303 = arith.constant 16 : i32
      %mul3A_304 = arith.muli %scan3A_119, %mul3A_303 : i32
      %add3A_305 = arith.constant 7 : i32
      %add3A_306 = arith.addi %mul3A_304, %add3A_305 : i32
      %swap3A_307 = arith.index_cast %add3A_306 : i32 to index
      %swap3A_308 = arith.constant 0 : index
      %swap3A_309 = tpu.vector_load %arg8[%swap3A_307, %swap3A_308] {strides = array<i32>} : memref<512x32xf32, #tpu.memory_space<vmem>>, vector<16xf32>,
      tpu.vector_store %arg8[%swap3A_307, %swap3A_308], %gather3A_175 {strides = array<i32>} : memref<512x32xf32, #tpu.memory_space<vmem>>, vector<16xf32>,
      %swap3A_310 = arith.index_cast %add3A_306 : i32 to index
      %swap3A_311 = arith.constant 16 : index
      %swap3A_312 = tpu.vector_load %arg8[%swap3A_310, %swap3A_311] {strides = array<i32>} : memref<512x32xf32, #tpu.memory_space<vmem>>, vector<16xf32>,
      tpu.vector_store %arg8[%swap3A_310, %swap3A_311], %gather3A_177 {strides = array<i32>} : memref<512x32xf32, #tpu.memory_space<vmem>>, vector<16xf32>,
      %mul3A_313 = arith.constant 16 : i32
      %mul3A_314 = arith.muli %scan3A_119, %mul3A_313 : i32
      %add3A_315 = arith.constant 8 : i32
      %add3A_316 = arith.addi %mul3A_314, %add3A_315 : i32
      %swap3A_317 = arith.index_cast %add3A_316 : i32 to index
      %swap3A_318 = arith.constant 0 : index
      %swap3A_319 = tpu.vector_load %arg8[%swap3A_317, %swap3A_318] {strides = array<i32>} : memref<512x32xf32, #tpu.memory_space<vmem>>, vector<16xf32>,
      tpu.vector_store %arg8[%swap3A_317, %swap3A_318], %gather3A_182 {strides = array<i32>} : memref<512x32xf32, #tpu.memory_space<vmem>>, vector<16xf32>,
      %swap3A_320 = arith.index_cast %add3A_316 : i32 to index
      %swap3A_321 = arith.constant 16 : index
      %swap3A_322 = tpu.vector_load %arg8[%swap3A_320, %swap3A_321] {strides = array<i32>} : memref<512x32xf32, #tpu.memory_space<vmem>>, vector<16xf32>,
      tpu.vector_store %arg8[%swap3A_320, %swap3A_321], %gather3A_184 {strides = array<i32>} : memref<512x32xf32, #tpu.memory_space<vmem>>, vector<16xf32>,
      %mul3A_323 = arith.constant 16 : i32
      %mul3A_324 = arith.muli %scan3A_119, %mul3A_323 : i32
      %add3A_325 = arith.constant 9 : i32
      %add3A_326 = arith.addi %mul3A_324, %add3A_325 : i32
      %swap3A_327 = arith.index_cast %add3A_326 : i32 to index
      %swap3A_328 = arith.constant 0 : index
      %swap3A_329 = tpu.vector_load %arg8[%swap3A_327, %swap3A_328] {strides = array<i32>} : memref<512x32xf32, #tpu.memory_space<vmem>>, vector<16xf32>,
      tpu.vector_store %arg8[%swap3A_327, %swap3A_328], %gather3A_189 {strides = array<i32>} : memref<512x32xf32, #tpu.memory_space<vmem>>, vector<16xf32>,
      %swap3A_330 = arith.index_cast %add3A_326 : i32 to index
      %swap3A_331 = arith.constant 16 : index
      %swap3A_332 = tpu.vector_load %arg8[%swap3A_330, %swap3A_331] {strides = array<i32>} : memref<512x32xf32, #tpu.memory_space<vmem>>, vector<16xf32>,
      tpu.vector_store %arg8[%swap3A_330, %swap3A_331], %gather3A_191 {strides = array<i32>} : memref<512x32xf32, #tpu.memory_space<vmem>>, vector<16xf32>,
      %mul3A_333 = arith.constant 16 : i32
      %mul3A_334 = arith.muli %scan3A_119, %mul3A_333 : i32
      %add3A_335 = arith.constant 10 : i32
      %add3A_336 = arith.addi %mul3A_334, %add3A_335 : i32
      %swap3A_337 = arith.index_cast %add3A_336 : i32 to index
      %swap3A_338 = arith.constant 0 : index
      %swap3A_339 = tpu.vector_load %arg8[%swap3A_337, %swap3A_338] {strides = array<i32>} : memref<512x32xf32, #tpu.memory_space<vmem>>, vector<16xf32>,
      tpu.vector_store %arg8[%swap3A_337, %swap3A_338], %gather3A_196 {strides = array<i32>} : memref<512x32xf32, #tpu.memory_space<vmem>>, vector<16xf32>,
      %swap3A_340 = arith.index_cast %add3A_336 : i32 to index
      %swap3A_341 = arith.constant 16 : index
      %swap3A_342 = tpu.vector_load %arg8[%swap3A_340, %swap3A_341] {strides = array<i32>} : memref<512x32xf32, #tpu.memory_space<vmem>>, vector<16xf32>,
      tpu.vector_store %arg8[%swap3A_340, %swap3A_341], %gather3A_198 {strides = array<i32>} : memref<512x32xf32, #tpu.memory_space<vmem>>, vector<16xf32>,
      %mul3A_343 = arith.constant 16 : i32
      %mul3A_344 = arith.muli %scan3A_119, %mul3A_343 : i32
      %add3A_345 = arith.constant 11 : i32
      %add3A_346 = arith.addi %mul3A_344, %add3A_345 : i32
      %swap3A_347 = arith.index_cast %add3A_346 : i32 to index
      %swap3A_348 = arith.constant 0 : index
      %swap3A_349 = tpu.vector_load %arg8[%swap3A_347, %swap3A_348] {strides = array<i32>} : memref<512x32xf32, #tpu.memory_space<vmem>>, vector<16xf32>,
      tpu.vector_store %arg8[%swap3A_347, %swap3A_348], %gather3A_203 {strides = array<i32>} : memref<512x32xf32, #tpu.memory_space<vmem>>, vector<16xf32>,
      %swap3A_350 = arith.index_cast %add3A_346 : i32 to index
      %swap3A_351 = arith.constant 16 : index
      %swap3A_352 = tpu.vector_load %arg8[%swap3A_350, %swap3A_351] {strides = array<i32>} : memref<512x32xf32, #tpu.memory_space<vmem>>, vector<16xf32>,
      tpu.vector_store %arg8[%swap3A_350, %swap3A_351], %gather3A_205 {strides = array<i32>} : memref<512x32xf32, #tpu.memory_space<vmem>>, vector<16xf32>,
      %mul3A_353 = arith.constant 16 : i32
      %mul3A_354 = arith.muli %scan3A_119, %mul3A_353 : i32
      %add3A_355 = arith.constant 12 : i32
      %add3A_356 = arith.addi %mul3A_354, %add3A_355 : i32
      %swap3A_357 = arith.index_cast %add3A_356 : i32 to index
      %swap3A_358 = arith.constant 0 : index
      %swap3A_359 = tpu.vector_load %arg8[%swap3A_357, %swap3A_358] {strides = array<i32>} : memref<512x32xf32, #tpu.memory_space<vmem>>, vector<16xf32>,
      tpu.vector_store %arg8[%swap3A_357, %swap3A_358], %gather3A_210 {strides = array<i32>} : memref<512x32xf32, #tpu.memory_space<vmem>>, vector<16xf32>,
      %swap3A_360 = arith.index_cast %add3A_356 : i32 to index
      %swap3A_361 = arith.constant 16 : index
      %swap3A_362 = tpu.vector_load %arg8[%swap3A_360, %swap3A_361] {strides = array<i32>} : memref<512x32xf32, #tpu.memory_space<vmem>>, vector<16xf32>,
      tpu.vector_store %arg8[%swap3A_360, %swap3A_361], %gather3A_212 {strides = array<i32>} : memref<512x32xf32, #tpu.memory_space<vmem>>, vector<16xf32>,
      %mul3A_363 = arith.constant 16 : i32
      %mul3A_364 = arith.muli %scan3A_119, %mul3A_363 : i32
      %add3A_365 = arith.constant 13 : i32
      %add3A_366 = arith.addi %mul3A_364, %add3A_365 : i32
      %swap3A_367 = arith.index_cast %add3A_366 : i32 to index
      %swap3A_368 = arith.constant 0 : index
      %swap3A_369 = tpu.vector_load %arg8[%swap3A_367, %swap3A_368] {strides = array<i32>} : memref<512x32xf32, #tpu.memory_space<vmem>>, vector<16xf32>,
      tpu.vector_store %arg8[%swap3A_367, %swap3A_368], %gather3A_217 {strides = array<i32>} : memref<512x32xf32, #tpu.memory_space<vmem>>, vector<16xf32>,
      %swap3A_370 = arith.index_cast %add3A_366 : i32 to index
      %swap3A_371 = arith.constant 16 : index
      %swap3A_372 = tpu.vector_load %arg8[%swap3A_370, %swap3A_371] {strides = array<i32>} : memref<512x32xf32, #tpu.memory_space<vmem>>, vector<16xf32>,
      tpu.vector_store %arg8[%swap3A_370, %swap3A_371], %gather3A_219 {strides = array<i32>} : memref<512x32xf32, #tpu.memory_space<vmem>>, vector<16xf32>,
      %mul3A_373 = arith.constant 16 : i32
      %mul3A_374 = arith.muli %scan3A_119, %mul3A_373 : i32
      %add3A_375 = arith.constant 14 : i32
      %add3A_376 = arith.addi %mul3A_374, %add3A_375 : i32
      %swap3A_377 = arith.index_cast %add3A_376 : i32 to index
      %swap3A_378 = arith.constant 0 : index
      %swap3A_379 = tpu.vector_load %arg8[%swap3A_377, %swap3A_378] {strides = array<i32>} : memref<512x32xf32, #tpu.memory_space<vmem>>, vector<16xf32>,
      tpu.vector_store %arg8[%swap3A_377, %swap3A_378], %gather3A_224 {strides = array<i32>} : memref<512x32xf32, #tpu.memory_space<vmem>>, vector<16xf32>,
      %swap3A_380 = arith.index_cast %add3A_376 : i32 to index
      %swap3A_381 = arith.constant 16 : index
      %swap3A_382 = tpu.vector_load %arg8[%swap3A_380, %swap3A_381] {strides = array<i32>} : memref<512x32xf32, #tpu.memory_space<vmem>>, vector<16xf32>,
      tpu.vector_store %arg8[%swap3A_380, %swap3A_381], %gather3A_226 {strides = array<i32>} : memref<512x32xf32, #tpu.memory_space<vmem>>, vector<16xf32>,
      %mul3A_383 = arith.constant 16 : i32
      %mul3A_384 = arith.muli %scan3A_119, %mul3A_383 : i32
      %add3A_385 = arith.constant 15 : i32
      %add3A_386 = arith.addi %mul3A_384, %add3A_385 : i32
      %swap3A_387 = arith.index_cast %add3A_386 : i32 to index
      %swap3A_388 = arith.constant 0 : index
      %swap3A_389 = tpu.vector_load %arg8[%swap3A_387, %swap3A_388] {strides = array<i32>} : memref<512x32xf32, #tpu.memory_space<vmem>>, vector<16xf32>,
      tpu.vector_store %arg8[%swap3A_387, %swap3A_388], %gather3A_231 {strides = array<i32>} : memref<512x32xf32, #tpu.memory_space<vmem>>, vector<16xf32>,
      %swap3A_390 = arith.index_cast %add3A_386 : i32 to index
      %swap3A_391 = arith.constant 16 : index
      %swap3A_392 = tpu.vector_load %arg8[%swap3A_390, %swap3A_391] {strides = array<i32>} : memref<512x32xf32, #tpu.memory_space<vmem>>, vector<16xf32>,
      tpu.vector_store %arg8[%swap3A_390, %swap3A_391], %gather3A_233 {strides = array<i32>} : memref<512x32xf32, #tpu.memory_space<vmem>>, vector<16xf32>,
      %scan3A_393 = arith.constant 0 : i32
      %scan3A_394 = arith.constant 1 : i32
      %scan3A_395 = arith.addi %scan3A_119, %scan3A_394 : i32
      %mul3A_396 = arith.constant 512 : i32
      %mul3A_397 = arith.muli %scan3A_395, %mul3A_396 : i32
      %add3A_398 = arith.constant 0 : i32
      %add3A_399 = arith.addi %mul3A_397, %add3A_398 : i32
      %broadcast_in_dim3A_400 = vector.broadcast %add3A_399 : i32 to vector<16xi32>
      %add3A_401 = arith.addi %add3A_31, %broadcast_in_dim3A_400 : vector<16xi32>
      %gather3A_402 = tpu.vector_load_idx %arg7[%add3A_401] : memref<16384xf32, #tpu.memory_space<vmem>>[vector<16xi32>], vector<16xf32>,
      %add3A_403 = arith.addi %add3A_34, %broadcast_in_dim3A_400 : vector<16xi32>
      %gather3A_404 = tpu.vector_load_idx %arg7[%add3A_403] : memref<16384xf32, #tpu.memory_space<vmem>>[vector<16xi32>], vector<16xf32>,
      %add3A_405 = arith.constant 1 : i32
      %add3A_406 = arith.addi %mul3A_397, %add3A_405 : i32
      %broadcast_in_dim3A_407 = vector.broadcast %add3A_406 : i32 to vector<16xi32>
      %add3A_408 = arith.addi %add3A_31, %broadcast_in_dim3A_407 : vector<16xi32>
      %gather3A_409 = tpu.vector_load_idx %arg7[%add3A_408] : memref<16384xf32, #tpu.memory_space<vmem>>[vector<16xi32>], vector<16xf32>,
      %add3A_410 = arith.addi %add3A_34, %broadcast_in_dim3A_407 : vector<16xi32>
      %gather3A_411 = tpu.vector_load_idx %arg7[%add3A_410] : memref<16384xf32, #tpu.memory_space<vmem>>[vector<16xi32>], vector<16xf32>,
      %add3A_412 = arith.constant 2 : i32
      %add3A_413 = arith.addi %mul3A_397, %add3A_412 : i32
      %broadcast_in_dim3A_414 = vector.broadcast %add3A_413 : i32 to vector<16xi32>
      %add3A_415 = arith.addi %add3A_31, %broadcast_in_dim3A_414 : vector<16xi32>
      %gather3A_416 = tpu.vector_load_idx %arg7[%add3A_415] : memref<16384xf32, #tpu.memory_space<vmem>>[vector<16xi32>], vector<16xf32>,
      %add3A_417 = arith.addi %add3A_34, %broadcast_in_dim3A_414 : vector<16xi32>
      %gather3A_418 = tpu.vector_load_idx %arg7[%add3A_417] : memref<16384xf32, #tpu.memory_space<vmem>>[vector<16xi32>], vector<16xf32>,
      %add3A_419 = arith.constant 3 : i32
      %add3A_420 = arith.addi %mul3A_397, %add3A_419 : i32
      %broadcast_in_dim3A_421 = vector.broadcast %add3A_420 : i32 to vector<16xi32>
      %add3A_422 = arith.addi %add3A_31, %broadcast_in_dim3A_421 : vector<16xi32>
      %gather3A_423 = tpu.vector_load_idx %arg7[%add3A_422] : memref<16384xf32, #tpu.memory_space<vmem>>[vector<16xi32>], vector<16xf32>,
      %add3A_424 = arith.addi %add3A_34, %broadcast_in_dim3A_421 : vector<16xi32>
      %gather3A_425 = tpu.vector_load_idx %arg7[%add3A_424] : memref<16384xf32, #tpu.memory_space<vmem>>[vector<16xi32>], vector<16xf32>,
      %add3A_426 = arith.constant 4 : i32
      %add3A_427 = arith.addi %mul3A_397, %add3A_426 : i32
      %broadcast_in_dim3A_428 = vector.broadcast %add3A_427 : i32 to vector<16xi32>
      %add3A_429 = arith.addi %add3A_31, %broadcast_in_dim3A_428 : vector<16xi32>
      %gather3A_430 = tpu.vector_load_idx %arg7[%add3A_429] : memref<16384xf32, #tpu.memory_space<vmem>>[vector<16xi32>], vector<16xf32>,
      %add3A_431 = arith.addi %add3A_34, %broadcast_in_dim3A_428 : vector<16xi32>
      %gather3A_432 = tpu.vector_load_idx %arg7[%add3A_431] : memref<16384xf32, #tpu.memory_space<vmem>>[vector<16xi32>], vector<16xf32>,
      %add3A_433 = arith.constant 5 : i32
      %add3A_434 = arith.addi %mul3A_397, %add3A_433 : i32
      %broadcast_in_dim3A_435 = vector.broadcast %add3A_434 : i32 to vector<16xi32>
      %add3A_436 = arith.addi %add3A_31, %broadcast_in_dim3A_435 : vector<16xi32>
      %gather3A_437 = tpu.vector_load_idx %arg7[%add3A_436] : memref<16384xf32, #tpu.memory_space<vmem>>[vector<16xi32>], vector<16xf32>,
      %add3A_438 = arith.addi %add3A_34, %broadcast_in_dim3A_435 : vector<16xi32>
      %gather3A_439 = tpu.vector_load_idx %arg7[%add3A_438] : memref<16384xf32, #tpu.memory_space<vmem>>[vector<16xi32>], vector<16xf32>,
      %add3A_440 = arith.constant 6 : i32
      %add3A_441 = arith.addi %mul3A_397, %add3A_440 : i32
      %broadcast_in_dim3A_442 = vector.broadcast %add3A_441 : i32 to vector<16xi32>
      %add3A_443 = arith.addi %add3A_31, %broadcast_in_dim3A_442 : vector<16xi32>
      %gather3A_444 = tpu.vector_load_idx %arg7[%add3A_443] : memref<16384xf32, #tpu.memory_space<vmem>>[vector<16xi32>], vector<16xf32>,
      %add3A_445 = arith.addi %add3A_34, %broadcast_in_dim3A_442 : vector<16xi32>
      %gather3A_446 = tpu.vector_load_idx %arg7[%add3A_445] : memref<16384xf32, #tpu.memory_space<vmem>>[vector<16xi32>], vector<16xf32>,
      %add3A_447 = arith.constant 7 : i32
      %add3A_448 = arith.addi %mul3A_397, %add3A_447 : i32
      %broadcast_in_dim3A_449 = vector.broadcast %add3A_448 : i32 to vector<16xi32>
      %add3A_450 = arith.addi %add3A_31, %broadcast_in_dim3A_449 : vector<16xi32>
      %gather3A_451 = tpu.vector_load_idx %arg7[%add3A_450] : memref<16384xf32, #tpu.memory_space<vmem>>[vector<16xi32>], vector<16xf32>,
      %add3A_452 = arith.addi %add3A_34, %broadcast_in_dim3A_449 : vector<16xi32>
      %gather3A_453 = tpu.vector_load_idx %arg7[%add3A_452] : memref<16384xf32, #tpu.memory_space<vmem>>[vector<16xi32>], vector<16xf32>,
      %add3A_454 = arith.constant 8 : i32
      %add3A_455 = arith.addi %mul3A_397, %add3A_454 : i32
      %broadcast_in_dim3A_456 = vector.broadcast %add3A_455 : i32 to vector<16xi32>
      %add3A_457 = arith.addi %add3A_31, %broadcast_in_dim3A_456 : vector<16xi32>
      %gather3A_458 = tpu.vector_load_idx %arg7[%add3A_457] : memref<16384xf32, #tpu.memory_space<vmem>>[vector<16xi32>], vector<16xf32>,
      %add3A_459 = arith.addi %add3A_34, %broadcast_in_dim3A_456 : vector<16xi32>
      %gather3A_460 = tpu.vector_load_idx %arg7[%add3A_459] : memref<16384xf32, #tpu.memory_space<vmem>>[vector<16xi32>], vector<16xf32>,
      %add3A_461 = arith.constant 9 : i32
      %add3A_462 = arith.addi %mul3A_397, %add3A_461 : i32
      %broadcast_in_dim3A_463 = vector.broadcast %add3A_462 : i32 to vector<16xi32>
      %add3A_464 = arith.addi %add3A_31, %broadcast_in_dim3A_463 : vector<16xi32>
      %gather3A_465 = tpu.vector_load_idx %arg7[%add3A_464] : memref<16384xf32, #tpu.memory_space<vmem>>[vector<16xi32>], vector<16xf32>,
      %add3A_466 = arith.addi %add3A_34, %broadcast_in_dim3A_463 : vector<16xi32>
      %gather3A_467 = tpu.vector_load_idx %arg7[%add3A_466] : memref<16384xf32, #tpu.memory_space<vmem>>[vector<16xi32>], vector<16xf32>,
      %add3A_468 = arith.constant 10 : i32
      %add3A_469 = arith.addi %mul3A_397, %add3A_468 : i32
      %broadcast_in_dim3A_470 = vector.broadcast %add3A_469 : i32 to vector<16xi32>
      %add3A_471 = arith.addi %add3A_31, %broadcast_in_dim3A_470 : vector<16xi32>
      %gather3A_472 = tpu.vector_load_idx %arg7[%add3A_471] : memref<16384xf32, #tpu.memory_space<vmem>>[vector<16xi32>], vector<16xf32>,
      %add3A_473 = arith.addi %add3A_34, %broadcast_in_dim3A_470 : vector<16xi32>
      %gather3A_474 = tpu.vector_load_idx %arg7[%add3A_473] : memref<16384xf32, #tpu.memory_space<vmem>>[vector<16xi32>], vector<16xf32>,
      %add3A_475 = arith.constant 11 : i32
      %add3A_476 = arith.addi %mul3A_397, %add3A_475 : i32
      %broadcast_in_dim3A_477 = vector.broadcast %add3A_476 : i32 to vector<16xi32>
      %add3A_478 = arith.addi %add3A_31, %broadcast_in_dim3A_477 : vector<16xi32>
      %gather3A_479 = tpu.vector_load_idx %arg7[%add3A_478] : memref<16384xf32, #tpu.memory_space<vmem>>[vector<16xi32>], vector<16xf32>,
      %add3A_480 = arith.addi %add3A_34, %broadcast_in_dim3A_477 : vector<16xi32>
      %gather3A_481 = tpu.vector_load_idx %arg7[%add3A_480] : memref<16384xf32, #tpu.memory_space<vmem>>[vector<16xi32>], vector<16xf32>,
      %add3A_482 = arith.constant 12 : i32
      %add3A_483 = arith.addi %mul3A_397, %add3A_482 : i32
      %broadcast_in_dim3A_484 = vector.broadcast %add3A_483 : i32 to vector<16xi32>
      %add3A_485 = arith.addi %add3A_31, %broadcast_in_dim3A_484 : vector<16xi32>
      %gather3A_486 = tpu.vector_load_idx %arg7[%add3A_485] : memref<16384xf32, #tpu.memory_space<vmem>>[vector<16xi32>], vector<16xf32>,
      %add3A_487 = arith.addi %add3A_34, %broadcast_in_dim3A_484 : vector<16xi32>
      %gather3A_488 = tpu.vector_load_idx %arg7[%add3A_487] : memref<16384xf32, #tpu.memory_space<vmem>>[vector<16xi32>], vector<16xf32>,
      %add3A_489 = arith.constant 13 : i32
      %add3A_490 = arith.addi %mul3A_397, %add3A_489 : i32
      %broadcast_in_dim3A_491 = vector.broadcast %add3A_490 : i32 to vector<16xi32>
      %add3A_492 = arith.addi %add3A_31, %broadcast_in_dim3A_491 : vector<16xi32>
      %gather3A_493 = tpu.vector_load_idx %arg7[%add3A_492] : memref<16384xf32, #tpu.memory_space<vmem>>[vector<16xi32>], vector<16xf32>,
      %add3A_494 = arith.addi %add3A_34, %broadcast_in_dim3A_491 : vector<16xi32>
      %gather3A_495 = tpu.vector_load_idx %arg7[%add3A_494] : memref<16384xf32, #tpu.memory_space<vmem>>[vector<16xi32>], vector<16xf32>,
      %add3A_496 = arith.constant 14 : i32
      %add3A_497 = arith.addi %mul3A_397, %add3A_496 : i32
      %broadcast_in_dim3A_498 = vector.broadcast %add3A_497 : i32 to vector<16xi32>
      %add3A_499 = arith.addi %add3A_31, %broadcast_in_dim3A_498 : vector<16xi32>
      %gather3A_500 = tpu.vector_load_idx %arg7[%add3A_499] : memref<16384xf32, #tpu.memory_space<vmem>>[vector<16xi32>], vector<16xf32>,
      %add3A_501 = arith.addi %add3A_34, %broadcast_in_dim3A_498 : vector<16xi32>
      %gather3A_502 = tpu.vector_load_idx %arg7[%add3A_501] : memref<16384xf32, #tpu.memory_space<vmem>>[vector<16xi32>], vector<16xf32>,
      %add3A_503 = arith.constant 15 : i32
      %add3A_504 = arith.addi %mul3A_397, %add3A_503 : i32
      %broadcast_in_dim3A_505 = vector.broadcast %add3A_504 : i32 to vector<16xi32>
      %add3A_506 = arith.addi %add3A_31, %broadcast_in_dim3A_505 : vector<16xi32>
      %gather3A_507 = tpu.vector_load_idx %arg7[%add3A_506] : memref<16384xf32, #tpu.memory_space<vmem>>[vector<16xi32>], vector<16xf32>,
      %add3A_508 = arith.addi %add3A_34, %broadcast_in_dim3A_505 : vector<16xi32>
      %gather3A_509 = tpu.vector_load_idx %arg7[%add3A_508] : memref<16384xf32, #tpu.memory_space<vmem>>[vector<16xi32>], vector<16xf32>,
      %mul3A_510 = arith.constant 16 : i32
      %mul3A_511 = arith.muli %scan3A_395, %mul3A_510 : i32
      %add3A_512 = arith.constant 0 : i32
      %add3A_513 = arith.addi %mul3A_511, %add3A_512 : i32
      %swap3A_514 = arith.index_cast %add3A_513 : i32 to index
      %swap3A_515 = arith.constant 0 : index
      %swap3A_516 = tpu.vector_load %arg8[%swap3A_514, %swap3A_515] {strides = array<i32>} : memref<512x32xf32, #tpu.memory_space<vmem>>, vector<16xf32>,
      tpu.vector_store %arg8[%swap3A_514, %swap3A_515], %gather3A_402 {strides = array<i32>} : memref<512x32xf32, #tpu.memory_space<vmem>>, vector<16xf32>,
      %swap3A_517 = arith.index_cast %add3A_513 : i32 to index
      %swap3A_518 = arith.constant 16 : index
      %swap3A_519 = tpu.vector_load %arg8[%swap3A_517, %swap3A_518] {strides = array<i32>} : memref<512x32xf32, #tpu.memory_space<vmem>>, vector<16xf32>,
      tpu.vector_store %arg8[%swap3A_517, %swap3A_518], %gather3A_404 {strides = array<i32>} : memref<512x32xf32, #tpu.memory_space<vmem>>, vector<16xf32>,
      %mul3A_520 = arith.constant 16 : i32
      %mul3A_521 = arith.muli %scan3A_395, %mul3A_520 : i32
      %add3A_522 = arith.constant 1 : i32
      %add3A_523 = arith.addi %mul3A_521, %add3A_522 : i32
      %swap3A_524 = arith.index_cast %add3A_523 : i32 to index
      %swap3A_525 = arith.constant 0 : index
      %swap3A_526 = tpu.vector_load %arg8[%swap3A_524, %swap3A_525] {strides = array<i32>} : memref<512x32xf32, #tpu.memory_space<vmem>>, vector<16xf32>,
      tpu.vector_store %arg8[%swap3A_524, %swap3A_525], %gather3A_409 {strides = array<i32>} : memref<512x32xf32, #tpu.memory_space<vmem>>, vector<16xf32>,
      %swap3A_527 = arith.index_cast %add3A_523 : i32 to index
      %swap3A_528 = arith.constant 16 : index
      %swap3A_529 = tpu.vector_load %arg8[%swap3A_527, %swap3A_528] {strides = array<i32>} : memref<512x32xf32, #tpu.memory_space<vmem>>, vector<16xf32>,
      tpu.vector_store %arg8[%swap3A_527, %swap3A_528], %gather3A_411 {strides = array<i32>} : memref<512x32xf32, #tpu.memory_space<vmem>>, vector<16xf32>,
      %mul3A_530 = arith.constant 16 : i32
      %mul3A_531 = arith.muli %scan3A_395, %mul3A_530 : i32
      %add3A_532 = arith.constant 2 : i32
      %add3A_533 = arith.addi %mul3A_531, %add3A_532 : i32
      %swap3A_534 = arith.index_cast %add3A_533 : i32 to index
      %swap3A_535 = arith.constant 0 : index
      %swap3A_536 = tpu.vector_load %arg8[%swap3A_534, %swap3A_535] {strides = array<i32>} : memref<512x32xf32, #tpu.memory_space<vmem>>, vector<16xf32>,
      tpu.vector_store %arg8[%swap3A_534, %swap3A_535], %gather3A_416 {strides = array<i32>} : memref<512x32xf32, #tpu.memory_space<vmem>>, vector<16xf32>,
      %swap3A_537 = arith.index_cast %add3A_533 : i32 to index
      %swap3A_538 = arith.constant 16 : index
      %swap3A_539 = tpu.vector_load %arg8[%swap3A_537, %swap3A_538] {strides = array<i32>} : memref<512x32xf32, #tpu.memory_space<vmem>>, vector<16xf32>,
      tpu.vector_store %arg8[%swap3A_537, %swap3A_538], %gather3A_418 {strides = array<i32>} : memref<512x32xf32, #tpu.memory_space<vmem>>, vector<16xf32>,
      %mul3A_540 = arith.constant 16 : i32
      %mul3A_541 = arith.muli %scan3A_395, %mul3A_540 : i32
      %add3A_542 = arith.constant 3 : i32
      %add3A_543 = arith.addi %mul3A_541, %add3A_542 : i32
      %swap3A_544 = arith.index_cast %add3A_543 : i32 to index
      %swap3A_545 = arith.constant 0 : index
      %swap3A_546 = tpu.vector_load %arg8[%swap3A_544, %swap3A_545] {strides = array<i32>} : memref<512x32xf32, #tpu.memory_space<vmem>>, vector<16xf32>,
      tpu.vector_store %arg8[%swap3A_544, %swap3A_545], %gather3A_423 {strides = array<i32>} : memref<512x32xf32, #tpu.memory_space<vmem>>, vector<16xf32>,
      %swap3A_547 = arith.index_cast %add3A_543 : i32 to index
      %swap3A_548 = arith.constant 16 : index
      %swap3A_549 = tpu.vector_load %arg8[%swap3A_547, %swap3A_548] {strides = array<i32>} : memref<512x32xf32, #tpu.memory_space<vmem>>, vector<16xf32>,
      tpu.vector_store %arg8[%swap3A_547, %swap3A_548], %gather3A_425 {strides = array<i32>} : memref<512x32xf32, #tpu.memory_space<vmem>>, vector<16xf32>,
      %mul3A_550 = arith.constant 16 : i32
      %mul3A_551 = arith.muli %scan3A_395, %mul3A_550 : i32
      %add3A_552 = arith.constant 4 : i32
      %add3A_553 = arith.addi %mul3A_551, %add3A_552 : i32
      %swap3A_554 = arith.index_cast %add3A_553 : i32 to index
      %swap3A_555 = arith.constant 0 : index
      %swap3A_556 = tpu.vector_load %arg8[%swap3A_554, %swap3A_555] {strides = array<i32>} : memref<512x32xf32, #tpu.memory_space<vmem>>, vector<16xf32>,
      tpu.vector_store %arg8[%swap3A_554, %swap3A_555], %gather3A_430 {strides = array<i32>} : memref<512x32xf32, #tpu.memory_space<vmem>>, vector<16xf32>,
      %swap3A_557 = arith.index_cast %add3A_553 : i32 to index
      %swap3A_558 = arith.constant 16 : index
      %swap3A_559 = tpu.vector_load %arg8[%swap3A_557, %swap3A_558] {strides = array<i32>} : memref<512x32xf32, #tpu.memory_space<vmem>>, vector<16xf32>,
      tpu.vector_store %arg8[%swap3A_557, %swap3A_558], %gather3A_432 {strides = array<i32>} : memref<512x32xf32, #tpu.memory_space<vmem>>, vector<16xf32>,
      %mul3A_560 = arith.constant 16 : i32
      %mul3A_561 = arith.muli %scan3A_395, %mul3A_560 : i32
      %add3A_562 = arith.constant 5 : i32
      %add3A_563 = arith.addi %mul3A_561, %add3A_562 : i32
      %swap3A_564 = arith.index_cast %add3A_563 : i32 to index
      %swap3A_565 = arith.constant 0 : index
      %swap3A_566 = tpu.vector_load %arg8[%swap3A_564, %swap3A_565] {strides = array<i32>} : memref<512x32xf32, #tpu.memory_space<vmem>>, vector<16xf32>,
      tpu.vector_store %arg8[%swap3A_564, %swap3A_565], %gather3A_437 {strides = array<i32>} : memref<512x32xf32, #tpu.memory_space<vmem>>, vector<16xf32>,
      %swap3A_567 = arith.index_cast %add3A_563 : i32 to index
      %swap3A_568 = arith.constant 16 : index
      %swap3A_569 = tpu.vector_load %arg8[%swap3A_567, %swap3A_568] {strides = array<i32>} : memref<512x32xf32, #tpu.memory_space<vmem>>, vector<16xf32>,
      tpu.vector_store %arg8[%swap3A_567, %swap3A_568], %gather3A_439 {strides = array<i32>} : memref<512x32xf32, #tpu.memory_space<vmem>>, vector<16xf32>,
      %mul3A_570 = arith.constant 16 : i32
      %mul3A_571 = arith.muli %scan3A_395, %mul3A_570 : i32
      %add3A_572 = arith.constant 6 : i32
      %add3A_573 = arith.addi %mul3A_571, %add3A_572 : i32
      %swap3A_574 = arith.index_cast %add3A_573 : i32 to index
      %swap3A_575 = arith.constant 0 : index
      %swap3A_576 = tpu.vector_load %arg8[%swap3A_574, %swap3A_575] {strides = array<i32>} : memref<512x32xf32, #tpu.memory_space<vmem>>, vector<16xf32>,
      tpu.vector_store %arg8[%swap3A_574, %swap3A_575], %gather3A_444 {strides = array<i32>} : memref<512x32xf32, #tpu.memory_space<vmem>>, vector<16xf32>,
      %swap3A_577 = arith.index_cast %add3A_573 : i32 to index
      %swap3A_578 = arith.constant 16 : index
      %swap3A_579 = tpu.vector_load %arg8[%swap3A_577, %swap3A_578] {strides = array<i32>} : memref<512x32xf32, #tpu.memory_space<vmem>>, vector<16xf32>,
      tpu.vector_store %arg8[%swap3A_577, %swap3A_578], %gather3A_446 {strides = array<i32>} : memref<512x32xf32, #tpu.memory_space<vmem>>, vector<16xf32>,
      %mul3A_580 = arith.constant 16 : i32
      %mul3A_581 = arith.muli %scan3A_395, %mul3A_580 : i32
      %add3A_582 = arith.constant 7 : i32
      %add3A_583 = arith.addi %mul3A_581, %add3A_582 : i32
      %swap3A_584 = arith.index_cast %add3A_583 : i32 to index
      %swap3A_585 = arith.constant 0 : index
      %swap3A_586 = tpu.vector_load %arg8[%swap3A_584, %swap3A_585] {strides = array<i32>} : memref<512x32xf32, #tpu.memory_space<vmem>>, vector<16xf32>,
      tpu.vector_store %arg8[%swap3A_584, %swap3A_585], %gather3A_451 {strides = array<i32>} : memref<512x32xf32, #tpu.memory_space<vmem>>, vector<16xf32>,
      %swap3A_587 = arith.index_cast %add3A_583 : i32 to index
      %swap3A_588 = arith.constant 16 : index
      %swap3A_589 = tpu.vector_load %arg8[%swap3A_587, %swap3A_588] {strides = array<i32>} : memref<512x32xf32, #tpu.memory_space<vmem>>, vector<16xf32>,
      tpu.vector_store %arg8[%swap3A_587, %swap3A_588], %gather3A_453 {strides = array<i32>} : memref<512x32xf32, #tpu.memory_space<vmem>>, vector<16xf32>,
      %mul3A_590 = arith.constant 16 : i32
      %mul3A_591 = arith.muli %scan3A_395, %mul3A_590 : i32
      %add3A_592 = arith.constant 8 : i32
      %add3A_593 = arith.addi %mul3A_591, %add3A_592 : i32
      %swap3A_594 = arith.index_cast %add3A_593 : i32 to index
      %swap3A_595 = arith.constant 0 : index
      %swap3A_596 = tpu.vector_load %arg8[%swap3A_594, %swap3A_595] {strides = array<i32>} : memref<512x32xf32, #tpu.memory_space<vmem>>, vector<16xf32>,
      tpu.vector_store %arg8[%swap3A_594, %swap3A_595], %gather3A_458 {strides = array<i32>} : memref<512x32xf32, #tpu.memory_space<vmem>>, vector<16xf32>,
      %swap3A_597 = arith.index_cast %add3A_593 : i32 to index
      %swap3A_598 = arith.constant 16 : index
      %swap3A_599 = tpu.vector_load %arg8[%swap3A_597, %swap3A_598] {strides = array<i32>} : memref<512x32xf32, #tpu.memory_space<vmem>>, vector<16xf32>,
      tpu.vector_store %arg8[%swap3A_597, %swap3A_598], %gather3A_460 {strides = array<i32>} : memref<512x32xf32, #tpu.memory_space<vmem>>, vector<16xf32>,
      %mul3A_600 = arith.constant 16 : i32
      %mul3A_601 = arith.muli %scan3A_395, %mul3A_600 : i32
      %add3A_602 = arith.constant 9 : i32
      %add3A_603 = arith.addi %mul3A_601, %add3A_602 : i32
      %swap3A_604 = arith.index_cast %add3A_603 : i32 to index
      %swap3A_605 = arith.constant 0 : index
      %swap3A_606 = tpu.vector_load %arg8[%swap3A_604, %swap3A_605] {strides = array<i32>} : memref<512x32xf32, #tpu.memory_space<vmem>>, vector<16xf32>,
      tpu.vector_store %arg8[%swap3A_604, %swap3A_605], %gather3A_465 {strides = array<i32>} : memref<512x32xf32, #tpu.memory_space<vmem>>, vector<16xf32>,
      %swap3A_607 = arith.index_cast %add3A_603 : i32 to index
      %swap3A_608 = arith.constant 16 : index
      %swap3A_609 = tpu.vector_load %arg8[%swap3A_607, %swap3A_608] {strides = array<i32>} : memref<512x32xf32, #tpu.memory_space<vmem>>, vector<16xf32>,
      tpu.vector_store %arg8[%swap3A_607, %swap3A_608], %gather3A_467 {strides = array<i32>} : memref<512x32xf32, #tpu.memory_space<vmem>>, vector<16xf32>,
      %mul3A_610 = arith.constant 16 : i32
      %mul3A_611 = arith.muli %scan3A_395, %mul3A_610 : i32
      %add3A_612 = arith.constant 10 : i32
      %add3A_613 = arith.addi %mul3A_611, %add3A_612 : i32
      %swap3A_614 = arith.index_cast %add3A_613 : i32 to index
      %swap3A_615 = arith.constant 0 : index
      %swap3A_616 = tpu.vector_load %arg8[%swap3A_614, %swap3A_615] {strides = array<i32>} : memref<512x32xf32, #tpu.memory_space<vmem>>, vector<16xf32>,
      tpu.vector_store %arg8[%swap3A_614, %swap3A_615], %gather3A_472 {strides = array<i32>} : memref<512x32xf32, #tpu.memory_space<vmem>>, vector<16xf32>,
      %swap3A_617 = arith.index_cast %add3A_613 : i32 to index
      %swap3A_618 = arith.constant 16 : index
      %swap3A_619 = tpu.vector_load %arg8[%swap3A_617, %swap3A_618] {strides = array<i32>} : memref<512x32xf32, #tpu.memory_space<vmem>>, vector<16xf32>,
      tpu.vector_store %arg8[%swap3A_617, %swap3A_618], %gather3A_474 {strides = array<i32>} : memref<512x32xf32, #tpu.memory_space<vmem>>, vector<16xf32>,
      %mul3A_620 = arith.constant 16 : i32
      %mul3A_621 = arith.muli %scan3A_395, %mul3A_620 : i32
      %add3A_622 = arith.constant 11 : i32
      %add3A_623 = arith.addi %mul3A_621, %add3A_622 : i32
      %swap3A_624 = arith.index_cast %add3A_623 : i32 to index
      %swap3A_625 = arith.constant 0 : index
      %swap3A_626 = tpu.vector_load %arg8[%swap3A_624, %swap3A_625] {strides = array<i32>} : memref<512x32xf32, #tpu.memory_space<vmem>>, vector<16xf32>,
      tpu.vector_store %arg8[%swap3A_624, %swap3A_625], %gather3A_479 {strides = array<i32>} : memref<512x32xf32, #tpu.memory_space<vmem>>, vector<16xf32>,
      %swap3A_627 = arith.index_cast %add3A_623 : i32 to index
      %swap3A_628 = arith.constant 16 : index
      %swap3A_629 = tpu.vector_load %arg8[%swap3A_627, %swap3A_628] {strides = array<i32>} : memref<512x32xf32, #tpu.memory_space<vmem>>, vector<16xf32>,
      tpu.vector_store %arg8[%swap3A_627, %swap3A_628], %gather3A_481 {strides = array<i32>} : memref<512x32xf32, #tpu.memory_space<vmem>>, vector<16xf32>,
      %mul3A_630 = arith.constant 16 : i32
      %mul3A_631 = arith.muli %scan3A_395, %mul3A_630 : i32
      %add3A_632 = arith.constant 12 : i32
      %add3A_633 = arith.addi %mul3A_631, %add3A_632 : i32
      %swap3A_634 = arith.index_cast %add3A_633 : i32 to index
      %swap3A_635 = arith.constant 0 : index
      %swap3A_636 = tpu.vector_load %arg8[%swap3A_634, %swap3A_635] {strides = array<i32>} : memref<512x32xf32, #tpu.memory_space<vmem>>, vector<16xf32>,
      tpu.vector_store %arg8[%swap3A_634, %swap3A_635], %gather3A_486 {strides = array<i32>} : memref<512x32xf32, #tpu.memory_space<vmem>>, vector<16xf32>,
      %swap3A_637 = arith.index_cast %add3A_633 : i32 to index
      %swap3A_638 = arith.constant 16 : index
      %swap3A_639 = tpu.vector_load %arg8[%swap3A_637, %swap3A_638] {strides = array<i32>} : memref<512x32xf32, #tpu.memory_space<vmem>>, vector<16xf32>,
      tpu.vector_store %arg8[%swap3A_637, %swap3A_638], %gather3A_488 {strides = array<i32>} : memref<512x32xf32, #tpu.memory_space<vmem>>, vector<16xf32>,
      %mul3A_640 = arith.constant 16 : i32
      %mul3A_641 = arith.muli %scan3A_395, %mul3A_640 : i32
      %add3A_642 = arith.constant 13 : i32
      %add3A_643 = arith.addi %mul3A_641, %add3A_642 : i32
      %swap3A_644 = arith.index_cast %add3A_643 : i32 to index
      %swap3A_645 = arith.constant 0 : index
      %swap3A_646 = tpu.vector_load %arg8[%swap3A_644, %swap3A_645] {strides = array<i32>} : memref<512x32xf32, #tpu.memory_space<vmem>>, vector<16xf32>,
      tpu.vector_store %arg8[%swap3A_644, %swap3A_645], %gather3A_493 {strides = array<i32>} : memref<512x32xf32, #tpu.memory_space<vmem>>, vector<16xf32>,
      %swap3A_647 = arith.index_cast %add3A_643 : i32 to index
      %swap3A_648 = arith.constant 16 : index
      %swap3A_649 = tpu.vector_load %arg8[%swap3A_647, %swap3A_648] {strides = array<i32>} : memref<512x32xf32, #tpu.memory_space<vmem>>, vector<16xf32>,
      tpu.vector_store %arg8[%swap3A_647, %swap3A_648], %gather3A_495 {strides = array<i32>} : memref<512x32xf32, #tpu.memory_space<vmem>>, vector<16xf32>,
      %mul3A_650 = arith.constant 16 : i32
      %mul3A_651 = arith.muli %scan3A_395, %mul3A_650 : i32
      %add3A_652 = arith.constant 14 : i32
      %add3A_653 = arith.addi %mul3A_651, %add3A_652 : i32
      %swap3A_654 = arith.index_cast %add3A_653 : i32 to index
      %swap3A_655 = arith.constant 0 : index
      %swap3A_656 = tpu.vector_load %arg8[%swap3A_654, %swap3A_655] {strides = array<i32>} : memref<512x32xf32, #tpu.memory_space<vmem>>, vector<16xf32>,
      tpu.vector_store %arg8[%swap3A_654, %swap3A_655], %gather3A_500 {strides = array<i32>} : memref<512x32xf32, #tpu.memory_space<vmem>>, vector<16xf32>,
      %swap3A_657 = arith.index_cast %add3A_653 : i32 to index
      %swap3A_658 = arith.constant 16 : index
      %swap3A_659 = tpu.vector_load %arg8[%swap3A_657, %swap3A_658] {strides = array<i32>} : memref<512x32xf32, #tpu.memory_space<vmem>>, vector<16xf32>,
      tpu.vector_store %arg8[%swap3A_657, %swap3A_658], %gather3A_502 {strides = array<i32>} : memref<512x32xf32, #tpu.memory_space<vmem>>, vector<16xf32>,
      %mul3A_660 = arith.constant 16 : i32
      %mul3A_661 = arith.muli %scan3A_395, %mul3A_660 : i32
      %add3A_662 = arith.constant 15 : i32
      %add3A_663 = arith.addi %mul3A_661, %add3A_662 : i32
      %swap3A_664 = arith.index_cast %add3A_663 : i32 to index
      %swap3A_665 = arith.constant 0 : index
      %swap3A_666 = tpu.vector_load %arg8[%swap3A_664, %swap3A_665] {strides = array<i32>} : memref<512x32xf32, #tpu.memory_space<vmem>>, vector<16xf32>,
      tpu.vector_store %arg8[%swap3A_664, %swap3A_665], %gather3A_507 {strides = array<i32>} : memref<512x32xf32, #tpu.memory_space<vmem>>, vector<16xf32>,
      %swap3A_667 = arith.index_cast %add3A_663 : i32 to index
      %swap3A_668 = arith.constant 16 : index
      %swap3A_669 = tpu.vector_load %arg8[%swap3A_667, %swap3A_668] {strides = array<i32>} : memref<512x32xf32, #tpu.memory_space<vmem>>, vector<16xf32>,
      tpu.vector_store %arg8[%swap3A_667, %swap3A_668], %gather3A_509 {strides = array<i32>} : memref<512x32xf32, #tpu.memory_space<vmem>>, vector<16xf32>,
      %scan3A_670 = arith.constant 0 : i32
      scf.yield %scan3A_670 : i32
    }
    %scan3A_86 = arith.constant 16 : i32
    %add3A_87 = arith.constant 256 : i32
    %add3A_88 = arith.addi %mul3A_2, %add3A_87 : i32
    %dma_start3A_89 = arith.constant 256 : i32
    %dma_start3A_90 = arith.constant 0 : i32
    %dma_start3A_91 = tpu.memref_slice %arg8[%dma_start3A_89, %dma_start3A_90] : memref<512x32xf32, #tpu.memory_space<vmem>> -> memref<256x32xf32, #tpu.memory_space<vmem>>
    %dma_start3A_92 = arith.constant 0 : i32
    %dma_start3A_93 = tpu.memref_slice %arg4[%add3A_88, %dma_start3A_92] : memref<16384x32xf32, #tpu.memory_space<hbm>> -> memref<256x32xf32, #tpu.memory_space<hbm>>
    %dma_start3A_94 = arith.constant 0 : i32
    %dma_start3A_95 = tpu.memref_slice %arg4[%add3A_88, %dma_start3A_94] : memref<16384x32xf32, #tpu.memory_space<hbm>> -> memref<256x32xf32, #tpu.memory_space<hbm>>
    %dma_start3A_96 = arith.constant 256 : i32
    %dma_start3A_97 = arith.constant 0 : i32
    %dma_start3A_98 = tpu.memref_slice %arg8[%dma_start3A_96, %dma_start3A_97] : memref<512x32xf32, #tpu.memory_space<vmem>> -> memref<256x32xf32, #tpu.memory_space<vmem>>
    tpu.enqueue_dma source(%dma_start3A_98 : memref<256x32xf32, #tpu.memory_space<vmem>>) target(%dma_start3A_95 : memref<256x32xf32, #tpu.memory_space<hbm>>) target_semaphore(%arg11 : memref<!tpu.dma_semaphore, #tpu.memory_space<semaphore_mem>>)
    %dma_wait3A_99 = arith.constant 0 : i32
    %dma_wait3A_100 = arith.constant 0 : i32
    %dma_wait3A_101 = tpu.memref_slice %arg8[%dma_wait3A_99, %dma_wait3A_100] : memref<512x32xf32, #tpu.memory_space<vmem>> -> memref<256x32xf32, #tpu.memory_space<vmem>>
    %dma_wait3A_102 = arith.constant 0 : i32
    %dma_wait3A_103 = tpu.memref_slice %arg4[%mul3A_2, %dma_wait3A_102] : memref<16384x32xf32, #tpu.memory_space<hbm>> -> memref<256x32xf32, #tpu.memory_space<hbm>>
    %dma_wait3A_104 = arith.constant 0 : i32
    %dma_wait3A_105 = tpu.memref_slice %arg4[%mul3A_2, %dma_wait3A_104] : memref<16384x32xf32, #tpu.memory_space<hbm>> -> memref<256x32xf32, #tpu.memory_space<hbm>>
    %dma_wait3A_106 = arith.constant 0 : i32
    %dma_wait3A_107 = arith.constant 0 : i32
    %dma_wait3A_108 = tpu.memref_slice %arg8[%dma_wait3A_106, %dma_wait3A_107] : memref<512x32xf32, #tpu.memory_space<vmem>> -> memref<256x32xf32, #tpu.memory_space<vmem>>
    tpu.wait_dma2 semaphore(%arg11 : memref<!tpu.dma_semaphore, #tpu.memory_space<semaphore_mem>>) src(%dma_wait3A_108 : memref<256x32xf32, #tpu.memory_space<vmem>>) dst(%dma_wait3A_105 : memref<256x32xf32, #tpu.memory_space<hbm>>)
    %dma_wait3A_109 = arith.constant 256 : i32
    %dma_wait3A_110 = arith.constant 0 : i32
    %dma_wait3A_111 = tpu.memref_slice %arg8[%dma_wait3A_109, %dma_wait3A_110] : memref<512x32xf32, #tpu.memory_space<vmem>> -> memref<256x32xf32, #tpu.memory_space<vmem>>
    %dma_wait3A_112 = arith.constant 0 : i32
    %dma_wait3A_113 = tpu.memref_slice %arg4[%add3A_88, %dma_wait3A_112] : memref<16384x32xf32, #tpu.memory_space<hbm>> -> memref<256x32xf32, #tpu.memory_space<hbm>>
    %dma_wait3A_114 = arith.constant 0 : i32
    %dma_wait3A_115 = tpu.memref_slice %arg4[%add3A_88, %dma_wait3A_114] : memref<16384x32xf32, #tpu.memory_space<hbm>> -> memref<256x32xf32, #tpu.memory_space<hbm>>
    %dma_wait3A_116 = arith.constant 256 : i32
    %dma_wait3A_117 = arith.constant 0 : i32
    %dma_wait3A_118 = tpu.memref_slice %arg8[%dma_wait3A_116, %dma_wait3A_117] : memref<512x32xf32, #tpu.memory_space<vmem>> -> memref<256x32xf32, #tpu.memory_space<vmem>>
    tpu.wait_dma2 semaphore(%arg11 : memref<!tpu.dma_semaphore, #tpu.memory_space<semaphore_mem>>) src(%dma_wait3A_118 : memref<256x32xf32, #tpu.memory_space<vmem>>) dst(%dma_wait3A_115 : memref<256x32xf32, #tpu.memory_space<hbm>>)
    return
  }
}

</mosaic_0001>

<sc_bundles>
// kernel: _embed_lookup.3.cloned.1.call-start
scs
__scs_entry_jumppad:
0x0: {  	(pc) =	sbr.rel $0x88, $3  }
0x1: {  	(tag) =	ssettag $0x0;
	lr =	simm.s32 $0x1  }
0x2: {  	[smem:$0x3F9F] =	sst lr;
	_ =	strace $0xD0000000  }
0x3: {  	_ = 	snop  }
0x4: {  	_ = 	snop  }
0x5: {  	_ = 	snop  }
0x6: {  	_ = 	snop  }
0x7: {  	_ = 	snop  }
__scs_overlays_trampoline_lowered:
0x8: {  	[smem:$0x3FAE] =	sst s0  }
0x9: {  	[smem:$0x3FAF] =	sst s1  }
0xa: {  	[smem:$0x3FB0] =	sst s2  }
0xb: {  	[smem:$0x3FB1] =	sst s3  }
0xc: {  	[smem:$0x3FB2] =	sst s4  }
0xd: {  	[smem:$0x3FB3] =	sst s5  }
0xe: {  	[smem:$0x3FB4] =	sst s6  }
0xf: {  	[smem:$0x3FB5] =	sst s7  }
0x10: {  	[smem:$0x3FB6] =	sst s8  }
0x11: {  	[smem:$0x3FB7] =	sst s9;
	s0 =	simm.s32 @!p0 $0x0  }
0x12: {  	s1 =	sld [smem:$0x3F9D];
	s0 =	simm.s32 @p0 $0x1  }
0x13: {  	[smem:$0x3FB8] =	sst s0;
	s0 =	simm.s32 @!p1 $0x0  }
0x14: {  	s2 =	sld [smem:$0x3F9C];
	s0 =	simm.s32 @p1 $0x1  }
0x15: {  	[smem:$0x3FB9] =	sst s0;
	s0 =	simm.s32 @!p2 $0x0  }
0x16: {  	s3 =	sld [smem:$0x3FDB];
	s0 =	simm.s32 @p2 $0x1  }
0x17: {  	s4 =	simm.s32 $0x1BF5;
	[smem:$0x3FBB] =	sst s0  }
0x18: {  	s0 =	sld [smem:$0x3F9E];
	_ =	swait.ge [sflag:s4], $0x0  }
0x19: {  	s7 =	sld [smem:$0x3F9F]  }
0x1a: {  	s8 =	sadd.s32 $0xFFFFE003, lr  }
0x1b: {  	s9 =	sadd.s32 $0xFFFFFEF7, lr;
	s5 =	simm.s32 $0xFFFFFFFF;
	p2 =	slt.u32 s8, $0xFFFFF086  }
0x1c: {  	p1 =	slt.u32 s9, $0xF7A;
	s5 =	simm.s32 @!p2 $0x0  }
0x1d: {  	s5 =	simm.s32 @p1 $0x1;
	p0 =	seq.s32 s7, s2  }
0x1e: {  	s7 =	smul.u32 @!p0 $0xF7A, s2;
	p2 =	seq.s32 @!p0 s5, $0x0  }
0x1f: {  	s9 =	smul.u32 $0xF7A, s1;
	s8 =	simm.s32 @!p0 $0x1BF5;
	p2 =	por !p2, p0  }
0x20: {  	[sflag:s8] =	ssyncset.s32 @!p0 $0xFFFFF086;
	s6 =	sadd.s32 @!p0 s3, s7;
	s7 =	simm.s32 @!p0 $0x108  }
0x21: {  	s3 =	sadd.s32 s3, s9;
	s6 =	sadd.s32 @!p0 $0x88, s6;
	s7 =	simm.s32 @p2 $0x1082  }
0x22: {  	[simem:s7], [sflag:s8] =	dma.local @!p0 [hbm:s6], $0xF7A  }
0x23: {  	s9 =	sor.u32 $0xD0000000, s2;
	s6 =	simm.s32 $0x108;
	_ =	swait.ge @!p0 [sflag:s8], $0x0  }
0x24: {  	s3 =	sadd.s32 $0x88, s3;
	s6 =	simm.s32 @!p1 $0x1082;
	[sflag:s4] =	ssyncset.s32 $0xFFFFF086  }
0x25: {  	[simem:s6], [sflag:s4] =	dma.local [hbm:s3], $0xF7A  }
0x26: {  	[smem:$0x3F9F] =	sst s1;
	(tag) =	ssettag s2;
	_ =	strace s9  }
0x27: {  	s1 =	sld [smem:$0x3FAF]  }
0x28: {  	s2 =	sld [smem:$0x3FB0]  }
0x29: {  	s4 =	sld [smem:$0x3FB2]  }
0x2a: {  	p0 =	seq.s32 s5, $0x0;
	s5 =	sld [smem:$0x3FB3]  }
0x2b: {  	s6 =	sld [smem:$0x3FB4]  }
0x2c: {  	s7 =	sld [smem:$0x3FB5]  }
0x2d: {  	s3 =	simm.s32 $0x108;
	s8 =	sld [smem:$0x3FB6]  }
0x2e: {  	s3 =	simm.s32 @!p0 $0x1082;
	s9 =	sld [smem:$0x3FB7]  }
0x2f: {  	lr =	sadd.s32 s0, s3;
	s0 =	sld [smem:$0x3FAE]  }
0x30: {  	s3 =	sld [smem:$0x3FB1]  }
0x31: {  	[smem:$0x3FBA] =	sst s10  }
0x32: {  	s10 =	sld [smem:$0x3FB8];
	_ =	sdelay $0x3  }
0x33: {  	p0 =	seq.s32 s10, $0x1;
	s10 =	sld [smem:$0x3FBA];
	_ =	sdelay $0x3  }
0x34: {  	[smem:$0x3FBA] =	sst s10  }
0x35: {  	s10 =	sld [smem:$0x3FB9];
	_ =	sdelay $0x3  }
0x36: {  	p1 =	seq.s32 s10, $0x1;
	s10 =	sld [smem:$0x3FBA];
	_ =	sdelay $0x3  }
0x37: {  	[smem:$0x3FBA] =	sst s10  }
0x38: {  	s10 =	sld [smem:$0x3FBB]  }
0x39: {  	_ = 	snop;
	(pc) =	sbr.ind lr, $3  }
0x3a: {  	_ = 	snop  }
0x3b: {  	_ = 	snop  }
0x3c: {  	p2 =	seq.s32 s10, $0x1;
	s10 =	sld [smem:$0x3FBA]  }
0x3d: {  	_ =	shalt  }
0x3e: {  	_ =	shalt  }
0x3f: {  	_ =	shalt  }
0x40: {  	_ =	shalt  }
0x41: {  	_ =	shalt  }
0x42: {  	_ =	shalt  }
0x43: {  	_ =	shalt  }
0x44: {  	_ =	shalt  }
0x45: {  	_ =	shalt  }
0x46: {  	_ =	shalt  }
0x47: {  	_ =	shalt  }
0x48: {  	_ =	shalt  }
0x49: {  	_ =	shalt  }
0x4a: {  	_ =	shalt  }
0x4b: {  	_ =	shalt  }
0x4c: {  	_ =	shalt  }
0x4d: {  	_ =	shalt  }
0x4e: {  	_ =	shalt  }
0x4f: {  	_ =	shalt  }
0x50: {  	_ =	shalt  }
0x51: {  	_ =	shalt  }
0x52: {  	_ =	shalt  }
0x53: {  	_ =	shalt  }
0x54: {  	_ =	shalt  }
0x55: {  	_ =	shalt  }
0x56: {  	_ =	shalt  }
0x57: {  	_ =	shalt  }
0x58: {  	_ =	shalt  }
0x59: {  	_ =	shalt  }
0x5a: {  	_ =	shalt  }
0x5b: {  	_ =	shalt  }
0x5c: {  	_ =	shalt  }
0x5d: {  	_ =	shalt  }
0x5e: {  	_ =	shalt  }
0x5f: {  	_ =	shalt  }
0x60: {  	_ =	shalt  }
0x61: {  	_ =	shalt  }
0x62: {  	_ =	shalt  }
0x63: {  	_ =	shalt  }
0x64: {  	_ =	shalt  }
0x65: {  	_ =	shalt  }
0x66: {  	_ =	shalt  }
0x67: {  	_ =	shalt  }
0x68: {  	_ =	shalt  }
0x69: {  	_ =	shalt  }
0x6a: {  	_ =	shalt  }
0x6b: {  	_ =	shalt  }
0x6c: {  	_ =	shalt  }
0x6d: {  	_ =	shalt  }
0x6e: {  	_ =	shalt  }
0x6f: {  	_ =	shalt  }
0x70: {  	_ =	shalt  }
0x71: {  	_ =	shalt  }
0x72: {  	_ =	shalt  }
0x73: {  	_ =	shalt  }
0x74: {  	_ =	shalt  }
0x75: {  	_ =	shalt  }
0x76: {  	_ =	shalt  }
0x77: {  	_ =	shalt  }
0x78: {  	_ =	shalt  }
0x79: {  	_ =	shalt  }
0x7a: {  	_ =	shalt  }
0x7b: {  	_ =	shalt  }
0x7c: {  	_ =	shalt  }
0x7d: {  	_ =	shalt  }
0x7e: {  	_ =	shalt  }
0x7f: {  	_ =	shalt  }
0x80: {  	_ =	shalt  }
0x81: {  	_ =	shalt  }
0x82: {  	_ =	shalt  }
0x83: {  	_ =	shalt  }
0x84: {  	_ =	shalt  }
0x85: {  	_ =	shalt  }
0x86: {  	_ =	shalt  }
0x87: {  	_ =	shalt  }
.Lfunc_end0:
.L_simem_size_0:
called_computation_lowered:
.L_overlay_start_0:
0x88: {  	s2 =	sld [smem:$0x3FD9]  }
0x89: {  	s3 =	sld [smem:$0x3FFE];
	_ =	sdelay $0x1  }
0x8a: {  	s1 =	srdreg.scid  }
0x8b: {  	s0 =	sand.u32 $0x1, s1  }
0x8c: {  	s17 =	sshll.u32 s0, $0xA;
	s2 =	sadd.s32 s3, s2  }
0x8d: {  	s2 =	sadd.s32 s2, s17  }
0x8e: {  	[smem:$0x3FC6] =	sst s2  }
0x8f: {  	_ = 	snop  }
0x90: {  	s2 =	sld [smem:$0x3FC9]  }
0x91: {  	s18 =	sld [smem:$0x3FC8];
	(tm) =	ssettm $0x1  }
0x92: {  	s4 =	sld [smem:$0x3FFB];
	_ =	sdelay $0x3  }
0x93: {  	_ =	strace s4  }
0x94: {  	s4 =	sld [smem:$0x3FFC];
	_ =	sdelay $0x3  }
0x95: {  	_ =	strace s4  }
0x96: {  	s4 =	sld [smem:$0x3FFD];
	_ =	sdelay $0x3  }
0x97: {  	_ =	strace s4  }
0x98: {  	_ =	strace $0x8FFFFFFF  }
0x99: {  	s19 =	sld [smem:$0x3FDB];
	_ =	sdelay $0x1  }
0x9a: {  	s5 =	simm.s32 $_scs_section_size  }
0x9b: {  	s6 =	simm.s32 $_size__tile_overlayer_lowered;
	s7 =	simm.s32 $_tile_overlayer_lowered  }
0x9c: {  	s22 =	simm.s32 $0x1BFF;
	s21 =	sshll.u32 s7, $0x1;
	s4 =	sadd.s32 s5, s19  }
0x9d: {  	s8 =	simm.s32 $0x0;
	s20 =	sshll.u32 s6, $0x1;
	s6 =	sadd.s32 s21, s4  }
0x9e: {  	[timem:s8], [sflag:s22] =	dma.local [hbm:s6], s20  }
0x9f: {  	_ =	swait.ge [sflag:s22], s20  }
0xa0: {  	s5 =	ssub.s32 $0x0, s20;
	[sflag:s22] =	ssyncset.done $0x0  }
0xa1: {  	[sflag:s22] =	ssyncadd.s32 s5;
	_ =	sdelay $0x1  }
0xa2: {  	s23 =	simm.s32 $0x1B8B  }
0xa3: {  	_ =	swait.ge [sflag:s23], $0x1  }
0xa4: {  	[sflag:s23] =	ssyncset.done $0x0  }
0xa5: {  	s25 =	simm.s32 $0x1B8E;
	s24 =	sld [smem:$0x3FFE];
	[sflag:s23] =	ssyncadd.s32 $0xFFFFFFFF  }
0xa6: {  	s26 =	simm.s32 $execute0_lowered;
	[smem:$0x3FD2] =	sst s25  }
0xa7: {  	s6 =	sshll.u32 s26, $0x1;
	_ =	strace $0x80000046;
	[dreg:$0x1] =	wrdreg $0xFFFFFFFF  }
0xa8: {  	s28 =	simm.s32 $_size_execute0_lowered;
	s4 =	sadd.s32 s4, s6;
	[dreg:$0x0] =	wrdreg $0x0  }
0xa9: {  	s6 =	sshll.u32 s28, $0x1;
	[dreg:$0x2] =	wrdreg s4  }
0xaa: {  	[dreg:$0x3] =	wrdreg s6  }
0xab: {  	[dreg:$0x4] =	wrdreg $0xC0  }
0xac: {  	_ =	task [dreg:s8], $0x5FFFF  }
0xad: {  	[dreg:$0x1] =	wrdreg $0xFFFFFFFF  }
0xae: {  	[dreg:$0x0] =	wrdreg $0x60  }
0xaf: {  	[dreg:$0x2] =	wrdreg s2  }
0xb0: {  	[dreg:$0x3] =	wrdreg s18  }
0xb1: {  	[dreg:$0x4] =	wrdreg s24  }
0xb2: {  	[dreg:$0x5] =	wrdreg $0x9  }
0xb3: {  	_ =	task.clear_ibuf [dreg:s8], $0x6FFFF;
	_ =	strace $0x90000046  }
0xb4: {  	s29 =	simm.s32 $0x9;
	_ =	strace $0x80000048  }
0xb5: {  	_ =	swait.ge [sflag:s29], $0x1  }
0xb6: {  	[sflag:s29] =	ssyncadd.s32 $0xFFFFFFFF  }
0xb7: {  	_ =	strace $0x90000048  }
0xb8: {  	_ =	sfence  }
0xb9: {  	s30 =	sld [smem:$0x0];
	_ =	sdelay $0x2  }
0xba: {  	s31 =	sshll.u32 s1, $0xD;
	s1 =	sshrl.u32 s1, $0x2  }
0xbb: {  	s3 =	sand.u32 $0x4000, s31;
	s1 =	sadd.s32 s1, s30  }
0xbc: {  	s0 =	sor.u32 s3, s0;
	s1 =	sshll.u32 s1, $0x11  }
0xbd: {  	s0 =	sor.u32 s1, s0  }
0xbe: {  	s0 =	sadd.s32 $0x8F2B, s0  }
0xbf: {  	[sflag:s0] =	ssyncadd.remote.s32 $0x1  }
0xc0: {  	_ =	sfence.sel $0xFFFF  }
0xc1: {  	[dreg:$0x0] =	wrdreg $0xFFFFFFFF;
	(pc) =	sbr.abs _section_cstart, $3  }
0xc2: {  	[dreg:$0x1] =	wrdreg $0xFFFFFFFF  }
0xc3: {  	_ =	task.clear_ibuf [dreg:s8], $0x2FFFF;
	_ =	strace $0x9FFFFFFF  }
0xc4: {  	(tm) =	ssettm $0x7FFFFFFF  }
0xc5: {  	_ =	shalt  }
tec
execute0_lowered:
.L_overlay_start_1:
0x0: {  	(tag) =	ssettag $0x1  }
0x1: {  	s4 =	rddreg [dreg:$0x0]  }
0x2: {  	s1 =	rddreg [dreg:$0x1]  }
0x3: {  	s5 =	rddreg [dreg:$0x2]  }
0x4: {  	s6 =	srdreg.scid;
	s3 =	simm.s32 $0x0;
	s0 =	stileid.u32  }
0x5: {  	s10 =	simm.s32 $0x1;
	s11 =	simm.s32 $0x4200;
	s6 =	sand.u32 $0x1, s6  }
0x6: {  	s13 =	simm.s32 $0x2;
	s7 =	sshll.u32 s0, $0xA;
	s8 =	sshll.u32 s6, $0x9  }
0x7: {  	[smem:$0x7FF] =	sst s3;
	s6 =	ssub.s32 $0x2, s6;
	s7 =	sor.u32 s8, s7  }
0x8: {  	v0 =	vimm.s32 $0xECA86420;
	s9 =	sshrl.u32 s6, $0x1;
	s8 =	sshll.u32 s7, $0x4;
	s7 =	sshrl.u32 s7, $0x3  }
0x9: {  	vm0 =	vcmask $0xB08;
	vm1 =	vcmask $0x1310;
	vm2 =	vcmask $0x1B18;
	_ =	strace $0x80000047;
	s9 =	ssub.s32 s6, s9;
	s28 =	sadd.s32 s4, s7  }
0xa: {  	v2 =	vlaneseq.u32;
	vm3 =	vcmask $0x300;
	vm4 =	vcmask $0x2320;
	s8 =	sadd.s32 s8, s5;
	s31 =	smax.u32 s9, $0x1;
	[dreg:$0x4] =	wrdreg s28  }
0xb: {  	vm5 =	vcmask $0x2B28;
	s15 =	simm.s32 $0x3;
	v0 =	vunpack.c.l.s4.s8 v0;
	v1 =	vmul.u32 $0x10, v2;
	s29 =	sadd.s32 $0x400, s8;
	[dreg:$0x7] =	wrdreg s31  }
0xc: {  	vm6 =	vcmask $0x3330;
	vm7 =	vcmask $0x3B38;
	vm8 =	vmmov $0xff;
	s16 =	simm.s32 $0x0;
	s30 =	sadd.s32 $0x1400, s8;
	[dreg:$0x5] =	wrdreg s29  }
0xd: {  	v2 =	vmul.u32 $0x2, v2;
	v0 =	vunpack.c.0.s8.s32 v0;
	v3 =	vor.u32 $0x100, v1;
	s9 =	simm.s32 $0x200;
	s8 =	simm.s32 $0x4;
	[dreg:$0x6] =	wrdreg s30  }
.LBB2_1:
0xe: {  	s0 =	rddreg [dreg:$0x4]  }
0xf: {  	[tilespmem:s3], [sflag:$0x4] =	stream.linear.gather [hbm4b:s0+s3], $0x200, $0x38;
	[tilespmem:$0x18200] =	vst v63  }
0x10: {  	_ =	swait.ge [sflag:s8], $0x200  }
0x11: {  	s17 =	simm.s32 $0xFFFFFFFE;
	s18 =	simm.s32 $0x400;
	[sflag:s8] =	ssyncset.done $0x0  }
0x12: {  	s19 =	simm.s32 $0x10;
	s21 =	simm.s32 $0x4200;
	[sflag:s8] =	ssyncadd.s32 $0xFFFFFE00  }
.LBB2_2:
0x13: {  	v4 =	vld [tilespmem:s19+$0xFFFFFFF0];
	_ =	sdelay $0x4  }
0x14: {  	(v2sf) =	vpush v4, $0xD;
	_ =	sdelay $0x1  }
0x15: {  	(v2sf) =	vpush v4, $0xC;
	_ =	sdelay $0x1  }
0x16: {  	(v2sf) =	vpush v4, $0xE;
	_ =	sdelay $0x1  }
0x17: {  	(v2sf) =	vpush v4, $0xF;
	_ =	sdelay $0x1  }
0x18: {  	(v2sf) =	vpush v4, $0x9;
	_ =	sdelay $0x1  }
0x19: {  	(v2sf) =	vpush v4, $0x8;
	_ =	sdelay $0x1  }
0x1a: {  	(v2sf) =	vpush v4, $0xA;
	_ =	sdelay $0x1  }
0x1b: {  	(v2sf) =	vpush v4, $0xB  }
0x1c: {  	s20 =	spop (v2sf)  }
0x1d: {  	(v2sf) =	vpush v4, $0x1;
	s22 =	smulhi.u32 $0xB60B60B7, s20;
	s23 =	sshra.s32 s20, $0x1F  }
0x1e: {  	s24 =	spop (v2sf);
	s23 =	smul.u32 $0xB60B60B7, s23  }
0x1f: {  	(v2sf) =	vpush v4, $0x0;
	s25 =	smulhi.u32 $0xB60B60B7, s24;
	s26 =	sshra.s32 s24, $0x1F  }
0x20: {  	s28 =	spop (v2sf);
	s26 =	smul.u32 $0xB60B60B7, s26  }
0x21: {  	(v2sf) =	vpush v4, $0x2;
	s20 =	ssub.s32 s22, s20;
	s5 =	smulhi.u32 $0xB60B60B7, s28;
	s29 =	sshra.s32 s28, $0x1F  }
0x22: {  	s7 =	spop (v2sf);
	s20 =	sadd.s32 s23, s20;
	s6 =	smul.u32 $0xB60B60B7, s29  }
0x23: {  	(v2sf) =	vpush v4, $0x3;
	s24 =	ssub.s32 s25, s24;
	s12 =	smulhi.u32 $0xB60B60B7, s7;
	s30 =	sshra.s32 s7, $0x1F  }
0x24: {  	s2 =	spop (v2sf);
	s24 =	sadd.s32 s26, s24;
	s14 =	smul.u32 $0xB60B60B7, s30  }
0x25: {  	(v2sf) =	vpush v4, $0x4;
	s22 =	ssub.s32 s5, s28;
	s4 =	smulhi.u32 $0xB60B60B7, s2;
	s31 =	sshra.s32 s2, $0x1F  }
0x26: {  	s0 =	spop (v2sf);
	s22 =	sadd.s32 s6, s22;
	s31 =	smul.u32 $0xB60B60B7, s31  }
0x27: {  	(v2sf) =	vpush v4, $0x5;
	s7 =	ssub.s32 s12, s7;
	s12 =	smulhi.u32 $0xB60B60B7, s0;
	s6 =	sshra.s32 s0, $0x1F  }
0x28: {  	s5 =	spop (v2sf);
	s23 =	sadd.s32 s14, s7;
	s7 =	smul.u32 $0xB60B60B7, s6  }
0x29: {  	(v2sf) =	vpush v4, $0x6;
	s28 =	ssub.s32 s4, s2;
	s14 =	smulhi.u32 $0xB60B60B7, s5;
	s2 =	sshra.s32 s5, $0x1F  }
0x2a: {  	s4 =	spop (v2sf);
	s28 =	sadd.s32 s31, s28;
	s2 =	smul.u32 $0xB60B60B7, s2  }
0x2b: {  	(v2sf) =	vpush v4, $0x7;
	s0 =	ssub.s32 s12, s0;
	s6 =	smulhi.u32 $0xB60B60B7, s4;
	s12 =	sshra.s32 s4, $0x1F  }
0x2c: {  	s0 =	sadd.s32 s7, s0;
	s12 =	smul.u32 $0xB60B60B7, s12;
	s7 =	spop (v2sf)  }
0x2d: {  	s29 =	ssub.s32 s14, s5;
	s5 =	smulhi.u32 $0xB60B60B7, s7;
	s14 =	sshra.s32 s7, $0x1F  }
0x2e: {  	s2 =	sadd.s32 s2, s29;
	s29 =	spop (v2sf);
	s14 =	smul.u32 $0xB60B60B7, s14  }
0x2f: {  	s25 =	ssub.s32 s6, s4;
	s6 =	smulhi.u32 $0xB60B60B7, s29;
	s4 =	sshra.s32 s29, $0x1F  }
0x30: {  	s12 =	sadd.s32 s12, s25;
	s25 =	spop (v2sf);
	s4 =	smul.u32 $0xB60B60B7, s4  }
0x31: {  	s26 =	ssub.s32 s5, s7;
	s7 =	smulhi.u32 $0xB60B60B7, s25;
	s5 =	sshra.s32 s25, $0x1F  }
0x32: {  	s14 =	sadd.s32 s14, s26;
	s5 =	smul.u32 $0xB60B60B7, s5;
	s26 =	spop (v2sf)  }
0x33: {  	s29 =	ssub.s32 s6, s29;
	s31 =	smulhi.u32 $0xB60B60B7, s26;
	s6 =	sshra.s32 s26, $0x1F  }
0x34: {  	s4 =	sadd.s32 s4, s29;
	s29 =	spop (v2sf);
	s6 =	smul.u32 $0xB60B60B7, s6  }
0x35: {  	s25 =	ssub.s32 s7, s25;
	s30 =	smulhi.u32 $0xB60B60B7, s29;
	s7 =	sshra.s32 s29, $0x1F  }
0x36: {  	s5 =	sadd.s32 s5, s25;
	s25 =	spop (v2sf);
	s7 =	smul.u32 $0xB60B60B7, s7  }
0x37: {  	v5 =	vmov s4;
	s4 =	ssub.s32 s31, s26;
	s26 =	smulhi.u32 $0xB60B60B7, s25;
	s31 =	sshra.s32 s25, $0x1F  }
0x38: {  	v5 =	vnsel vm3, $0x0, v5;
	s4 =	sadd.s32 s6, s4;
	s6 =	smul.u32 $0xB60B60B7, s31;
	s31 =	spop (v2sf)  }
0x39: {  	v5 =	vsel vm0, s14, v5;
	s14 =	ssub.s32 s30, s29;
	s29 =	smulhi.u32 $0xB60B60B7, s31;
	s30 =	sshra.s32 s31, $0x1F  }
0x3a: {  	v6 =	vmov s24;
	v7 =	vmov s0;
	v5 =	vsel vm1, s5, v5;
	s5 =	sadd.s32 s7, s14;
	s14 =	spop (v2sf);
	s7 =	smul.u32 $0xB60B60B7, s30  }
0x3b: {  	v6 =	vsel vm0, s20, v6;
	v7 =	vsel vm0, s28, v7;
	s20 =	ssub.s32 s26, s25;
	v5 =	vsel vm2, s4, v5;
	s24 =	smulhi.u32 $0xB60B60B7, s14;
	s25 =	sshra.s32 s14, $0x1F  }
0x3c: {  	v6 =	vsel vm1, s22, v6;
	v7 =	vsel vm1, s2, v7;
	s26 =	sadd.s32 s6, s20;
	v5 =	vsel vm4, s5, v5;
	s28 =	ssub.s32 s29, s31;
	s29 =	smul.u32 $0xB60B60B7, s25  }
0x3d: {  	v6 =	vsel vm2, s23, v6;
	v7 =	vsel vm2, s12, v7;
	v5 =	vsel vm5, s26, v5;
	s30 =	sadd.s32 s7, s28;
	s31 =	ssub.s32 s24, s14  }
0x3e: {  	v6 =	vcombine.low v7, v6;
	v5 =	vsel vm6, s30, v5;
	s2 =	sadd.s32 s29, s31  }
0x3f: {  	v5 =	vsel vm7, s2, v5  }
0x40: {  	v6 =	vperm.xlane v6, v0;
	v5 =	vperm.xlane v5, v2;
	_ =	sdelay $0x1  }
0x41: {  	v5 =	vsel vm8, v5, v6  }
0x42: {  	v4 =	vadd.s32 v4, v5  }
0x43: {  	v5 =	vshra.s32 v4, $0x6;
	v56 =	vshrl.u32 v4, $0x1F  }
0x44: {  	v5 =	vadd.s32 v56, v5  }
0x45: {  	v57 =	vshra.s32 v5, $0x1F  }
0x46: {  	v7 =	vshrl.u32 v57, $0x19  }
0x47: {  	v7 =	vadd.s32 v7, v5  }
0x48: {  	v4 =	vshra.s32 v4, $0xD;
	v7 =	vshrl.u32 v7, $0x7  }
0x49: {  	v4 =	vadd.s32 v56, v4;
	v58 =	vshll.u32 v7, $0x7  }
0x4a: {  	v4 =	vshll.u32 v4, $0xA;
	v5 =	vsub.s32 v5, v58  }
0x4b: {  	v4 =	vadd.s32 v5, v4  }
0x4c: {  	[tilespmem:s18+$0xFFFFFE00] =	vst v4;
	v5 =	vadd.s32 $0x80, v4  }
0x4d: {  	[tilespmem:s18+$0xFFFFFE10] =	vst v5;
	v5 =	vadd.s32 $0x100, v4  }
0x4e: {  	[tilespmem:s18+$0xFFFFFE20] =	vst v5;
	v5 =	vadd.s32 $0x180, v4  }
0x4f: {  	[tilespmem:s18+$0xFFFFFE30] =	vst v5;
	v5 =	vadd.s32 $0x200, v4  }
0x50: {  	[tilespmem:s18+$0xFFFFFE40] =	vst v5;
	v5 =	vadd.s32 $0x280, v4  }
0x51: {  	[tilespmem:s18+$0xFFFFFE50] =	vst v5;
	v5 =	vadd.s32 $0x300, v4  }
0x52: {  	[tilespmem:s18+$0xFFFFFE60] =	vst v5;
	v5 =	vadd.s32 $0x380, v4  }
0x53: {  	[tilespmem:s18+$0xFFFFFE70] =	vst v5;
	v5 =	vadd.s32 $0x7A1400, v4  }
0x54: {  	[tilespmem:s18+$0xFFFFFE80] =	vst v5;
	v5 =	vadd.s32 $0x7A1480, v4  }
0x55: {  	[tilespmem:s18+$0xFFFFFE90] =	vst v5;
	v5 =	vadd.s32 $0x7A1500, v4  }
0x56: {  	[tilespmem:s18+$0xFFFFFEA0] =	vst v5;
	v5 =	vadd.s32 $0x7A1580, v4  }
0x57: {  	[tilespmem:s18+$0xFFFFFEB0] =	vst v5;
	v5 =	vadd.s32 $0x7A1600, v4  }
0x58: {  	[tilespmem:s18+$0xFFFFFEC0] =	vst v5;
	v5 =	vadd.s32 $0x7A1680, v4  }
0x59: {  	[tilespmem:s18+$0xFFFFFED0] =	vst v5;
	v5 =	vadd.s32 $0x7A1700, v4  }
0x5a: {  	[tilespmem:s18+$0xFFFFFEE0] =	vst v5;
	v5 =	vadd.s32 $0x7A1780, v4  }
0x5b: {  	[tilespmem:s18+$0xFFFFFEF0] =	vst v5;
	v5 =	vadd.s32 $0xF42800, v4  }
0x5c: {  	[tilespmem:s18+$0xFFFFFF00] =	vst v5;
	v5 =	vadd.s32 $0xF42880, v4  }
0x5d: {  	[tilespmem:s18+$0xFFFFFF10] =	vst v5;
	v5 =	vadd.s32 $0xF42900, v4  }
0x5e: {  	[tilespmem:s18+$0xFFFFFF20] =	vst v5;
	v5 =	vadd.s32 $0xF42980, v4  }
0x5f: {  	[tilespmem:s18+$0xFFFFFF30] =	vst v5;
	v5 =	vadd.s32 $0xF42A00, v4  }
0x60: {  	[tilespmem:s18+$0xFFFFFF40] =	vst v5;
	v5 =	vadd.s32 $0xF42A80, v4  }
0x61: {  	[tilespmem:s18+$0xFFFFFF50] =	vst v5;
	v5 =	vadd.s32 $0xF42B00, v4  }
0x62: {  	[tilespmem:s18+$0xFFFFFF60] =	vst v5;
	v5 =	vadd.s32 $0xF42B80, v4  }
0x63: {  	[tilespmem:s18+$0xFFFFFF70] =	vst v5;
	v5 =	vadd.s32 $0x16E3C00, v4  }
0x64: {  	[tilespmem:s18+$0xFFFFFF80] =	vst v5;
	v5 =	vadd.s32 $0x16E3C80, v4  }
0x65: {  	[tilespmem:s18+$0xFFFFFF90] =	vst v5;
	v5 =	vadd.s32 $0x16E3D00, v4  }
0x66: {  	[tilespmem:s18+$0xFFFFFFA0] =	vst v5;
	v5 =	vadd.s32 $0x16E3D80, v4  }
0x67: {  	[tilespmem:s18+$0xFFFFFFB0] =	vst v5;
	v5 =	vadd.s32 $0x16E3E00, v4  }
0x68: {  	[tilespmem:s18+$0xFFFFFFC0] =	vst v5;
	v5 =	vadd.s32 $0x16E3E80, v4  }
0x69: {  	[tilespmem:s18+$0xFFFFFFD0] =	vst v5;
	v5 =	vadd.s32 $0x16E3F00, v4  }
0x6a: {  	v4 =	vadd.s32 $0x16E3F80, v4;
	[tilespmem:s18+$0xFFFFFFE0] =	vst v5  }
0x6b: {  	s4 =	sadd.s32 $0xFFFFFE00, s18;
	[tilespmem:s18+$0xFFFFFFF0] =	vst v4  }
0x6c: {  	[tilespmem:s21], [sflag:$0x1] =	stream.indirect.gather [hbm4b:s1+s9], $0x1, s4, s9, $0xb8;
	[tilespmem:$0x18200] =	vst v63  }
0x6d: {  	v4 =	vld [tilespmem:s19+$0x0];
	_ =	sdelay $0x4  }
0x6e: {  	(v2sf) =	vpush v4, $0xD;
	_ =	sdelay $0x1  }
0x6f: {  	(v2sf) =	vpush v4, $0xC;
	_ =	sdelay $0x1  }
0x70: {  	(v2sf) =	vpush v4, $0xE  }
0x71: {  	(v2sf) =	vpush v4, $0xF  }
0x72: {  	(v2sf) =	vpush v4, $0x9;
	_ =	sdelay $0x1  }
0x73: {  	(v2sf) =	vpush v4, $0x8;
	_ =	sdelay $0x1  }
0x74: {  	(v2sf) =	vpush v4, $0xA;
	_ =	sdelay $0x1  }
0x75: {  	(v2sf) =	vpush v4, $0xB;
	_ =	sdelay $0x1  }
0x76: {  	(v2sf) =	vpush v4, $0x1  }
0x77: {  	(v2sf) =	vpush v4, $0x0;
	s5 =	spop (v2sf)  }
0x78: {  	s7 =	smulhi.u32 $0xB60B60B7, s5;
	s23 =	sshra.s32 s5, $0x1F  }
0x79: {  	s24 =	spop (v2sf);
	s4 =	smul.u32 $0xB60B60B7, s23  }
0x7a: {  	s28 =	smulhi.u32 $0xB60B60B7, s24;
	s29 =	sshra.s32 s24, $0x1F  }
0x7b: {  	s6 =	spop (v2sf);
	s12 =	smul.u32 $0xB60B60B7, s29  }
0x7c: {  	(v2sf) =	vpush v4, $0x2;
	s14 =	spop (v2sf);
	s22 =	smulhi.u32 $0xB60B60B7, s6;
	s30 =	sshra.s32 s6, $0x1F  }
0x7d: {  	s0 =	ssub.s32 s7, s5;
	s25 =	spop (v2sf);
	s23 =	smul.u32 $0xB60B60B7, s30  }
0x7e: {  	(v2sf) =	vpush v4, $0x3;
	s2 =	smulhi.u32 $0xB60B60B7, s14;
	s31 =	sshra.s32 s14, $0x1F;
	s20 =	sadd.s32 s4, s0  }
0x7f: {  	s7 =	ssub.s32 s28, s24;
	s26 =	spop (v2sf);
	s4 =	smul.u32 $0xB60B60B7, s31  }
0x80: {  	(v2sf) =	vpush v4, $0x4;
	s5 =	smulhi.u32 $0xB60B60B7, s25;
	s29 =	sshra.s32 s25, $0x1F;
	s24 =	sadd.s32 s12, s7  }
0x81: {  	s30 =	ssub.s32 s22, s6;
	s28 =	spop (v2sf);
	s6 =	smul.u32 $0xB60B60B7, s29  }
0x82: {  	(v2sf) =	vpush v4, $0x5;
	s7 =	smulhi.u32 $0xB60B60B7, s26;
	s31 =	sshra.s32 s26, $0x1F;
	s22 =	sadd.s32 s23, s30  }
0x83: {  	s23 =	ssub.s32 s2, s14;
	s29 =	spop (v2sf);
	s2 =	smul.u32 $0xB60B60B7, s31  }
0x84: {  	(v2sf) =	vpush v4, $0x6;
	s12 =	smulhi.u32 $0xB60B60B7, s28;
	s31 =	sshra.s32 s28, $0x1F;
	s23 =	sadd.s32 s4, s23  }
0x85: {  	s0 =	ssub.s32 s5, s25;
	s30 =	spop (v2sf);
	s4 =	smul.u32 $0xB60B60B7, s31  }
0x86: {  	s5 =	smulhi.u32 $0xB60B60B7, s29;
	s14 =	sshra.s32 s29, $0x1F;
	s25 =	spop (v2sf);
	(v2sf) =	vpush v4, $0x7  }
0x87: {  	s0 =	sadd.s32 s6, s0;
	s7 =	ssub.s32 s7, s26;
	s6 =	smul.u32 $0xB60B60B7, s14  }
0x88: {  	s14 =	smulhi.u32 $0xB60B60B7, s30;
	s26 =	sshra.s32 s30, $0x1F;
	s28 =	ssub.s32 s12, s28  }
0x89: {  	s2 =	sadd.s32 s2, s7;
	s12 =	smul.u32 $0xB60B60B7, s26;
	s4 =	sadd.s32 s4, s28  }
0x8a: {  	s7 =	smulhi.u32 $0xB60B60B7, s25;
	s26 =	sshra.s32 s25, $0x1F;
	s5 =	ssub.s32 s5, s29  }
0x8b: {  	s26 =	smul.u32 $0xB60B60B7, s26;
	s14 =	ssub.s32 s14, s30;
	s31 =	spop (v2sf)  }
0x8c: {  	s5 =	sadd.s32 s6, s5;
	s29 =	smulhi.u32 $0xB60B60B7, s31;
	s30 =	sshra.s32 s31, $0x1F  }
0x8d: {  	s6 =	sadd.s32 s12, s14;
	s28 =	spop (v2sf);
	s12 =	smul.u32 $0xB60B60B7, s30  }
0x8e: {  	s7 =	ssub.s32 s7, s25;
	s14 =	smulhi.u32 $0xB60B60B7, s28;
	s25 =	sshra.s32 s28, $0x1F  }
0x8f: {  	s7 =	sadd.s32 s26, s7;
	s30 =	spop (v2sf);
	s25 =	smul.u32 $0xB60B60B7, s25  }
0x90: {  	s26 =	ssub.s32 s29, s31;
	s29 =	smulhi.u32 $0xB60B60B7, s30;
	s31 =	sshra.s32 s30, $0x1F  }
0x91: {  	s12 =	sadd.s32 s12, s26;
	s26 =	spop (v2sf);
	s31 =	smul.u32 $0xB60B60B7, s31  }
0x92: {  	v5 =	vmov s7;
	s7 =	ssub.s32 s14, s28;
	s14 =	smulhi.u32 $0xB60B60B7, s26;
	s28 =	sshra.s32 s26, $0x1F  }
0x93: {  	v5 =	vnsel vm3, $0x0, v5;
	s7 =	sadd.s32 s25, s7;
	s25 =	spop (v2sf);
	s28 =	smul.u32 $0xB60B60B7, s28  }
0x94: {  	v5 =	vsel vm0, s6, v5;
	s6 =	ssub.s32 s29, s30;
	s29 =	smulhi.u32 $0xB60B60B7, s25;
	s30 =	sshra.s32 s25, $0x1F  }
0x95: {  	v59 =	vmov s24;
	v60 =	vmov s2;
	v5 =	vsel vm1, s12, v5;
	s12 =	sadd.s32 s31, s6;
	s30 =	smul.u32 $0xB60B60B7, s30;
	s31 =	spop (v2sf)  }
0x96: {  	v6 =	vsel vm0, s20, v59;
	v7 =	vsel vm0, s0, v60;
	v5 =	vsel vm2, s7, v5;
	s14 =	ssub.s32 s14, s26;
	s20 =	smulhi.u32 $0xB60B60B7, s31;
	s24 =	sshra.s32 s31, $0x1F  }
0x97: {  	v6 =	vsel vm1, s22, v6;
	v7 =	vsel vm1, s4, v7;
	v5 =	vsel vm4, s12, v5;
	s0 =	sadd.s32 s28, s14;
	s25 =	ssub.s32 s29, s25;
	s26 =	smul.u32 $0xB60B60B7, s24  }
0x98: {  	v6 =	vsel vm2, s23, v6;
	v7 =	vsel vm2, s5, v7;
	v5 =	vsel vm5, s0, v5;
	s28 =	sadd.s32 s30, s25;
	s29 =	ssub.s32 s20, s31  }
0x99: {  	v6 =	vcombine.low v7, v6;
	v5 =	vsel vm6, s28, v5;
	s30 =	sadd.s32 s26, s29  }
0x9a: {  	v5 =	vsel vm7, s30, v5  }
0x9b: {  	v6 =	vperm.xlane v6, v0;
	v5 =	vperm.xlane v5, v2;
	_ =	sdelay $0x1  }
0x9c: {  	v5 =	vsel vm8, v5, v6  }
0x9d: {  	v4 =	vadd.s32 v4, v5  }
0x9e: {  	v5 =	vshra.s32 v4, $0x6;
	v61 =	vshrl.u32 v4, $0x1F  }
0x9f: {  	v5 =	vadd.s32 v61, v5  }
0xa0: {  	v62 =	vshra.s32 v5, $0x1F  }
0xa1: {  	v7 =	vshrl.u32 v62, $0x19  }
0xa2: {  	v7 =	vadd.s32 v7, v5  }
0xa3: {  	v4 =	vshra.s32 v4, $0xD;
	v7 =	vshrl.u32 v7, $0x7  }
0xa4: {  	v4 =	vadd.s32 v61, v4;
	v63 =	vshll.u32 v7, $0x7  }
0xa5: {  	v4 =	vshll.u32 v4, $0xA;
	v5 =	vsub.s32 v5, v63  }
0xa6: {  	v4 =	vadd.s32 v5, v4  }
0xa7: {  	[tilespmem:s18+$0x0] =	vst v4;
	v5 =	vadd.s32 $0x80, v4  }
0xa8: {  	[tilespmem:s18+$0x10] =	vst v5;
	v5 =	vadd.s32 $0x100, v4  }
0xa9: {  	[tilespmem:s18+$0x20] =	vst v5;
	v5 =	vadd.s32 $0x180, v4  }
0xaa: {  	[tilespmem:s18+$0x30] =	vst v5;
	v5 =	vadd.s32 $0x200, v4  }
0xab: {  	[tilespmem:s18+$0x40] =	vst v5;
	v5 =	vadd.s32 $0x280, v4  }
0xac: {  	[tilespmem:s18+$0x50] =	vst v5;
	v5 =	vadd.s32 $0x300, v4  }
0xad: {  	[tilespmem:s18+$0x60] =	vst v5;
	v5 =	vadd.s32 $0x380, v4  }
0xae: {  	[tilespmem:s18+$0x70] =	vst v5;
	v5 =	vadd.s32 $0x7A1400, v4  }
0xaf: {  	[tilespmem:s18+$0x80] =	vst v5;
	v5 =	vadd.s32 $0x7A1480, v4  }
0xb0: {  	[tilespmem:s18+$0x90] =	vst v5;
	v5 =	vadd.s32 $0x7A1500, v4  }
0xb1: {  	[tilespmem:s18+$0xA0] =	vst v5;
	v5 =	vadd.s32 $0x7A1580, v4  }
0xb2: {  	[tilespmem:s18+$0xB0] =	vst v5;
	v5 =	vadd.s32 $0x7A1600, v4  }
0xb3: {  	[tilespmem:s18+$0xC0] =	vst v5;
	v5 =	vadd.s32 $0x7A1680, v4  }
0xb4: {  	[tilespmem:s18+$0xD0] =	vst v5;
	v5 =	vadd.s32 $0x7A1700, v4  }
0xb5: {  	[tilespmem:s18+$0xE0] =	vst v5;
	v5 =	vadd.s32 $0x7A1780, v4  }
0xb6: {  	[tilespmem:s18+$0xF0] =	vst v5;
	v5 =	vadd.s32 $0xF42800, v4  }
0xb7: {  	[tilespmem:s18+$0x100] =	vst v5;
	v5 =	vadd.s32 $0xF42880, v4  }
0xb8: {  	[tilespmem:s18+$0x110] =	vst v5;
	v5 =	vadd.s32 $0xF42900, v4  }
0xb9: {  	[tilespmem:s18+$0x120] =	vst v5;
	v5 =	vadd.s32 $0xF42980, v4  }
0xba: {  	[tilespmem:s18+$0x130] =	vst v5;
	v5 =	vadd.s32 $0xF42A00, v4  }
0xbb: {  	[tilespmem:s18+$0x140] =	vst v5;
	v5 =	vadd.s32 $0xF42A80, v4  }
0xbc: {  	[tilespmem:s18+$0x150] =	vst v5;
	v5 =	vadd.s32 $0xF42B00, v4  }
0xbd: {  	[tilespmem:s18+$0x160] =	vst v5;
	v5 =	vadd.s32 $0xF42B80, v4  }
0xbe: {  	[tilespmem:s18+$0x170] =	vst v5;
	v5 =	vadd.s32 $0x16E3C00, v4  }
0xbf: {  	[tilespmem:s18+$0x180] =	vst v5;
	v5 =	vadd.s32 $0x16E3C80, v4  }
0xc0: {  	[tilespmem:s18+$0x190] =	vst v5;
	v5 =	vadd.s32 $0x16E3D00, v4  }
0xc1: {  	[tilespmem:s18+$0x1A0] =	vst v5;
	v5 =	vadd.s32 $0x16E3D80, v4  }
0xc2: {  	s17 =	sadd.s32 $0x2, s17;
	[tilespmem:s18+$0x1B0] =	vst v5;
	v5 =	vadd.s32 $0x16E3E00, v4  }
0xc3: {  	p0 =	slt.u32 s17, $0xE;
	[tilespmem:s18+$0x1C0] =	vst v5;
	v5 =	vadd.s32 $0x16E3E80, v4  }
.Ltmp0:
0xc4: {  	[tilespmem:s18+$0x1D0] =	vst v5;
	v5 =	vadd.s32 $0x16E3F00, v4;
	(pc) =	sbr.rel @p0 .LBB2_2-.Ltmp0, $4  }
0xc5: {  	s19 =	sadd.s32 $0x20, s19;
	s22 =	simm.s32 $0x6200;
	v4 =	vadd.s32 $0x16E3F80, v4;
	[tilespmem:s18+$0x1E0] =	vst v5  }
0xc6: {  	s23 =	simm.s32 $0x2200;
	s24 =	simm.s32 $0x110;
	s31 =	sadd.s32 $0x200, s21;
	[tilespmem:s18+$0x1F0] =	vst v4  }
0xc7: {  	[tilespmem:s31], [sflag:$0x1] =	stream.indirect.gather [hbm4b:s1+s9], $0x1, s18, s9, $0xb8;
	[tilespmem:$0x18200] =	vst v63  }
0xc8: {  	s21 =	sadd.s32 $0x400, s21;
	s20 =	simm.s32 $0xE;
	s18 =	sadd.s32 $0x400, s18  }
.LBB2_3:
0xc9: {  	v4 =	vld [tilespmem:s24+$0xFFFFFFF0];
	_ =	sdelay $0x4  }
0xca: {  	(v2sf) =	vpush v4, $0xD;
	_ =	sdelay $0x1  }
0xcb: {  	(v2sf) =	vpush v4, $0xC;
	_ =	sdelay $0x1  }
0xcc: {  	(v2sf) =	vpush v4, $0xE;
	_ =	sdelay $0x1  }
0xcd: {  	(v2sf) =	vpush v4, $0xF;
	_ =	sdelay $0x1  }
0xce: {  	(v2sf) =	vpush v4, $0x9;
	_ =	sdelay $0x1  }
0xcf: {  	(v2sf) =	vpush v4, $0x8;
	_ =	sdelay $0x1  }
0xd0: {  	(v2sf) =	vpush v4, $0xA;
	_ =	sdelay $0x1  }
0xd1: {  	(v2sf) =	vpush v4, $0xB  }
0xd2: {  	s0 =	spop (v2sf)  }
0xd3: {  	(v2sf) =	vpush v4, $0x1;
	s2 =	smulhi.u32 $0xB60B60B7, s0;
	s4 =	sshra.s32 s0, $0x1F  }
0xd4: {  	s5 =	spop (v2sf);
	s4 =	smul.u32 $0xB60B60B7, s4  }
0xd5: {  	(v2sf) =	vpush v4, $0x0;
	s6 =	smulhi.u32 $0xB60B60B7, s5;
	s7 =	sshra.s32 s5, $0x1F  }
0xd6: {  	s12 =	spop (v2sf);
	s7 =	smul.u32 $0xB60B60B7, s7  }
0xd7: {  	(v2sf) =	vpush v4, $0x2;
	s0 =	ssub.s32 s2, s0;
	s31 =	smulhi.u32 $0xB60B60B7, s12;
	s14 =	sshra.s32 s12, $0x1F  }
0xd8: {  	s30 =	spop (v2sf);
	s17 =	sadd.s32 s4, s0;
	s18 =	smul.u32 $0xB60B60B7, s14  }
0xd9: {  	(v2sf) =	vpush v4, $0x3;
	s5 =	ssub.s32 s6, s5;
	s19 =	smulhi.u32 $0xB60B60B7, s30;
	s25 =	sshra.s32 s30, $0x1F  }
0xda: {  	s28 =	spop (v2sf);
	s21 =	sadd.s32 s7, s5;
	s26 =	smul.u32 $0xB60B60B7, s25  }
0xdb: {  	(v2sf) =	vpush v4, $0x4;
	s2 =	ssub.s32 s31, s12;
	s29 =	smulhi.u32 $0xB60B60B7, s28;
	s31 =	sshra.s32 s28, $0x1F  }
0xdc: {  	s25 =	spop (v2sf);
	s18 =	sadd.s32 s18, s2;
	s2 =	smul.u32 $0xB60B60B7, s31  }
0xdd: {  	(v2sf) =	vpush v4, $0x5;
	s4 =	ssub.s32 s19, s30;
	s30 =	smulhi.u32 $0xB60B60B7, s25;
	s31 =	sshra.s32 s25, $0x1F  }
0xde: {  	s19 =	sadd.s32 s26, s4;
	s5 =	smul.u32 $0xB60B60B7, s31;
	s26 =	spop (v2sf)  }
0xdf: {  	(v2sf) =	vpush v4, $0x6;
	s7 =	ssub.s32 s29, s28;
	s29 =	smulhi.u32 $0xB60B60B7, s26;
	s31 =	sshra.s32 s26, $0x1F  }
0xe0: {  	s0 =	sadd.s32 s2, s7;
	s28 =	spop (v2sf);
	s14 =	smul.u32 $0xB60B60B7, s31  }
0xe1: {  	(v2sf) =	vpush v4, $0x7;
	s2 =	ssub.s32 s30, s25;
	s30 =	smulhi.u32 $0xB60B60B7, s28;
	s25 =	sshra.s32 s28, $0x1F  }
0xe2: {  	s2 =	sadd.s32 s5, s2;
	s25 =	smul.u32 $0xB60B60B7, s25;
	s31 =	spop (v2sf)  }
0xe3: {  	s5 =	ssub.s32 s29, s26;
	s29 =	smulhi.u32 $0xB60B60B7, s31;
	s26 =	sshra.s32 s31, $0x1F  }
0xe4: {  	s5 =	sadd.s32 s14, s5;
	s7 =	smul.u32 $0xB60B60B7, s26;
	s26 =	spop (v2sf)  }
0xe5: {  	s6 =	ssub.s32 s30, s28;
	s30 =	smulhi.u32 $0xB60B60B7, s26;
	s28 =	sshra.s32 s26, $0x1F  }
0xe6: {  	s4 =	sadd.s32 s25, s6;
	s6 =	smul.u32 $0xB60B60B7, s28;
	s28 =	spop (v2sf)  }
0xe7: {  	s12 =	ssub.s32 s29, s31;
	s31 =	smulhi.u32 $0xB60B60B7, s28;
	s29 =	sshra.s32 s28, $0x1F  }
0xe8: {  	s7 =	sadd.s32 s7, s12;
	s12 =	smul.u32 $0xB60B60B7, s29;
	s29 =	spop (v2sf)  }
0xe9: {  	s14 =	ssub.s32 s30, s26;
	s26 =	smulhi.u32 $0xB60B60B7, s29;
	s30 =	sshra.s32 s29, $0x1F  }
0xea: {  	s6 =	sadd.s32 s6, s14;
	s14 =	smul.u32 $0xB60B60B7, s30;
	s30 =	spop (v2sf)  }
0xeb: {  	s25 =	ssub.s32 s31, s28;
	s28 =	smulhi.u32 $0xB60B60B7, s30;
	s31 =	sshra.s32 s30, $0x1F  }
0xec: {  	s12 =	sadd.s32 s12, s25;
	s25 =	smul.u32 $0xB60B60B7, s31;
	s31 =	spop (v2sf)  }
0xed: {  	v5 =	vmov s6;
	s6 =	ssub.s32 s26, s29;
	s26 =	smulhi.u32 $0xB60B60B7, s31;
	s29 =	sshra.s32 s31, $0x1F  }
0xee: {  	v5 =	vnsel vm3, $0x0, v5;
	s6 =	sadd.s32 s14, s6;
	s14 =	smul.u32 $0xB60B60B7, s29;
	s29 =	spop (v2sf)  }
0xef: {  	v5 =	vsel vm0, s7, v5;
	s7 =	ssub.s32 s28, s30;
	s28 =	smulhi.u32 $0xB60B60B7, s29;
	s30 =	sshra.s32 s29, $0x1F  }
0xf0: {  	v6 =	vmov s21;
	v7 =	vmov s2;
	v5 =	vsel vm1, s12, v5;
	s7 =	sadd.s32 s25, s7;
	s12 =	spop (v2sf);
	s30 =	smul.u32 $0xB60B60B7, s30  }
0xf1: {  	v6 =	vsel vm0, s17, v6;
	v7 =	vsel vm0, s0, v7;
	v5 =	vsel vm2, s6, v5;
	s21 =	ssub.s32 s26, s31;
	s25 =	smulhi.u32 $0xB60B60B7, s12;
	s26 =	sshra.s32 s12, $0x1F  }
0xf2: {  	v6 =	vsel vm1, s18, v6;
	v7 =	vsel vm1, s5, v7;
	v5 =	vsel vm4, s7, v5;
	s0 =	sadd.s32 s14, s21;
	s28 =	ssub.s32 s28, s29;
	s29 =	smul.u32 $0xB60B60B7, s26  }
0xf3: {  	v6 =	vsel vm2, s19, v6;
	v7 =	vsel vm2, s4, v7;
	v5 =	vsel vm5, s0, v5;
	s30 =	sadd.s32 s30, s28;
	s31 =	ssub.s32 s25, s12  }
0xf4: {  	v6 =	vcombine.low v7, v6;
	v5 =	vsel vm6, s30, v5;
	s4 =	sadd.s32 s29, s31  }
0xf5: {  	v5 =	vsel vm7, s4, v5  }
0xf6: {  	v6 =	vperm.xlane v6, v0;
	v5 =	vperm.xlane v5, v2;
	_ =	sdelay $0x1  }
0xf7: {  	v5 =	vsel vm8, v5, v6  }
0xf8: {  	v4 =	vadd.s32 v4, v5  }
0xf9: {  	v5 =	vshra.s32 v4, $0x6;
	v56 =	vshrl.u32 v4, $0x1F  }
0xfa: {  	v5 =	vadd.s32 v56, v5  }
0xfb: {  	v57 =	vshra.s32 v5, $0x1F  }
0xfc: {  	v7 =	vshrl.u32 v57, $0x19  }
0xfd: {  	v7 =	vadd.s32 v7, v5  }
0xfe: {  	v4 =	vshra.s32 v4, $0xD;
	v7 =	vshrl.u32 v7, $0x7  }
0xff: {  	v4 =	vadd.s32 v56, v4;
	v58 =	vshll.u32 v7, $0x7  }
0x100: {  	v4 =	vshll.u32 v4, $0xA;
	v5 =	vsub.s32 v5, v58  }
0x101: {  	v4 =	vadd.s32 v5, v4  }
0x102: {  	[tilespmem:s23+$0x0] =	vst v4;
	v5 =	vadd.s32 $0x80, v4  }
0x103: {  	[tilespmem:s23+$0x10] =	vst v5;
	v5 =	vadd.s32 $0x100, v4  }
0x104: {  	[tilespmem:s23+$0x20] =	vst v5;
	v5 =	vadd.s32 $0x180, v4  }
0x105: {  	[tilespmem:s23+$0x30] =	vst v5;
	v5 =	vadd.s32 $0x200, v4  }
0x106: {  	[tilespmem:s23+$0x40] =	vst v5;
	v5 =	vadd.s32 $0x280, v4  }
0x107: {  	[tilespmem:s23+$0x50] =	vst v5;
	v5 =	vadd.s32 $0x300, v4  }
0x108: {  	[tilespmem:s23+$0x60] =	vst v5;
	v5 =	vadd.s32 $0x380, v4  }
0x109: {  	[tilespmem:s23+$0x70] =	vst v5;
	v5 =	vadd.s32 $0x7A1400, v4  }
0x10a: {  	[tilespmem:s23+$0x80] =	vst v5;
	v5 =	vadd.s32 $0x7A1480, v4  }
0x10b: {  	[tilespmem:s23+$0x90] =	vst v5;
	v5 =	vadd.s32 $0x7A1500, v4  }
0x10c: {  	[tilespmem:s23+$0xA0] =	vst v5;
	v5 =	vadd.s32 $0x7A1580, v4  }
0x10d: {  	[tilespmem:s23+$0xB0] =	vst v5;
	v5 =	vadd.s32 $0x7A1600, v4  }
0x10e: {  	[tilespmem:s23+$0xC0] =	vst v5;
	v5 =	vadd.s32 $0x7A1680, v4  }
0x10f: {  	[tilespmem:s23+$0xD0] =	vst v5;
	v5 =	vadd.s32 $0x7A1700, v4  }
0x110: {  	[tilespmem:s23+$0xE0] =	vst v5;
	v5 =	vadd.s32 $0x7A1780, v4  }
0x111: {  	[tilespmem:s23+$0xF0] =	vst v5;
	v5 =	vadd.s32 $0xF42800, v4  }
0x112: {  	[tilespmem:s23+$0x100] =	vst v5;
	v5 =	vadd.s32 $0xF42880, v4  }
0x113: {  	[tilespmem:s23+$0x110] =	vst v5;
	v5 =	vadd.s32 $0xF42900, v4  }
0x114: {  	[tilespmem:s23+$0x120] =	vst v5;
	v5 =	vadd.s32 $0xF42980, v4  }
0x115: {  	[tilespmem:s23+$0x130] =	vst v5;
	v5 =	vadd.s32 $0xF42A00, v4  }
0x116: {  	[tilespmem:s23+$0x140] =	vst v5;
	v5 =	vadd.s32 $0xF42A80, v4  }
0x117: {  	[tilespmem:s23+$0x150] =	vst v5;
	v5 =	vadd.s32 $0xF42B00, v4  }
0x118: {  	[tilespmem:s23+$0x160] =	vst v5;
	v5 =	vadd.s32 $0xF42B80, v4  }
0x119: {  	[tilespmem:s23+$0x170] =	vst v5;
	v5 =	vadd.s32 $0x16E3C00, v4  }
0x11a: {  	[tilespmem:s23+$0x180] =	vst v5;
	v5 =	vadd.s32 $0x16E3C80, v4  }
0x11b: {  	[tilespmem:s23+$0x190] =	vst v5;
	v5 =	vadd.s32 $0x16E3D00, v4  }
0x11c: {  	[tilespmem:s23+$0x1A0] =	vst v5;
	v5 =	vadd.s32 $0x16E3D80, v4  }
0x11d: {  	[tilespmem:s23+$0x1B0] =	vst v5;
	v5 =	vadd.s32 $0x16E3E00, v4  }
0x11e: {  	[tilespmem:s23+$0x1C0] =	vst v5;
	v5 =	vadd.s32 $0x16E3E80, v4  }
0x11f: {  	[tilespmem:s23+$0x1D0] =	vst v5;
	v5 =	vadd.s32 $0x16E3F00, v4  }
0x120: {  	v4 =	vadd.s32 $0x16E3F80, v4;
	[tilespmem:s23+$0x1E0] =	vst v5  }
0x121: {  	[tilespmem:s23+$0x1F0] =	vst v4  }
0x122: {  	[tilespmem:s22], [sflag:$0x2] =	stream.indirect.gather [hbm4b:s1+s9], $0x1, s23, s9, $0xb8;
	[tilespmem:$0x18200] =	vst v63  }
0x123: {  	v4 =	vld [tilespmem:s24+$0x0];
	_ =	sdelay $0x4  }
0x124: {  	(v2sf) =	vpush v4, $0xD;
	_ =	sdelay $0x1  }
0x125: {  	(v2sf) =	vpush v4, $0xC;
	_ =	sdelay $0x1  }
0x126: {  	(v2sf) =	vpush v4, $0xE  }
0x127: {  	(v2sf) =	vpush v4, $0xF  }
0x128: {  	(v2sf) =	vpush v4, $0x9;
	_ =	sdelay $0x1  }
0x129: {  	(v2sf) =	vpush v4, $0x8;
	_ =	sdelay $0x1  }
0x12a: {  	(v2sf) =	vpush v4, $0xA;
	_ =	sdelay $0x1  }
0x12b: {  	(v2sf) =	vpush v4, $0xB;
	_ =	sdelay $0x1  }
0x12c: {  	(v2sf) =	vpush v4, $0x1  }
0x12d: {  	(v2sf) =	vpush v4, $0x0;
	s5 =	spop (v2sf)  }
0x12e: {  	s7 =	smulhi.u32 $0xB60B60B7, s5;
	s19 =	sshra.s32 s5, $0x1F  }
0x12f: {  	s21 =	spop (v2sf);
	s4 =	smul.u32 $0xB60B60B7, s19  }
0x130: {  	s28 =	smulhi.u32 $0xB60B60B7, s21;
	s29 =	sshra.s32 s21, $0x1F  }
0x131: {  	s6 =	spop (v2sf);
	s12 =	smul.u32 $0xB60B60B7, s29  }
0x132: {  	(v2sf) =	vpush v4, $0x2;
	s14 =	spop (v2sf);
	s18 =	smulhi.u32 $0xB60B60B7, s6;
	s30 =	sshra.s32 s6, $0x1F  }
0x133: {  	s0 =	ssub.s32 s7, s5;
	s25 =	spop (v2sf);
	s19 =	smul.u32 $0xB60B60B7, s30  }
0x134: {  	(v2sf) =	vpush v4, $0x3;
	s2 =	smulhi.u32 $0xB60B60B7, s14;
	s31 =	sshra.s32 s14, $0x1F;
	s17 =	sadd.s32 s4, s0  }
0x135: {  	s7 =	ssub.s32 s28, s21;
	s26 =	spop (v2sf);
	s4 =	smul.u32 $0xB60B60B7, s31  }
0x136: {  	(v2sf) =	vpush v4, $0x4;
	s5 =	smulhi.u32 $0xB60B60B7, s25;
	s29 =	sshra.s32 s25, $0x1F;
	s21 =	sadd.s32 s12, s7  }
0x137: {  	s30 =	ssub.s32 s18, s6;
	s28 =	spop (v2sf);
	s6 =	smul.u32 $0xB60B60B7, s29  }
0x138: {  	(v2sf) =	vpush v4, $0x5;
	s7 =	smulhi.u32 $0xB60B60B7, s26;
	s31 =	sshra.s32 s26, $0x1F;
	s18 =	sadd.s32 s19, s30  }
0x139: {  	s19 =	ssub.s32 s2, s14;
	s29 =	spop (v2sf);
	s2 =	smul.u32 $0xB60B60B7, s31  }
0x13a: {  	(v2sf) =	vpush v4, $0x6;
	s12 =	smulhi.u32 $0xB60B60B7, s28;
	s31 =	sshra.s32 s28, $0x1F;
	s19 =	sadd.s32 s4, s19  }
0x13b: {  	s0 =	ssub.s32 s5, s25;
	s30 =	spop (v2sf);
	s4 =	smul.u32 $0xB60B60B7, s31  }
0x13c: {  	s5 =	smulhi.u32 $0xB60B60B7, s29;
	s14 =	sshra.s32 s29, $0x1F;
	s25 =	spop (v2sf);
	(v2sf) =	vpush v4, $0x7  }
0x13d: {  	s0 =	sadd.s32 s6, s0;
	s7 =	ssub.s32 s7, s26;
	s6 =	smul.u32 $0xB60B60B7, s14  }
0x13e: {  	s14 =	smulhi.u32 $0xB60B60B7, s30;
	s26 =	sshra.s32 s30, $0x1F;
	s28 =	ssub.s32 s12, s28  }
0x13f: {  	s2 =	sadd.s32 s2, s7;
	s12 =	smul.u32 $0xB60B60B7, s26;
	s4 =	sadd.s32 s4, s28  }
0x140: {  	s7 =	smulhi.u32 $0xB60B60B7, s25;
	s26 =	sshra.s32 s25, $0x1F;
	s5 =	ssub.s32 s5, s29  }
0x141: {  	s26 =	smul.u32 $0xB60B60B7, s26;
	s14 =	ssub.s32 s14, s30;
	s31 =	spop (v2sf)  }
0x142: {  	s5 =	sadd.s32 s6, s5;
	s29 =	smulhi.u32 $0xB60B60B7, s31;
	s30 =	sshra.s32 s31, $0x1F  }
0x143: {  	s6 =	sadd.s32 s12, s14;
	s28 =	spop (v2sf);
	s12 =	smul.u32 $0xB60B60B7, s30  }
0x144: {  	s7 =	ssub.s32 s7, s25;
	s14 =	smulhi.u32 $0xB60B60B7, s28;
	s25 =	sshra.s32 s28, $0x1F  }
0x145: {  	s7 =	sadd.s32 s26, s7;
	s30 =	spop (v2sf);
	s25 =	smul.u32 $0xB60B60B7, s25  }
0x146: {  	s26 =	ssub.s32 s29, s31;
	s29 =	smulhi.u32 $0xB60B60B7, s30;
	s31 =	sshra.s32 s30, $0x1F  }
0x147: {  	s12 =	sadd.s32 s12, s26;
	s26 =	spop (v2sf);
	s31 =	smul.u32 $0xB60B60B7, s31  }
0x148: {  	v5 =	vmov s7;
	s7 =	ssub.s32 s14, s28;
	s14 =	smulhi.u32 $0xB60B60B7, s26;
	s28 =	sshra.s32 s26, $0x1F  }
0x149: {  	v5 =	vnsel vm3, $0x0, v5;
	s7 =	sadd.s32 s25, s7;
	s25 =	spop (v2sf);
	s28 =	smul.u32 $0xB60B60B7, s28  }
0x14a: {  	v5 =	vsel vm0, s6, v5;
	s6 =	ssub.s32 s29, s30;
	s29 =	smulhi.u32 $0xB60B60B7, s25;
	s30 =	sshra.s32 s25, $0x1F  }
0x14b: {  	v59 =	vmov s21;
	v60 =	vmov s2;
	v5 =	vsel vm1, s12, v5;
	s21 =	sadd.s32 s31, s6;
	s6 =	smul.u32 $0xB60B60B7, s30;
	s12 =	spop (v2sf)  }
0x14c: {  	v6 =	vsel vm0, s17, v59;
	v7 =	vsel vm0, s0, v60;
	v5 =	vsel vm2, s7, v5;
	s30 =	ssub.s32 s14, s26;
	s31 =	smulhi.u32 $0xB60B60B7, s12;
	s17 =	sshra.s32 s12, $0x1F  }
0x14d: {  	v6 =	vsel vm1, s18, v6;
	v7 =	vsel vm1, s4, v7;
	v5 =	vsel vm4, s21, v5;
	s0 =	sadd.s32 s28, s30;
	s21 =	ssub.s32 s29, s25;
	s25 =	smul.u32 $0xB60B60B7, s17  }
0x14e: {  	v6 =	vsel vm2, s19, v6;
	v7 =	vsel vm2, s5, v7;
	v5 =	vsel vm5, s0, v5;
	s26 =	sadd.s32 s6, s21;
	s28 =	ssub.s32 s31, s12  }
0x14f: {  	v6 =	vcombine.low v7, v6;
	v5 =	vsel vm6, s26, v5;
	s29 =	sadd.s32 s25, s28  }
0x150: {  	v5 =	vsel vm7, s29, v5  }
0x151: {  	v6 =	vperm.xlane v6, v0;
	v5 =	vperm.xlane v5, v2;
	_ =	sdelay $0x1  }
0x152: {  	v5 =	vsel vm8, v5, v6  }
0x153: {  	v4 =	vadd.s32 v4, v5  }
0x154: {  	v5 =	vshra.s32 v4, $0x6;
	v61 =	vshrl.u32 v4, $0x1F  }
0x155: {  	v5 =	vadd.s32 v61, v5  }
0x156: {  	v62 =	vshra.s32 v5, $0x1F  }
0x157: {  	v7 =	vshrl.u32 v62, $0x19  }
0x158: {  	v7 =	vadd.s32 v7, v5  }
0x159: {  	v4 =	vshra.s32 v4, $0xD;
	v7 =	vshrl.u32 v7, $0x7  }
0x15a: {  	v4 =	vadd.s32 v61, v4;
	v63 =	vshll.u32 v7, $0x7  }
0x15b: {  	v4 =	vshll.u32 v4, $0xA;
	v5 =	vsub.s32 v5, v63  }
0x15c: {  	v4 =	vadd.s32 v5, v4  }
0x15d: {  	[tilespmem:s23+$0x200] =	vst v4;
	v5 =	vadd.s32 $0x80, v4  }
0x15e: {  	[tilespmem:s23+$0x210] =	vst v5;
	v5 =	vadd.s32 $0x100, v4  }
0x15f: {  	[tilespmem:s23+$0x220] =	vst v5;
	v5 =	vadd.s32 $0x180, v4  }
0x160: {  	[tilespmem:s23+$0x230] =	vst v5;
	v5 =	vadd.s32 $0x200, v4  }
0x161: {  	[tilespmem:s23+$0x240] =	vst v5;
	v5 =	vadd.s32 $0x280, v4  }
0x162: {  	[tilespmem:s23+$0x250] =	vst v5;
	v5 =	vadd.s32 $0x300, v4  }
0x163: {  	[tilespmem:s23+$0x260] =	vst v5;
	v5 =	vadd.s32 $0x380, v4  }
0x164: {  	[tilespmem:s23+$0x270] =	vst v5;
	v5 =	vadd.s32 $0x7A1400, v4  }
0x165: {  	[tilespmem:s23+$0x280] =	vst v5;
	v5 =	vadd.s32 $0x7A1480, v4  }
0x166: {  	[tilespmem:s23+$0x290] =	vst v5;
	v5 =	vadd.s32 $0x7A1500, v4  }
0x167: {  	[tilespmem:s23+$0x2A0] =	vst v5;
	v5 =	vadd.s32 $0x7A1580, v4  }
0x168: {  	[tilespmem:s23+$0x2B0] =	vst v5;
	v5 =	vadd.s32 $0x7A1600, v4  }
0x169: {  	[tilespmem:s23+$0x2C0] =	vst v5;
	v5 =	vadd.s32 $0x7A1680, v4  }
0x16a: {  	[tilespmem:s23+$0x2D0] =	vst v5;
	v5 =	vadd.s32 $0x7A1700, v4  }
0x16b: {  	[tilespmem:s23+$0x2E0] =	vst v5;
	v5 =	vadd.s32 $0x7A1780, v4  }
0x16c: {  	[tilespmem:s23+$0x2F0] =	vst v5;
	v5 =	vadd.s32 $0xF42800, v4  }
0x16d: {  	[tilespmem:s23+$0x300] =	vst v5;
	v5 =	vadd.s32 $0xF42880, v4  }
0x16e: {  	[tilespmem:s23+$0x310] =	vst v5;
	v5 =	vadd.s32 $0xF42900, v4  }
0x16f: {  	[tilespmem:s23+$0x320] =	vst v5;
	v5 =	vadd.s32 $0xF42980, v4  }
0x170: {  	[tilespmem:s23+$0x330] =	vst v5;
	v5 =	vadd.s32 $0xF42A00, v4  }
0x171: {  	[tilespmem:s23+$0x340] =	vst v5;
	v5 =	vadd.s32 $0xF42A80, v4  }
0x172: {  	[tilespmem:s23+$0x350] =	vst v5;
	v5 =	vadd.s32 $0xF42B00, v4  }
0x173: {  	[tilespmem:s23+$0x360] =	vst v5;
	v5 =	vadd.s32 $0xF42B80, v4  }
0x174: {  	[tilespmem:s23+$0x370] =	vst v5;
	v5 =	vadd.s32 $0x16E3C00, v4  }
0x175: {  	[tilespmem:s23+$0x380] =	vst v5;
	v5 =	vadd.s32 $0x16E3C80, v4  }
0x176: {  	[tilespmem:s23+$0x390] =	vst v5;
	v5 =	vadd.s32 $0x16E3D00, v4  }
0x177: {  	s20 =	sadd.s32 $0x2, s20;
	[tilespmem:s23+$0x3A0] =	vst v5;
	v5 =	vadd.s32 $0x16E3D80, v4  }
0x178: {  	p0 =	slt.u32 s20, $0x1E;
	[tilespmem:s23+$0x3B0] =	vst v5;
	v5 =	vadd.s32 $0x16E3E00, v4  }
.Ltmp1:
0x179: {  	[tilespmem:s23+$0x3C0] =	vst v5;
	v5 =	vadd.s32 $0x16E3E80, v4;
	(pc) =	sbr.rel @p0 .LBB2_3-.Ltmp1, $4  }
0x17a: {  	[tilespmem:s23+$0x3D0] =	vst v5;
	v5 =	vadd.s32 $0x16E3F00, v4  }
0x17b: {  	s24 =	sadd.s32 $0x20, s24;
	s30 =	sadd.s32 $0x200, s23;
	v4 =	vadd.s32 $0x16E3F80, v4;
	[tilespmem:s23+$0x3E0] =	vst v5  }
0x17c: {  	s31 =	sadd.s32 $0x200, s22;
	s22 =	sadd.s32 $0x400, s22;
	[tilespmem:s23+$0x3F0] =	vst v4;
	s23 =	sadd.s32 $0x400, s23  }
0x17d: {  	[tilespmem:s31], [sflag:$0x2] =	stream.indirect.gather [hbm4b:s1+s9], $0x1, s30, s9, $0xb8;
	[tilespmem:$0x18200] =	vst v63  }
0x17e: {  	_ =	swait.ge [sflag:s10], $0x2000  }
0x17f: {  	s17 =	simm.s32 $0xFFFFFFFE;
	[sflag:s10] =	ssyncset.done $0x0  }
0x180: {  	s18 =	simm.s32 $0x20F;
	s19 =	simm.s32 $0x8A00;
	[sflag:s10] =	ssyncadd.s32 $0xFFFFE000  }
.LBB2_5:
0x181: {  	s0 =	sadd.s32 $0xFFFFFDF1, s18  }
0x182: {  	v4 =	vor.u32 s0, v1  }
0x183: {  	s14 =	sadd.s32 $0xFFFFFDF2, s18;
	v5 =	vor.u32 s0, v3  }
0x184: {  	v6 =	vor.u32 s14, v1  }
0x185: {  	s20 =	sadd.s32 $0xFFFFFDF3, s18;
	v7 =	vor.u32 s14, v3  }
0x186: {  	v8 =	vor.u32 s20, v1  }
0x187: {  	s21 =	sadd.s32 $0xFFFFFDF4, s18;
	v9 =	vor.u32 s20, v3;
	v4 =	vld.idx.msk [tilespmem:v4+s11+$0x0], $0xffff  }
0x188: {  	v10 =	vor.u32 s21, v1;
	v5 =	vld.idx.msk [tilespmem:v5+s11+$0x0], $0xffff  }
0x189: {  	s22 =	sadd.s32 $0xFFFFFDF5, s18;
	v11 =	vor.u32 s21, v3;
	v6 =	vld.idx.msk [tilespmem:v6+s11+$0x0], $0xffff  }
0x18a: {  	v12 =	vor.u32 s22, v1;
	v7 =	vld.idx.msk [tilespmem:v7+s11+$0x0], $0xffff  }
0x18b: {  	s23 =	sadd.s32 $0xFFFFFDF6, s18;
	v13 =	vor.u32 s22, v3;
	v8 =	vld.idx.msk [tilespmem:v8+s11+$0x0], $0xffff  }
0x18c: {  	v14 =	vor.u32 s23, v1;
	v9 =	vld.idx.msk [tilespmem:v9+s11+$0x0], $0xffff  }
0x18d: {  	s24 =	sadd.s32 $0xFFFFFDF7, s18;
	v15 =	vor.u32 s23, v3;
	v10 =	vld.idx.msk [tilespmem:v10+s11+$0x0], $0xffff  }
0x18e: {  	v16 =	vor.u32 s24, v1;
	v11 =	vld.idx.msk [tilespmem:v11+s11+$0x0], $0xffff  }
0x18f: {  	s25 =	sadd.s32 $0xFFFFFDF8, s18;
	v17 =	vor.u32 s24, v3;
	v12 =	vld.idx.msk [tilespmem:v12+s11+$0x0], $0xffff  }
0x190: {  	v18 =	vor.u32 s25, v1;
	v13 =	vld.idx.msk [tilespmem:v13+s11+$0x0], $0xffff  }
0x191: {  	s26 =	sadd.s32 $0xFFFFFDF9, s18;
	v19 =	vor.u32 s25, v3;
	v14 =	vld.idx.msk [tilespmem:v14+s11+$0x0], $0xffff  }
0x192: {  	v20 =	vor.u32 s26, v1;
	v15 =	vld.idx.msk [tilespmem:v15+s11+$0x0], $0xffff  }
0x193: {  	s28 =	sadd.s32 $0xFFFFFDFA, s18;
	v21 =	vor.u32 s26, v3;
	v16 =	vld.idx.msk [tilespmem:v16+s11+$0x0], $0xffff  }
0x194: {  	v22 =	vor.u32 s28, v1;
	v17 =	vld.idx.msk [tilespmem:v17+s11+$0x0], $0xffff  }
0x195: {  	s29 =	sadd.s32 $0xFFFFFDFB, s18;
	v23 =	vor.u32 s28, v3;
	v18 =	vld.idx.msk [tilespmem:v18+s11+$0x0], $0xffff  }
0x196: {  	v24 =	vor.u32 s29, v1;
	v19 =	vld.idx.msk [tilespmem:v19+s11+$0x0], $0xffff  }
0x197: {  	s30 =	sadd.s32 $0xFFFFFDFC, s18;
	v25 =	vor.u32 s29, v3;
	v20 =	vld.idx.msk [tilespmem:v20+s11+$0x0], $0xffff  }
0x198: {  	v26 =	vor.u32 s30, v1;
	v21 =	vld.idx.msk [tilespmem:v21+s11+$0x0], $0xffff  }
0x199: {  	s31 =	sadd.s32 $0xFFFFFDFD, s18;
	v27 =	vor.u32 s30, v3;
	v22 =	vld.idx.msk [tilespmem:v22+s11+$0x0], $0xffff  }
0x19a: {  	v28 =	vor.u32 s31, v1;
	v23 =	vld.idx.msk [tilespmem:v23+s11+$0x0], $0xffff  }
0x19b: {  	s2 =	sadd.s32 $0xFFFFFDFE, s18;
	v29 =	vor.u32 s31, v3;
	v24 =	vld.idx.msk [tilespmem:v24+s11+$0x0], $0xffff  }
0x19c: {  	v30 =	vor.u32 s2, v1;
	v25 =	vld.idx.msk [tilespmem:v25+s11+$0x0], $0xffff  }
0x19d: {  	s4 =	sadd.s32 $0xFFFFFDFF, s18;
	v31 =	vor.u32 s2, v3;
	v26 =	vld.idx.msk [tilespmem:v26+s11+$0x0], $0xffff  }
0x19e: {  	v32 =	vor.u32 s4, v1;
	v27 =	vld.idx.msk [tilespmem:v27+s11+$0x0], $0xffff  }
0x19f: {  	s5 =	sadd.s32 $0xFFFFFE00, s18;
	v33 =	vor.u32 s4, v3;
	v28 =	vld.idx.msk [tilespmem:v28+s11+$0x0], $0xffff  }
0x1a0: {  	v34 =	vor.u32 s5, v1;
	v29 =	vld.idx.msk [tilespmem:v29+s11+$0x0], $0xffff  }
0x1a1: {  	v35 =	vor.u32 s5, v3;
	v30 =	vld.idx.msk [tilespmem:v30+s11+$0x0], $0xffff  }
0x1a2: {  	v31 =	vld.idx.msk [tilespmem:v31+s11+$0x0], $0xffff  }
0x1a3: {  	v32 =	vld.idx.msk [tilespmem:v32+s11+$0x0], $0xffff  }
0x1a4: {  	v33 =	vld.idx.msk [tilespmem:v33+s11+$0x0], $0xffff  }
0x1a5: {  	v34 =	vld.idx.msk [tilespmem:v34+s11+$0x0], $0xffff  }
0x1a6: {  	v35 =	vld.idx.msk [tilespmem:v35+s11+$0x0], $0xffff;
	[tilespmem:s19+$0xFFFFF800] =	vst v4  }
0x1a7: {  	[tilespmem:s19+$0xFFFFF810] =	vst v5  }
0x1a8: {  	[tilespmem:s19+$0xFFFFF880] =	vst v6  }
0x1a9: {  	[tilespmem:s19+$0xFFFFF890] =	vst v7  }
0x1aa: {  	[tilespmem:s19+$0xFFFFF900] =	vst v8  }
0x1ab: {  	[tilespmem:s19+$0xFFFFF910] =	vst v9  }
0x1ac: {  	[tilespmem:s19+$0xFFFFF980] =	vst v10  }
0x1ad: {  	[tilespmem:s19+$0xFFFFF990] =	vst v11  }
0x1ae: {  	[tilespmem:s19+$0xFFFFFA00] =	vst v12  }
0x1af: {  	[tilespmem:s19+$0xFFFFFA10] =	vst v13  }
0x1b0: {  	[tilespmem:s19+$0xFFFFFA80] =	vst v14  }
0x1b1: {  	[tilespmem:s19+$0xFFFFFA90] =	vst v15  }
0x1b2: {  	[tilespmem:s19+$0xFFFFFB00] =	vst v16  }
0x1b3: {  	[tilespmem:s19+$0xFFFFFB10] =	vst v17  }
0x1b4: {  	[tilespmem:s19+$0xFFFFFB80] =	vst v18  }
0x1b5: {  	[tilespmem:s19+$0xFFFFFB90] =	vst v19  }
0x1b6: {  	[tilespmem:s19+$0xFFFFFC00] =	vst v20  }
0x1b7: {  	[tilespmem:s19+$0xFFFFFC10] =	vst v21  }
0x1b8: {  	[tilespmem:s19+$0xFFFFFC80] =	vst v22  }
0x1b9: {  	[tilespmem:s19+$0xFFFFFC90] =	vst v23  }
0x1ba: {  	[tilespmem:s19+$0xFFFFFD00] =	vst v24  }
0x1bb: {  	[tilespmem:s19+$0xFFFFFD10] =	vst v25  }
0x1bc: {  	[tilespmem:s19+$0xFFFFFD80] =	vst v26  }
0x1bd: {  	[tilespmem:s19+$0xFFFFFD90] =	vst v27  }
0x1be: {  	[tilespmem:s19+$0xFFFFFE00] =	vst v28  }
0x1bf: {  	[tilespmem:s19+$0xFFFFFE10] =	vst v29  }
0x1c0: {  	s12 =	sadd.s32 $0xFFFFFFF3, s18;
	[tilespmem:s19+$0xFFFFFE80] =	vst v30  }
0x1c1: {  	v36 =	vor.u32 s12, v1;
	[tilespmem:s19+$0xFFFFFE90] =	vst v31  }
0x1c2: {  	v37 =	vor.u32 s12, v3;
	s14 =	sadd.s32 $0xFFFFFFF4, s18;
	[tilespmem:s19+$0xFFFFFF00] =	vst v32  }
0x1c3: {  	v38 =	vor.u32 s14, v1;
	[tilespmem:s19+$0xFFFFFF10] =	vst v33  }
0x1c4: {  	s20 =	sadd.s32 $0xFFFFFFF5, s18;
	v39 =	vor.u32 s14, v3;
	[tilespmem:s19+$0xFFFFFF80] =	vst v34  }
0x1c5: {  	v40 =	vor.u32 s20, v1;
	[tilespmem:s19+$0xFFFFFF90] =	vst v35  }
0x1c6: {  	s21 =	sadd.s32 $0xFFFFFFF6, s18;
	v41 =	vor.u32 s20, v3;
	v8 =	vld.idx.msk [tilespmem:v36+s11+$0x0], $0xffff  }
0x1c7: {  	v42 =	vor.u32 s21, v1;
	v9 =	vld.idx.msk [tilespmem:v37+s11+$0x0], $0xffff  }
0x1c8: {  	s22 =	sadd.s32 $0xFFFFFFF7, s18;
	v43 =	vor.u32 s21, v3;
	v10 =	vld.idx.msk [tilespmem:v38+s11+$0x0], $0xffff  }
0x1c9: {  	v44 =	vor.u32 s22, v1;
	v11 =	vld.idx.msk [tilespmem:v39+s11+$0x0], $0xffff  }
0x1ca: {  	s23 =	sadd.s32 $0xFFFFFFF8, s18;
	v45 =	vor.u32 s22, v3;
	v12 =	vld.idx.msk [tilespmem:v40+s11+$0x0], $0xffff  }
0x1cb: {  	v46 =	vor.u32 s23, v1;
	v13 =	vld.idx.msk [tilespmem:v41+s11+$0x0], $0xffff  }
0x1cc: {  	s24 =	sadd.s32 $0xFFFFFFF9, s18;
	v47 =	vor.u32 s23, v3;
	v14 =	vld.idx.msk [tilespmem:v42+s11+$0x0], $0xffff  }
0x1cd: {  	v48 =	vor.u32 s24, v1;
	v15 =	vld.idx.msk [tilespmem:v43+s11+$0x0], $0xffff  }
0x1ce: {  	s25 =	sadd.s32 $0xFFFFFFFA, s18;
	v49 =	vor.u32 s24, v3;
	v16 =	vld.idx.msk [tilespmem:v44+s11+$0x0], $0xffff  }
0x1cf: {  	v50 =	vor.u32 s25, v1;
	v17 =	vld.idx.msk [tilespmem:v45+s11+$0x0], $0xffff  }
0x1d0: {  	s26 =	sadd.s32 $0xFFFFFFFB, s18;
	v51 =	vor.u32 s25, v3;
	v18 =	vld.idx.msk [tilespmem:v46+s11+$0x0], $0xffff  }
0x1d1: {  	v52 =	vor.u32 s26, v1;
	v19 =	vld.idx.msk [tilespmem:v47+s11+$0x0], $0xffff  }
0x1d2: {  	s28 =	sadd.s32 $0xFFFFFFFC, s18;
	v53 =	vor.u32 s26, v3;
	v20 =	vld.idx.msk [tilespmem:v48+s11+$0x0], $0xffff  }
0x1d3: {  	v54 =	vor.u32 s28, v1;
	v21 =	vld.idx.msk [tilespmem:v49+s11+$0x0], $0xffff  }
0x1d4: {  	s29 =	sadd.s32 $0xFFFFFFFD, s18;
	v55 =	vor.u32 s28, v3;
	v22 =	vld.idx.msk [tilespmem:v50+s11+$0x0], $0xffff  }
0x1d5: {  	v56 =	vor.u32 s29, v1;
	v23 =	vld.idx.msk [tilespmem:v51+s11+$0x0], $0xffff  }
0x1d6: {  	s30 =	sadd.s32 $0xFFFFFFFE, s18;
	v57 =	vor.u32 s29, v3;
	v24 =	vld.idx.msk [tilespmem:v52+s11+$0x0], $0xffff  }
0x1d7: {  	v58 =	vor.u32 s30, v1;
	v25 =	vld.idx.msk [tilespmem:v53+s11+$0x0], $0xffff  }
0x1d8: {  	s31 =	sadd.s32 $0xFFFFFFFF, s18;
	v59 =	vor.u32 s30, v3;
	v26 =	vld.idx.msk [tilespmem:v54+s11+$0x0], $0xffff  }
0x1d9: {  	v60 =	vor.u32 s31, v1;
	v27 =	vld.idx.msk [tilespmem:v55+s11+$0x0], $0xffff  }
0x1da: {  	s6 =	sadd.s32 $0xFFFFFFF1, s18;
	v63 =	vor.u32 s18, v3;
	v28 =	vld.idx.msk [tilespmem:v56+s11+$0x0], $0xffff  }
0x1db: {  	v4 =	vor.u32 s6, v1;
	v29 =	vld.idx.msk [tilespmem:v57+s11+$0x0], $0xffff  }
0x1dc: {  	s7 =	sadd.s32 $0xFFFFFFF2, s18;
	v5 =	vor.u32 s6, v3;
	v30 =	vld.idx.msk [tilespmem:v58+s11+$0x0], $0xffff  }
0x1dd: {  	v33 =	vor.u32 s7, v1;
	v31 =	vld.idx.msk [tilespmem:v59+s11+$0x0], $0xffff  }
0x1de: {  	v34 =	vor.u32 s7, v3;
	v32 =	vld.idx.msk [tilespmem:v60+s11+$0x0], $0xffff  }
0x1df: {  	v61 =	vor.u32 s31, v3;
	v35 =	vld.idx.msk [tilespmem:v63+s11+$0x0], $0xffff  }
0x1e0: {  	v62 =	vor.u32 s18, v1;
	v4 =	vld.idx.msk [tilespmem:v4+s11+$0x0], $0xffff  }
0x1e1: {  	v5 =	vld.idx.msk [tilespmem:v5+s11+$0x0], $0xffff  }
0x1e2: {  	v6 =	vld.idx.msk [tilespmem:v33+s11+$0x0], $0xffff  }
0x1e3: {  	v7 =	vld.idx.msk [tilespmem:v34+s11+$0x0], $0xffff  }
0x1e4: {  	v33 =	vld.idx.msk [tilespmem:v61+s11+$0x0], $0xffff  }
0x1e5: {  	v34 =	vld.idx.msk [tilespmem:v62+s11+$0x0], $0xffff;
	[tilespmem:s19+$0x100] =	vst v8  }
0x1e6: {  	[tilespmem:s19+$0x110] =	vst v9  }
0x1e7: {  	[tilespmem:s19+$0x180] =	vst v10  }
0x1e8: {  	[tilespmem:s19+$0x190] =	vst v11  }
0x1e9: {  	[tilespmem:s19+$0x200] =	vst v12  }
0x1ea: {  	[tilespmem:s19+$0x210] =	vst v13  }
0x1eb: {  	[tilespmem:s19+$0x280] =	vst v14  }
0x1ec: {  	[tilespmem:s19+$0x290] =	vst v15  }
0x1ed: {  	[tilespmem:s19+$0x300] =	vst v16  }
0x1ee: {  	[tilespmem:s19+$0x310] =	vst v17  }
0x1ef: {  	[tilespmem:s19+$0x380] =	vst v18  }
0x1f0: {  	[tilespmem:s19+$0x390] =	vst v19  }
0x1f1: {  	[tilespmem:s19+$0x400] =	vst v20  }
0x1f2: {  	[tilespmem:s19+$0x410] =	vst v21  }
0x1f3: {  	[tilespmem:s19+$0x480] =	vst v22  }
0x1f4: {  	[tilespmem:s19+$0x490] =	vst v23  }
0x1f5: {  	[tilespmem:s19+$0x500] =	vst v24  }
0x1f6: {  	[tilespmem:s19+$0x510] =	vst v25  }
0x1f7: {  	[tilespmem:s19+$0x580] =	vst v26  }
0x1f8: {  	[tilespmem:s19+$0x590] =	vst v27  }
0x1f9: {  	[tilespmem:s19+$0x600] =	vst v28  }
0x1fa: {  	[tilespmem:s19+$0x610] =	vst v29  }
0x1fb: {  	[tilespmem:s19+$0x680] =	vst v30  }
0x1fc: {  	[tilespmem:s19+$0x690] =	vst v31  }
0x1fd: {  	[tilespmem:s19+$0x700] =	vst v32  }
0x1fe: {  	s17 =	sadd.s32 $0x2, s17;
	[tilespmem:s19+$0x790] =	vst v35  }
0x1ff: {  	p0 =	slt.u32 s17, $0xE;
	[tilespmem:s19+$0x0] =	vst v4  }
.Ltmp2:
0x200: {  	[tilespmem:s19+$0x10] =	vst v5;
	(pc) =	sbr.rel @p0 .LBB2_5-.Ltmp2, $4  }
0x201: {  	[tilespmem:s19+$0x80] =	vst v6  }
0x202: {  	[tilespmem:s19+$0x90] =	vst v7  }
0x203: {  	[tilespmem:s19+$0x710] =	vst v33  }
0x204: {  	s18 =	sadd.s32 $0x400, s18;
	[tilespmem:s19+$0x780] =	vst v34;
	s19 =	sadd.s32 $0x1000, s19  }
0x205: {  	s0 =	rddreg [dreg:$0x5];
	s2 =	simm.s32 $0x8200  }
0x206: {  	[hbm4b:s0+s3] =	stream.linear.scatter [tilespmem:s2], [sflag:$0x3], $0x8000, $0x38;
	[tilespmem:$0x18200] =	vst v63  }
0x207: {  	_ =	swait.ge [sflag:s13], $0x2000  }
0x208: {  	s17 =	simm.s32 $0xE;
	[sflag:s13] =	ssyncset.done $0x0  }
0x209: {  	s18 =	simm.s32 $0x11190;
	s19 =	simm.s32 $0x220F;
	[sflag:s13] =	ssyncadd.s32 $0xFFFFE000  }
.LBB2_7:
0x20a: {  	s0 =	sadd.s32 $0xFFFFFDF1, s19  }
0x20b: {  	v4 =	vor.u32 s0, v1  }
0x20c: {  	s14 =	sadd.s32 $0xFFFFFDF2, s19;
	v5 =	vor.u32 s0, v3  }
0x20d: {  	v6 =	vor.u32 s14, v1  }
0x20e: {  	s20 =	sadd.s32 $0xFFFFFDF3, s19;
	v7 =	vor.u32 s14, v3  }
0x20f: {  	v8 =	vor.u32 s20, v1  }
0x210: {  	s21 =	sadd.s32 $0xFFFFFDF4, s19;
	v9 =	vor.u32 s20, v3;
	v4 =	vld.idx.msk [tilespmem:v4+s11+$0x0], $0xffff  }
0x211: {  	v10 =	vor.u32 s21, v1;
	v5 =	vld.idx.msk [tilespmem:v5+s11+$0x0], $0xffff  }
0x212: {  	s22 =	sadd.s32 $0xFFFFFDF5, s19;
	v11 =	vor.u32 s21, v3;
	v6 =	vld.idx.msk [tilespmem:v6+s11+$0x0], $0xffff  }
0x213: {  	v12 =	vor.u32 s22, v1;
	v7 =	vld.idx.msk [tilespmem:v7+s11+$0x0], $0xffff  }
0x214: {  	s23 =	sadd.s32 $0xFFFFFDF6, s19;
	v13 =	vor.u32 s22, v3;
	v8 =	vld.idx.msk [tilespmem:v8+s11+$0x0], $0xffff  }
0x215: {  	v14 =	vor.u32 s23, v1;
	v9 =	vld.idx.msk [tilespmem:v9+s11+$0x0], $0xffff  }
0x216: {  	s24 =	sadd.s32 $0xFFFFFDF7, s19;
	v15 =	vor.u32 s23, v3;
	v10 =	vld.idx.msk [tilespmem:v10+s11+$0x0], $0xffff  }
0x217: {  	v16 =	vor.u32 s24, v1;
	v11 =	vld.idx.msk [tilespmem:v11+s11+$0x0], $0xffff  }
0x218: {  	s25 =	sadd.s32 $0xFFFFFDF8, s19;
	v17 =	vor.u32 s24, v3;
	v12 =	vld.idx.msk [tilespmem:v12+s11+$0x0], $0xffff  }
0x219: {  	v18 =	vor.u32 s25, v1;
	v13 =	vld.idx.msk [tilespmem:v13+s11+$0x0], $0xffff  }
0x21a: {  	s26 =	sadd.s32 $0xFFFFFDF9, s19;
	v19 =	vor.u32 s25, v3;
	v14 =	vld.idx.msk [tilespmem:v14+s11+$0x0], $0xffff  }
0x21b: {  	v20 =	vor.u32 s26, v1;
	v15 =	vld.idx.msk [tilespmem:v15+s11+$0x0], $0xffff  }
0x21c: {  	s28 =	sadd.s32 $0xFFFFFDFA, s19;
	v21 =	vor.u32 s26, v3;
	v16 =	vld.idx.msk [tilespmem:v16+s11+$0x0], $0xffff  }
0x21d: {  	v22 =	vor.u32 s28, v1;
	v17 =	vld.idx.msk [tilespmem:v17+s11+$0x0], $0xffff  }
0x21e: {  	s29 =	sadd.s32 $0xFFFFFDFB, s19;
	v23 =	vor.u32 s28, v3;
	v18 =	vld.idx.msk [tilespmem:v18+s11+$0x0], $0xffff  }
0x21f: {  	v24 =	vor.u32 s29, v1;
	v19 =	vld.idx.msk [tilespmem:v19+s11+$0x0], $0xffff  }
0x220: {  	s30 =	sadd.s32 $0xFFFFFDFC, s19;
	v25 =	vor.u32 s29, v3;
	v20 =	vld.idx.msk [tilespmem:v20+s11+$0x0], $0xffff  }
0x221: {  	v26 =	vor.u32 s30, v1;
	v21 =	vld.idx.msk [tilespmem:v21+s11+$0x0], $0xffff  }
0x222: {  	s31 =	sadd.s32 $0xFFFFFDFD, s19;
	v27 =	vor.u32 s30, v3;
	v22 =	vld.idx.msk [tilespmem:v22+s11+$0x0], $0xffff  }
0x223: {  	v28 =	vor.u32 s31, v1;
	v23 =	vld.idx.msk [tilespmem:v23+s11+$0x0], $0xffff  }
0x224: {  	s2 =	sadd.s32 $0xFFFFFDFE, s19;
	v29 =	vor.u32 s31, v3;
	v24 =	vld.idx.msk [tilespmem:v24+s11+$0x0], $0xffff  }
0x225: {  	v30 =	vor.u32 s2, v1;
	v25 =	vld.idx.msk [tilespmem:v25+s11+$0x0], $0xffff  }
0x226: {  	s4 =	sadd.s32 $0xFFFFFDFF, s19;
	v31 =	vor.u32 s2, v3;
	v26 =	vld.idx.msk [tilespmem:v26+s11+$0x0], $0xffff  }
0x227: {  	v32 =	vor.u32 s4, v1;
	v27 =	vld.idx.msk [tilespmem:v27+s11+$0x0], $0xffff  }
0x228: {  	s5 =	sadd.s32 $0xFFFFFE00, s19;
	v33 =	vor.u32 s4, v3;
	v28 =	vld.idx.msk [tilespmem:v28+s11+$0x0], $0xffff  }
0x229: {  	v34 =	vor.u32 s5, v1;
	v29 =	vld.idx.msk [tilespmem:v29+s11+$0x0], $0xffff  }
0x22a: {  	v35 =	vor.u32 s5, v3;
	v30 =	vld.idx.msk [tilespmem:v30+s11+$0x0], $0xffff  }
0x22b: {  	v31 =	vld.idx.msk [tilespmem:v31+s11+$0x0], $0xffff  }
0x22c: {  	v32 =	vld.idx.msk [tilespmem:v32+s11+$0x0], $0xffff  }
0x22d: {  	v33 =	vld.idx.msk [tilespmem:v33+s11+$0x0], $0xffff  }
0x22e: {  	v34 =	vld.idx.msk [tilespmem:v34+s11+$0x0], $0xffff  }
0x22f: {  	v35 =	vld.idx.msk [tilespmem:v35+s11+$0x0], $0xffff;
	[tilespmem:s18+$0xFFFFF070] =	vst v4  }
0x230: {  	[tilespmem:s18+$0xFFFFF080] =	vst v5  }
0x231: {  	[tilespmem:s18+$0xFFFFF0F0] =	vst v6  }
0x232: {  	[tilespmem:s18+$0xFFFFF100] =	vst v7  }
0x233: {  	[tilespmem:s18+$0xFFFFF170] =	vst v8  }
0x234: {  	[tilespmem:s18+$0xFFFFF180] =	vst v9  }
0x235: {  	[tilespmem:s18+$0xFFFFF1F0] =	vst v10  }
0x236: {  	[tilespmem:s18+$0xFFFFF200] =	vst v11  }
0x237: {  	[tilespmem:s18+$0xFFFFF270] =	vst v12  }
0x238: {  	[tilespmem:s18+$0xFFFFF280] =	vst v13  }
0x239: {  	[tilespmem:s18+$0xFFFFF2F0] =	vst v14  }
0x23a: {  	[tilespmem:s18+$0xFFFFF300] =	vst v15  }
0x23b: {  	[tilespmem:s18+$0xFFFFF370] =	vst v16  }
0x23c: {  	[tilespmem:s18+$0xFFFFF380] =	vst v17  }
0x23d: {  	[tilespmem:s18+$0xFFFFF3F0] =	vst v18  }
0x23e: {  	[tilespmem:s18+$0xFFFFF400] =	vst v19  }
0x23f: {  	[tilespmem:s18+$0xFFFFF470] =	vst v20  }
0x240: {  	[tilespmem:s18+$0xFFFFF480] =	vst v21  }
0x241: {  	[tilespmem:s18+$0xFFFFF4F0] =	vst v22  }
0x242: {  	[tilespmem:s18+$0xFFFFF500] =	vst v23  }
0x243: {  	[tilespmem:s18+$0xFFFFF570] =	vst v24  }
0x244: {  	[tilespmem:s18+$0xFFFFF580] =	vst v25  }
0x245: {  	[tilespmem:s18+$0xFFFFF5F0] =	vst v26  }
0x246: {  	[tilespmem:s18+$0xFFFFF600] =	vst v27  }
0x247: {  	[tilespmem:s18+$0xFFFFF670] =	vst v28  }
0x248: {  	[tilespmem:s18+$0xFFFFF680] =	vst v29  }
0x249: {  	s12 =	sadd.s32 $0xFFFFFFF3, s19;
	[tilespmem:s18+$0xFFFFF6F0] =	vst v30  }
0x24a: {  	v36 =	vor.u32 s12, v1;
	[tilespmem:s18+$0xFFFFF700] =	vst v31  }
0x24b: {  	v37 =	vor.u32 s12, v3;
	s14 =	sadd.s32 $0xFFFFFFF4, s19;
	[tilespmem:s18+$0xFFFFF770] =	vst v32  }
0x24c: {  	v38 =	vor.u32 s14, v1;
	[tilespmem:s18+$0xFFFFF780] =	vst v33  }
0x24d: {  	s20 =	sadd.s32 $0xFFFFFFF5, s19;
	v39 =	vor.u32 s14, v3;
	[tilespmem:s18+$0xFFFFF7F0] =	vst v34  }
0x24e: {  	v40 =	vor.u32 s20, v1;
	[tilespmem:s18+$0xFFFFF800] =	vst v35  }
0x24f: {  	s21 =	sadd.s32 $0xFFFFFFF6, s19;
	v41 =	vor.u32 s20, v3;
	v8 =	vld.idx.msk [tilespmem:v36+s11+$0x0], $0xffff  }
0x250: {  	v42 =	vor.u32 s21, v1;
	v9 =	vld.idx.msk [tilespmem:v37+s11+$0x0], $0xffff  }
0x251: {  	s22 =	sadd.s32 $0xFFFFFFF7, s19;
	v43 =	vor.u32 s21, v3;
	v10 =	vld.idx.msk [tilespmem:v38+s11+$0x0], $0xffff  }
0x252: {  	v44 =	vor.u32 s22, v1;
	v11 =	vld.idx.msk [tilespmem:v39+s11+$0x0], $0xffff  }
0x253: {  	s23 =	sadd.s32 $0xFFFFFFF8, s19;
	v45 =	vor.u32 s22, v3;
	v12 =	vld.idx.msk [tilespmem:v40+s11+$0x0], $0xffff  }
0x254: {  	v46 =	vor.u32 s23, v1;
	v13 =	vld.idx.msk [tilespmem:v41+s11+$0x0], $0xffff  }
0x255: {  	s24 =	sadd.s32 $0xFFFFFFF9, s19;
	v47 =	vor.u32 s23, v3;
	v14 =	vld.idx.msk [tilespmem:v42+s11+$0x0], $0xffff  }
0x256: {  	v48 =	vor.u32 s24, v1;
	v15 =	vld.idx.msk [tilespmem:v43+s11+$0x0], $0xffff  }
0x257: {  	s25 =	sadd.s32 $0xFFFFFFFA, s19;
	v49 =	vor.u32 s24, v3;
	v16 =	vld.idx.msk [tilespmem:v44+s11+$0x0], $0xffff  }
0x258: {  	v50 =	vor.u32 s25, v1;
	v17 =	vld.idx.msk [tilespmem:v45+s11+$0x0], $0xffff  }
0x259: {  	s26 =	sadd.s32 $0xFFFFFFFB, s19;
	v51 =	vor.u32 s25, v3;
	v18 =	vld.idx.msk [tilespmem:v46+s11+$0x0], $0xffff  }
0x25a: {  	v52 =	vor.u32 s26, v1;
	v19 =	vld.idx.msk [tilespmem:v47+s11+$0x0], $0xffff  }
0x25b: {  	s28 =	sadd.s32 $0xFFFFFFFC, s19;
	v53 =	vor.u32 s26, v3;
	v20 =	vld.idx.msk [tilespmem:v48+s11+$0x0], $0xffff  }
0x25c: {  	v54 =	vor.u32 s28, v1;
	v21 =	vld.idx.msk [tilespmem:v49+s11+$0x0], $0xffff  }
0x25d: {  	s29 =	sadd.s32 $0xFFFFFFFD, s19;
	v55 =	vor.u32 s28, v3;
	v22 =	vld.idx.msk [tilespmem:v50+s11+$0x0], $0xffff  }
0x25e: {  	v56 =	vor.u32 s29, v1;
	v23 =	vld.idx.msk [tilespmem:v51+s11+$0x0], $0xffff  }
0x25f: {  	s30 =	sadd.s32 $0xFFFFFFFE, s19;
	v57 =	vor.u32 s29, v3;
	v24 =	vld.idx.msk [tilespmem:v52+s11+$0x0], $0xffff  }
0x260: {  	v58 =	vor.u32 s30, v1;
	v25 =	vld.idx.msk [tilespmem:v53+s11+$0x0], $0xffff  }
0x261: {  	s31 =	sadd.s32 $0xFFFFFFFF, s19;
	v59 =	vor.u32 s30, v3;
	v26 =	vld.idx.msk [tilespmem:v54+s11+$0x0], $0xffff  }
0x262: {  	v60 =	vor.u32 s31, v1;
	v27 =	vld.idx.msk [tilespmem:v55+s11+$0x0], $0xffff  }
0x263: {  	s6 =	sadd.s32 $0xFFFFFFF1, s19;
	v63 =	vor.u32 s19, v3;
	v28 =	vld.idx.msk [tilespmem:v56+s11+$0x0], $0xffff  }
0x264: {  	v4 =	vor.u32 s6, v1;
	v29 =	vld.idx.msk [tilespmem:v57+s11+$0x0], $0xffff  }
0x265: {  	s7 =	sadd.s32 $0xFFFFFFF2, s19;
	v5 =	vor.u32 s6, v3;
	v30 =	vld.idx.msk [tilespmem:v58+s11+$0x0], $0xffff  }
0x266: {  	v33 =	vor.u32 s7, v1;
	v31 =	vld.idx.msk [tilespmem:v59+s11+$0x0], $0xffff  }
0x267: {  	v34 =	vor.u32 s7, v3;
	v32 =	vld.idx.msk [tilespmem:v60+s11+$0x0], $0xffff  }
0x268: {  	v61 =	vor.u32 s31, v3;
	v35 =	vld.idx.msk [tilespmem:v63+s11+$0x0], $0xffff  }
0x269: {  	v62 =	vor.u32 s19, v1;
	v4 =	vld.idx.msk [tilespmem:v4+s11+$0x0], $0xffff  }
0x26a: {  	v5 =	vld.idx.msk [tilespmem:v5+s11+$0x0], $0xffff  }
0x26b: {  	v6 =	vld.idx.msk [tilespmem:v33+s11+$0x0], $0xffff  }
0x26c: {  	v7 =	vld.idx.msk [tilespmem:v34+s11+$0x0], $0xffff  }
0x26d: {  	v33 =	vld.idx.msk [tilespmem:v61+s11+$0x0], $0xffff  }
0x26e: {  	v34 =	vld.idx.msk [tilespmem:v62+s11+$0x0], $0xffff;
	[tilespmem:s18+$0xFFFFF970] =	vst v8  }
0x26f: {  	[tilespmem:s18+$0xFFFFF980] =	vst v9  }
0x270: {  	[tilespmem:s18+$0xFFFFF9F0] =	vst v10  }
0x271: {  	[tilespmem:s18+$0xFFFFFA00] =	vst v11  }
0x272: {  	[tilespmem:s18+$0xFFFFFA70] =	vst v12  }
0x273: {  	[tilespmem:s18+$0xFFFFFA80] =	vst v13  }
0x274: {  	[tilespmem:s18+$0xFFFFFAF0] =	vst v14  }
0x275: {  	[tilespmem:s18+$0xFFFFFB00] =	vst v15  }
0x276: {  	[tilespmem:s18+$0xFFFFFB70] =	vst v16  }
0x277: {  	[tilespmem:s18+$0xFFFFFB80] =	vst v17  }
0x278: {  	[tilespmem:s18+$0xFFFFFBF0] =	vst v18  }
0x279: {  	[tilespmem:s18+$0xFFFFFC00] =	vst v19  }
0x27a: {  	[tilespmem:s18+$0xFFFFFC70] =	vst v20  }
0x27b: {  	[tilespmem:s18+$0xFFFFFC80] =	vst v21  }
0x27c: {  	[tilespmem:s18+$0xFFFFFCF0] =	vst v22  }
0x27d: {  	[tilespmem:s18+$0xFFFFFD00] =	vst v23  }
0x27e: {  	[tilespmem:s18+$0xFFFFFD70] =	vst v24  }
0x27f: {  	[tilespmem:s18+$0xFFFFFD80] =	vst v25  }
0x280: {  	[tilespmem:s18+$0xFFFFFDF0] =	vst v26  }
0x281: {  	[tilespmem:s18+$0xFFFFFE00] =	vst v27  }
0x282: {  	[tilespmem:s18+$0xFFFFFE70] =	vst v28  }
0x283: {  	[tilespmem:s18+$0xFFFFFE80] =	vst v29  }
0x284: {  	[tilespmem:s18+$0xFFFFFEF0] =	vst v30  }
0x285: {  	[tilespmem:s18+$0xFFFFFF00] =	vst v31  }
0x286: {  	[tilespmem:s18+$0xFFFFFF70] =	vst v32  }
0x287: {  	s17 =	sadd.s32 $0x2, s17;
	[tilespmem:s18+$0x0] =	vst v35  }
0x288: {  	p0 =	slt.u32 s17, $0x1E;
	[tilespmem:s18+$0xFFFFF870] =	vst v4  }
.Ltmp3:
0x289: {  	[tilespmem:s18+$0xFFFFF880] =	vst v5;
	(pc) =	sbr.rel @p0 .LBB2_7-.Ltmp3, $4  }
0x28a: {  	[tilespmem:s18+$0xFFFFF8F0] =	vst v6  }
0x28b: {  	[tilespmem:s18+$0xFFFFF900] =	vst v7  }
0x28c: {  	[tilespmem:s18+$0xFFFFFF80] =	vst v33  }
0x28d: {  	s19 =	sadd.s32 $0x400, s19;
	[tilespmem:s18+$0xFFFFFFF0] =	vst v34;
	s18 =	sadd.s32 $0x1000, s18  }
0x28e: {  	s0 =	rddreg [dreg:$0x6];
	s2 =	simm.s32 $0x10200  }
0x28f: {  	[hbm4b:s0+s3] =	stream.linear.scatter [tilespmem:s2], [sflag:$0x3], $0x8000, $0x38;
	[tilespmem:$0x18200] =	vst v63  }
0x290: {  	_ =	swait.ge [sflag:s15], $0x8000  }
0x291: {  	[sflag:s15] =	ssyncset.done $0x0  }
0x292: {  	[sflag:s15] =	ssyncadd.s32 $0xFFFF8000  }
0x293: {  	_ =	swait.ge [sflag:s15], $0x8000  }
0x294: {  	s16 =	sadd.s32 $0x1, s16;
	s31 =	rddreg [dreg:$0x7]  }
0x295: {  	p0 =	sne.s32 s16, s31  }
.Ltmp4:
0x296: {  	_ = 	snop;
	(pc) =	sbr.rel @p0 .LBB2_1-.Ltmp4, $3  }
0x297: {  	_ =	sdelay $0x1  }
0x298: {  	[sflag:s15] =	ssyncset.done $0x0  }
0x299: {  	[sflag:s15] =	ssyncadd.s32 $0xFFFF8000  }
0x29a: {  	_ =	sfence.sel $0x180000  }
0x29b: {  	[bflag:$0x0] =	sbarrier.arrive $0xFFFF  }
0x29c: {  	_ =	strace $0x90000047  }
0x29d: {  	s0 =	stileid.u32;
	[bflag:$0x2] =	sbarrier.arrive $0xFFFF  }
0x29e: {  	p0 =	sne.s32 s0, $0x0;
	s0 =	rddreg [dreg:$0x3]  }
0x29f: {  	s0 =	sadd.s32 @!p0 $0x100000, s0  }
0x2a0: {  	[sflag:s0] =	ssyncadd.tile.s32 @!p0 $0x1;
	_ =	shalt  }
.Lfunc_end2:
_tile_overlayer_lowered:
.L_overlay_start_2:
0x2a1: {  	(tag) =	ssettag $0x2  }
0x2a2: {  	s0 =	rddreg [dreg:$0x0];
	s2 =	stileid.u32  }
0x2a3: {  	s1 =	rddreg [dreg:$0x1];
	p0 =	sne.s32 s2, $0x0  }
0x2a4: {  	s3 =	rddreg [dreg:$0x2];
	[bflag:$0x3] =	sbarrier.arrive $0xFFFF;
	s2 =	simm.s32 @!p0 $0x1C04  }
0x2a5: {  	[timem:s3], [sflag:s2] =	dma.local @!p0 [hbm:s0], s1  }
0x2a6: {  	s0 =	simm.s32 @!p0 $0x4  }
0x2a7: {  	_ =	swait.ge @!p0 [sflag:s0], s1  }
0x2a8: {  	s1 =	ssub.s32 @!p0 $0x0, s1;
	[sflag:s0] =	ssyncset.done @!p0 $0x0  }
0x2a9: {  	[sflag:s0] =	ssyncadd.s32 @!p0 s1  }
0x2aa: {  	[bflag:$0x3] =	sbarrier.arrive $0xFFFF  }
0x2ab: {  	_ =	shalt  }

</sc_bundles>
